<compile_context>
chip_gen: v7x
topology: tpu7x:2x2x1
jax: 0.10.2.dev20260603
libtpu: 0.0.44.dev20260713+nightly
codegen_flags: <defaults>
</compile_context>

<pallas_src>
import functools

import jax
import jax.numpy as jnp
from jax import lax
from jax.experimental import pallas as pl
from jax.experimental.pallas import tpu as pltpu
from jax.experimental.pallas import tpu_sc as plsc

N = 10000
D = 128
E = 320000
ROWS = 10240
STRIPE = ROWS // 16
CHUNK = 128
CPW = 80
SEG = 40
NSEG = CPW // SEG
EP = 32 * CPW * CHUNK
BLK = 1024
GRID = ROWS // BLK

_mesh = plsc.VectorSubcoreMesh(
    core_axis_name="c", subcore_axis_name="s", num_cores=2, num_subcores=16)


def _deg_counts(dst4, zerosD, ones128):

    @functools.partial(
        pl.kernel,
        out_type=jax.ShapeDtypeStruct((2, ROWS, D), jnp.float32),
        mesh=_mesh,
        scratch_types=[
            pltpu.VMEM((SEG, CHUNK), jnp.int32),
            pltpu.VMEM((CHUNK, D), jnp.float32),
            pltpu.VMEM_SHARED((ROWS, D), jnp.float32),
            pltpu.SemaphoreType.DMA,
            pltpu.SemaphoreType.DMA,
        ],
    )
    def k(dst_hbm, z_hbm, ones_hbm, out_hbm, dst_v, ones_v, acc, sa, i_s):
        c = lax.axis_index("c")
        s = lax.axis_index("s")
        w = c * 16 + s
        r0 = s * STRIPE
        ini = pltpu.async_copy(z_hbm, acc.at[pl.ds(r0, STRIPE)], i_s)
        pltpu.sync_copy(ones_hbm, ones_v)
        pltpu.sync_copy(dst_hbm.at[w].at[pl.ds(0, SEG)], dst_v)
        ini.wait()
        plsc.subcore_barrier()

        @pl.loop(0, NSEG)
        def _(g):
            @pl.when(g > 0)
            def _():
                pltpu.sync_copy(dst_hbm.at[w].at[pl.ds(g * SEG, SEG)], dst_v)

            @pl.loop(0, SEG // 8)
            def _(q):
                for i in range(8):
                    pltpu.async_copy(
                        ones_v, acc.at[dst_v.at[q * 8 + i]], sa, add=True)
                for i in range(8):
                    pltpu.make_async_copy(
                        ones_v, acc.at[dst_v.at[q * 8 + i]], sa).wait()

        plsc.subcore_barrier()
        pltpu.sync_copy(acc.at[pl.ds(r0, STRIPE)],
                        out_hbm.at[c].at[pl.ds(r0, STRIPE)])

    return k(dst4, zerosD, ones128)


def _edge_scatter(y, src4, dst4):

    @functools.partial(
        pl.kernel,
        out_type=jax.ShapeDtypeStruct((2, ROWS, D), jnp.float32),
        mesh=_mesh,
        scratch_types=[
            pltpu.VMEM((SEG, CHUNK), jnp.int32),
            pltpu.VMEM((SEG, CHUNK), jnp.int32),
            pltpu.VMEM((CHUNK, D), jnp.float32),
            pltpu.VMEM((CHUNK, D), jnp.float32),
            pltpu.VMEM_SHARED((ROWS, D), jnp.float32),
            pltpu.SemaphoreType.DMA,
            pltpu.SemaphoreType.DMA,
            pltpu.SemaphoreType.DMA,
            pltpu.SemaphoreType.DMA,
            pltpu.SemaphoreType.DMA,
        ],
    )
    def k(y_hbm, src_hbm, dst_hbm, out_hbm, src_v, dst_v, bufa, bufb, acc,
          ga_s, gb_s, sa_s, sb_s, i_s):
        c = lax.axis_index("c")
        s = lax.axis_index("s")
        w = c * 16 + s
        r0 = s * STRIPE
        ini = pltpu.async_copy(
            y_hbm.at[pl.ds(r0, STRIPE)], acc.at[pl.ds(r0, STRIPE)], i_s)
        pltpu.sync_copy(src_hbm.at[w].at[pl.ds(0, SEG)], src_v)
        pltpu.sync_copy(dst_hbm.at[w].at[pl.ds(0, SEG)], dst_v)
        ini.wait()
        plsc.subcore_barrier()

        @pl.loop(0, NSEG)
        def _(g):
            @pl.when(g > 0)
            def _():
                pltpu.sync_copy(src_hbm.at[w].at[pl.ds(g * SEG, SEG)], src_v)
                pltpu.sync_copy(dst_hbm.at[w].at[pl.ds(g * SEG, SEG)], dst_v)

            @pl.loop(0, SEG // 2)
            def _(p):
                ga = pltpu.async_copy(y_hbm.at[src_v.at[2 * p]], bufa, ga_s)
                gb = pltpu.async_copy(
                    y_hbm.at[src_v.at[2 * p + 1]], bufb, gb_s)
                ga.wait()
                sa = pltpu.async_copy(
                    bufa, acc.at[dst_v.at[2 * p]], sa_s, add=True)
                gb.wait()
                sb = pltpu.async_copy(
                    bufb, acc.at[dst_v.at[2 * p + 1]], sb_s, add=True)
                sa.wait()
                sb.wait()

        plsc.subcore_barrier()
        pltpu.sync_copy(acc.at[pl.ds(r0, STRIPE)],
                        out_hbm.at[c].at[pl.ds(r0, STRIPE)])

    return k(y, src4, dst4)


_row_spec = pl.BlockSpec((BLK, D), lambda i: (i, 0))
_pair_spec = pl.BlockSpec((2, BLK, D), lambda i: (0, i, 0))
_w_spec = pl.BlockSpec((D, D), lambda i: (0, 0))
_vec_spec = pl.BlockSpec((1, D), lambda i: (0, 0))
_deg_spec = pl.BlockSpec((2, BLK, D), lambda i: (0, i, 0))


def _layer_norm(h, g, b):
    mu = jnp.mean(h, axis=1, keepdims=True)
    var = jnp.mean((h - mu) ** 2, axis=1, keepdims=True)
    return (h - mu) / jnp.sqrt(var + 1e-5) * g + b


def _tc_matmul0(xp, W0):

    def body(x_ref, w_ref, o_ref):
        o_ref[...] = jnp.dot(
            x_ref[...], w_ref[...], preferred_element_type=jnp.float32)

    return pl.pallas_call(
        body,
        grid=(GRID,),
        in_specs=[_row_spec, _w_spec],
        out_specs=_row_spec,
        out_shape=jax.ShapeDtypeStruct((ROWS, D), jnp.float32),
    )(xp, W0)


def _tc_first(xw0, degp):

    def body(xw_ref, dg_ref, dis_ref, y_ref):
        deg = dg_ref[0, :, 0:1] + dg_ref[1, :, 0:1] + 1.0
        dis = lax.rsqrt(deg)
        dis_ref[...] = jnp.broadcast_to(dis, (BLK, D))
        y_ref[...] = xw_ref[...] * dis

    return pl.pallas_call(
        body,
        grid=(GRID,),
        in_specs=[_row_spec, _deg_spec],
        out_specs=[_row_spec, _row_spec],
        out_shape=[
            jax.ShapeDtypeStruct((ROWS, D), jnp.float32),
            jax.ShapeDtypeStruct((ROWS, D), jnp.float32),
        ],
    )(xw0, degp)


def _tc_mid1(s0, y0, dis_b, b0, g1, be1, W1):

    def body(s_ref, y0_ref, dis_ref, b_ref, g_ref, be_ref, w_ref,
             h1_ref, y_ref):
        dis = dis_ref[...]
        agg = s_ref[0] + s_ref[1] - y0_ref[...]
        h1 = jnp.maximum(dis * agg + b_ref[...], 0.0)
        h1_ref[...] = h1
        t = _layer_norm(h1, g_ref[...], be_ref[...])
        y_ref[...] = jnp.dot(
            t, w_ref[...], preferred_element_type=jnp.float32) * dis

    return pl.pallas_call(
        body,
        grid=(GRID,),
        in_specs=[_pair_spec, _row_spec, _row_spec, _vec_spec, _vec_spec,
                  _vec_spec, _w_spec],
        out_specs=[_row_spec, _row_spec],
        out_shape=[
            jax.ShapeDtypeStruct((ROWS, D), jnp.float32),
            jax.ShapeDtypeStruct((ROWS, D), jnp.float32),
        ],
    )(s0, y0, dis_b, b0, g1, be1, W1)


def _tc_mid2(s1, y1, dis_b, b1, h1, W2):

    def body(s_ref, y1_ref, dis_ref, b_ref, h1_ref, w_ref, y_ref):
        dis = dis_ref[...]
        agg = s_ref[0] + s_ref[1] - y1_ref[...]
        h2 = jnp.maximum(dis * agg + b_ref[...], 0.0) + h1_ref[...]
        y_ref[...] = jnp.dot(
            h2, w_ref[...], preferred_element_type=jnp.float32) * dis

    return pl.pallas_call(
        body,
        grid=(GRID,),
        in_specs=[_pair_spec, _row_spec, _row_spec, _vec_spec, _row_spec,
                  _w_spec],
        out_specs=_row_spec,
        out_shape=jax.ShapeDtypeStruct((ROWS, D), jnp.float32),
    )(s1, y1, dis_b, b1, h1, W2)


def _tc_final(s2, y2, dis_b, b2, gf, bef):

    def body(s_ref, y2_ref, dis_ref, b_ref, g_ref, be_ref, o_ref):
        agg = s_ref[0] + s_ref[1] - y2_ref[...]
        h3 = dis_ref[...] * agg + b_ref[...]
        o_ref[...] = _layer_norm(h3, g_ref[...], be_ref[...])

    return pl.pallas_call(
        body,
        grid=(GRID,),
        in_specs=[_pair_spec, _row_spec, _row_spec, _vec_spec, _vec_spec,
                  _vec_spec],
        out_specs=_row_spec,
        out_shape=jax.ShapeDtypeStruct((ROWS, D), jnp.float32),
    )(s2, y2, dis_b, b2, gf, bef)


def kernel(x, edge_index, W0, b0, W1, b1, W2, b2, ln1_g, ln1_b, lnf_g, lnf_b):
    ei = edge_index.astype(jnp.int32)
    src, dst = ei[0], ei[1]
    padn = EP - E
    pad_i = jnp.arange(padn, dtype=jnp.int32)
    pad_src = (pad_i * 97) % N
    pad_dst = N + pad_i % (ROWS - N)
    src4 = jnp.concatenate([src, pad_src]).reshape(32, CPW, CHUNK)
    dst4 = jnp.concatenate([dst, pad_dst]).reshape(32, CPW, CHUNK)
    xp = jnp.pad(x, ((0, ROWS - N), (0, 0)))
    zerosD = jnp.zeros((STRIPE, D), jnp.float32)
    ones128 = jnp.ones((CHUNK, D), jnp.float32)
    b0r = b0.reshape(1, D)
    b1r = b1.reshape(1, D)
    b2r = b2.reshape(1, D)
    g1r = ln1_g.reshape(1, D)
    be1r = ln1_b.reshape(1, D)
    gfr = lnf_g.reshape(1, D)
    befr = lnf_b.reshape(1, D)

    degp = _deg_counts(dst4, zerosD, ones128)
    xw0 = _tc_matmul0(xp, W0)
    dis_b, y0 = _tc_first(xw0, degp)
    s0 = _edge_scatter(y0, src4, dst4)
    h1, y1 = _tc_mid1(s0, y0, dis_b, b0r, g1r, be1r, W1)
    s1 = _edge_scatter(y1, src4, dst4)
    y2 = _tc_mid2(s1, y1, dis_b, b1r, h1, W2)
    s2 = _edge_scatter(y2, src4, dst4)
    out = _tc_final(s2, y2, dis_b, b2r, gfr, befr)
    return out[:N]

# --- scband reference (transcript-rebuilt; emitter-appended) ---
"""Pipeline reference for scband-arithmetic-circuit-gnn-57329223467299 (READ-ONLY COPY).

The authoritative reference and input builder live on the scoring server;
editing this copy changes nothing except your own understanding.
"""

import jax, jax.numpy as jnp
import numpy as np

N_NODES = 10000
D_IN = 128
D_HID = 128
D_EMB = 128
N_EDGES = 320000


def gcn_conv(x, edge_index, W, b, num_nodes):
    # PyG GCNConv: x' = D^{-1/2} (A + I) D^{-1/2} X W + b
    x = x @ W
    src = edge_index[0]
    dst = edge_index[1]
    loop = jnp.arange(num_nodes, dtype=edge_index.dtype)
    src = jnp.concatenate([src, loop])
    dst = jnp.concatenate([dst, loop])
    ones = jnp.ones(src.shape[0], dtype=x.dtype)
    deg = jnp.zeros(num_nodes, dtype=x.dtype).at[dst].add(ones)
    dis = jnp.where(deg > 0, 1.0 / jnp.sqrt(deg), 0.0)
    norm = dis[src] * dis[dst]
    msg = x[src] * norm[:, None]
    out = jnp.zeros((num_nodes, x.shape[1]), dtype=x.dtype).at[dst].add(msg)
    return out + b


def layer_norm(x, gamma, beta, eps=1e-5):
    mu = jnp.mean(x, axis=-1, keepdims=True)
    var = jnp.mean((x - mu) ** 2, axis=-1, keepdims=True)
    return (x - mu) / jnp.sqrt(var + eps) * gamma + beta


def setup_inputs(seed: int = 0) -> dict:
    key = jax.random.key(seed)
    ks = [jax.random.fold_in(key, i) for i in range(10)]
    x = jax.random.normal(ks[0], (N_NODES, D_IN), dtype=jnp.float32)
    edge_index = jax.random.randint(ks[1], (2, N_EDGES), 0, N_NODES, dtype=jnp.int64)
    s0 = 1.0 / np.sqrt(D_IN)
    s1 = 1.0 / np.sqrt(D_HID)
    W0 = jax.random.normal(ks[2], (D_IN, D_HID), dtype=jnp.float32) * s0
    b0 = jnp.zeros((D_HID,), dtype=jnp.float32)
    W1 = jax.random.normal(ks[3], (D_HID, D_HID), dtype=jnp.float32) * s1
    b1 = jnp.zeros((D_HID,), dtype=jnp.float32)
    W2 = jax.random.normal(ks[4], (D_HID, D_EMB), dtype=jnp.float32) * s1
    b2 = jnp.zeros((D_EMB,), dtype=jnp.float32)
    ln1_g = jnp.ones((D_HID,), dtype=jnp.float32)
    ln1_b = jnp.zeros((D_HID,), dtype=jnp.float32)
    lnf_g = jnp.ones((D_EMB,), dtype=jnp.float32)
    lnf_b = jnp.zeros((D_EMB,), dtype=jnp.float32)
    return {"x": x, "edge_index": edge_index, "W0": W0, "b0": b0, "W1": W1, "b1": b1, "W2": W2, "b2": b2, "ln1_g": ln1_g, "ln1_b": ln1_b, "lnf_g": lnf_g, "lnf_b": lnf_b}


def reference(x, edge_index, W0, b0, W1, b1, W2, b2, ln1_g, ln1_b, lnf_g, lnf_b):
    n = x.shape[0]
    h = jax.nn.relu(gcn_conv(x, edge_index, W0, b0, n))
    # middle layer with pre-LN residual (num_gnn_layers=3 -> one middle conv)
    identity = h
    h = layer_norm(h, ln1_g, ln1_b)
    h = jax.nn.relu(gcn_conv(h, edge_index, W1, b1, n))
    h = h + identity
    h = gcn_conv(h, edge_index, W2, b2, n)
    h = layer_norm(h, lnf_g, lnf_b)
    return h

if __name__ == "__main__":
    import jax
    _d = setup_inputs()
    print(jax.jit(kernel)(*tuple(_d.values())))

</pallas_src>

<mosaic_0001>
#map = affine_map<(d0, d1) -> (0, 0)>
#map1 = affine_map<(d0, d1) -> (0, 0, 0)>
module attributes {stable_mosaic.version = 14 : i64} {
  func.func @k(%arg0: i32, %arg1: i32, %arg2: memref<10240x128xf32, #tpu.memory_space<hbm>>, %arg3: memref<32x80x128xi32, #tpu.memory_space<hbm>>, %arg4: memref<32x80x128xi32, #tpu.memory_space<hbm>>, %arg5: memref<2x10240x128xf32, #tpu.memory_space<hbm>>, %arg6: memref<40x128xi32, #tpu.memory_space<vmem>>, %arg7: memref<40x128xi32, #tpu.memory_space<vmem>>, %arg8: memref<128x128xf32, #tpu.memory_space<vmem>>, %arg9: memref<128x128xf32, #tpu.memory_space<vmem>>, %arg10: memref<10240x128xf32, #tpu.memory_space<vmem_shared>>, %arg11: memref<!tpu.dma_semaphore, #tpu.memory_space<semaphore_mem>>, %arg12: memref<!tpu.dma_semaphore, #tpu.memory_space<semaphore_mem>>, %arg13: memref<!tpu.dma_semaphore, #tpu.memory_space<semaphore_mem>>, %arg14: memref<!tpu.dma_semaphore, #tpu.memory_space<semaphore_mem>>, %arg15: memref<!tpu.dma_semaphore, #tpu.memory_space<semaphore_mem>>) attributes {dimension_semantics = [#tpu.dimension_semantics<core_parallel>, #tpu.dimension_semantics<subcore_parallel>], iteration_bounds = array<i64: 2, 16>, scalar_prefetch = 0 : i64, scratch_operands = 10 : i64, tpu.core_type = #tpu.core_type<sc_vector_subcore>, window_params = [{transform_indices = #map}, {transform_indices = #map1}, {transform_indices = #map1}, {transform_indices = #map1}]} {
    %mul3A = arith.constant 16 : i32
    %mul3A_0 = arith.muli %arg0, %mul3A : i32
    %add3A = arith.addi %mul3A_0, %arg1 : i32
    %mul3A_1 = arith.constant 640 : i32
    %mul3A_2 = arith.muli %arg1, %mul3A_1 : i32
    %dma_start3A = arith.constant 0 : i32
    %dma_start3A_3 = tpu.memref_slice %arg10[%mul3A_2, %dma_start3A] : memref<10240x128xf32, #tpu.memory_space<vmem_shared>> -> memref<640x128xf32, #tpu.memory_space<vmem_shared>>
    %dma_start3A_4 = arith.constant 0 : i32
    %dma_start3A_5 = tpu.memref_slice %arg2[%mul3A_2, %dma_start3A_4] : memref<10240x128xf32, #tpu.memory_space<hbm>> -> memref<640x128xf32, #tpu.memory_space<hbm>>
    tpu.enqueue_dma source(%dma_start3A_5 : memref<640x128xf32, #tpu.memory_space<hbm>>) target(%dma_start3A_3 : memref<640x128xf32, #tpu.memory_space<vmem_shared>>) target_semaphore(%arg15 : memref<!tpu.dma_semaphore, #tpu.memory_space<semaphore_mem>>)
    "tpu.region"() ({
      %run_scoped3A = tpu.sem_alloc : memref<!tpu.dma_semaphore, #tpu.memory_space<semaphore_mem>>
      %dma_start3A_14 = arith.constant 0 : i32
      %dma_start3A_15 = arith.constant 0 : i32
      %dma_start3A_16 = tpu.memref_slice %arg3[%add3A, %dma_start3A_14, %dma_start3A_15] : memref<32x80x128xi32, #tpu.memory_space<hbm>> -> memref<1x80x128xi32, #tpu.memory_space<hbm>>
      %dma_start3A_17 = tpu.memref_squeeze %dma_start3A_16 : memref<1x80x128xi32, #tpu.memory_space<hbm>> -> memref<80x128xi32, #tpu.memory_space<hbm>>
      %dma_start3A_18 = arith.constant 0 : i32
      %dma_start3A_19 = arith.constant 0 : i32
      %dma_start3A_20 = tpu.memref_slice %dma_start3A_17[%dma_start3A_18, %dma_start3A_19] : memref<80x128xi32, #tpu.memory_space<hbm>> -> memref<40x128xi32, #tpu.memory_space<hbm>>
      %dma_start3A_21 = arith.constant 0 : i32
      %dma_start3A_22 = arith.constant 0 : i32
      %dma_start3A_23 = tpu.memref_slice %arg3[%add3A, %dma_start3A_21, %dma_start3A_22] : memref<32x80x128xi32, #tpu.memory_space<hbm>> -> memref<1x80x128xi32, #tpu.memory_space<hbm>>
      %dma_start3A_24 = tpu.memref_squeeze %dma_start3A_23 : memref<1x80x128xi32, #tpu.memory_space<hbm>> -> memref<80x128xi32, #tpu.memory_space<hbm>>
      %dma_start3A_25 = arith.constant 0 : i32
      %dma_start3A_26 = arith.constant 0 : i32
      %dma_start3A_27 = tpu.memref_slice %dma_start3A_24[%dma_start3A_25, %dma_start3A_26] : memref<80x128xi32, #tpu.memory_space<hbm>> -> memref<40x128xi32, #tpu.memory_space<hbm>>
      tpu.enqueue_dma source(%dma_start3A_27 : memref<40x128xi32, #tpu.memory_space<hbm>>) target(%arg6 : memref<40x128xi32, #tpu.memory_space<vmem>>) target_semaphore(%run_scoped3A : memref<!tpu.dma_semaphore, #tpu.memory_space<semaphore_mem>>)
      %dma_wait3A_28 = arith.constant 0 : i32
      %dma_wait3A_29 = arith.constant 0 : i32
      %dma_wait3A_30 = tpu.memref_slice %arg3[%add3A, %dma_wait3A_28, %dma_wait3A_29] : memref<32x80x128xi32, #tpu.memory_space<hbm>> -> memref<1x80x128xi32, #tpu.memory_space<hbm>>
      %dma_wait3A_31 = tpu.memref_squeeze %dma_wait3A_30 : memref<1x80x128xi32, #tpu.memory_space<hbm>> -> memref<80x128xi32, #tpu.memory_space<hbm>>
      %dma_wait3A_32 = arith.constant 0 : i32
      %dma_wait3A_33 = arith.constant 0 : i32
      %dma_wait3A_34 = tpu.memref_slice %dma_wait3A_31[%dma_wait3A_32, %dma_wait3A_33] : memref<80x128xi32, #tpu.memory_space<hbm>> -> memref<40x128xi32, #tpu.memory_space<hbm>>
      %dma_wait3A_35 = arith.constant 0 : i32
      %dma_wait3A_36 = arith.constant 0 : i32
      %dma_wait3A_37 = tpu.memref_slice %arg3[%add3A, %dma_wait3A_35, %dma_wait3A_36] : memref<32x80x128xi32, #tpu.memory_space<hbm>> -> memref<1x80x128xi32, #tpu.memory_space<hbm>>
      %dma_wait3A_38 = tpu.memref_squeeze %dma_wait3A_37 : memref<1x80x128xi32, #tpu.memory_space<hbm>> -> memref<80x128xi32, #tpu.memory_space<hbm>>
      %dma_wait3A_39 = arith.constant 0 : i32
      %dma_wait3A_40 = arith.constant 0 : i32
      %dma_wait3A_41 = tpu.memref_slice %dma_wait3A_38[%dma_wait3A_39, %dma_wait3A_40] : memref<80x128xi32, #tpu.memory_space<hbm>> -> memref<40x128xi32, #tpu.memory_space<hbm>>
      tpu.wait_dma2 semaphore(%run_scoped3A : memref<!tpu.dma_semaphore, #tpu.memory_space<semaphore_mem>>) src(%dma_wait3A_41 : memref<40x128xi32, #tpu.memory_space<hbm>>) dst(%arg6 : memref<40x128xi32, #tpu.memory_space<vmem>>)
      tpu.yield
    }) : () -> ()
    "tpu.region"() ({
      %run_scoped3A = tpu.sem_alloc : memref<!tpu.dma_semaphore, #tpu.memory_space<semaphore_mem>>
      %dma_start3A_14 = arith.constant 0 : i32
      %dma_start3A_15 = arith.constant 0 : i32
      %dma_start3A_16 = tpu.memref_slice %arg4[%add3A, %dma_start3A_14, %dma_start3A_15] : memref<32x80x128xi32, #tpu.memory_space<hbm>> -> memref<1x80x128xi32, #tpu.memory_space<hbm>>
      %dma_start3A_17 = tpu.memref_squeeze %dma_start3A_16 : memref<1x80x128xi32, #tpu.memory_space<hbm>> -> memref<80x128xi32, #tpu.memory_space<hbm>>
      %dma_start3A_18 = arith.constant 0 : i32
      %dma_start3A_19 = arith.constant 0 : i32
      %dma_start3A_20 = tpu.memref_slice %dma_start3A_17[%dma_start3A_18, %dma_start3A_19] : memref<80x128xi32, #tpu.memory_space<hbm>> -> memref<40x128xi32, #tpu.memory_space<hbm>>
      %dma_start3A_21 = arith.constant 0 : i32
      %dma_start3A_22 = arith.constant 0 : i32
      %dma_start3A_23 = tpu.memref_slice %arg4[%add3A, %dma_start3A_21, %dma_start3A_22] : memref<32x80x128xi32, #tpu.memory_space<hbm>> -> memref<1x80x128xi32, #tpu.memory_space<hbm>>
      %dma_start3A_24 = tpu.memref_squeeze %dma_start3A_23 : memref<1x80x128xi32, #tpu.memory_space<hbm>> -> memref<80x128xi32, #tpu.memory_space<hbm>>
      %dma_start3A_25 = arith.constant 0 : i32
      %dma_start3A_26 = arith.constant 0 : i32
      %dma_start3A_27 = tpu.memref_slice %dma_start3A_24[%dma_start3A_25, %dma_start3A_26] : memref<80x128xi32, #tpu.memory_space<hbm>> -> memref<40x128xi32, #tpu.memory_space<hbm>>
      tpu.enqueue_dma source(%dma_start3A_27 : memref<40x128xi32, #tpu.memory_space<hbm>>) target(%arg7 : memref<40x128xi32, #tpu.memory_space<vmem>>) target_semaphore(%run_scoped3A : memref<!tpu.dma_semaphore, #tpu.memory_space<semaphore_mem>>)
      %dma_wait3A_28 = arith.constant 0 : i32
      %dma_wait3A_29 = arith.constant 0 : i32
      %dma_wait3A_30 = tpu.memref_slice %arg4[%add3A, %dma_wait3A_28, %dma_wait3A_29] : memref<32x80x128xi32, #tpu.memory_space<hbm>> -> memref<1x80x128xi32, #tpu.memory_space<hbm>>
      %dma_wait3A_31 = tpu.memref_squeeze %dma_wait3A_30 : memref<1x80x128xi32, #tpu.memory_space<hbm>> -> memref<80x128xi32, #tpu.memory_space<hbm>>
      %dma_wait3A_32 = arith.constant 0 : i32
      %dma_wait3A_33 = arith.constant 0 : i32
      %dma_wait3A_34 = tpu.memref_slice %dma_wait3A_31[%dma_wait3A_32, %dma_wait3A_33] : memref<80x128xi32, #tpu.memory_space<hbm>> -> memref<40x128xi32, #tpu.memory_space<hbm>>
      %dma_wait3A_35 = arith.constant 0 : i32
      %dma_wait3A_36 = arith.constant 0 : i32
      %dma_wait3A_37 = tpu.memref_slice %arg4[%add3A, %dma_wait3A_35, %dma_wait3A_36] : memref<32x80x128xi32, #tpu.memory_space<hbm>> -> memref<1x80x128xi32, #tpu.memory_space<hbm>>
      %dma_wait3A_38 = tpu.memref_squeeze %dma_wait3A_37 : memref<1x80x128xi32, #tpu.memory_space<hbm>> -> memref<80x128xi32, #tpu.memory_space<hbm>>
      %dma_wait3A_39 = arith.constant 0 : i32
      %dma_wait3A_40 = arith.constant 0 : i32
      %dma_wait3A_41 = tpu.memref_slice %dma_wait3A_38[%dma_wait3A_39, %dma_wait3A_40] : memref<80x128xi32, #tpu.memory_space<hbm>> -> memref<40x128xi32, #tpu.memory_space<hbm>>
      tpu.wait_dma2 semaphore(%run_scoped3A : memref<!tpu.dma_semaphore, #tpu.memory_space<semaphore_mem>>) src(%dma_wait3A_41 : memref<40x128xi32, #tpu.memory_space<hbm>>) dst(%arg7 : memref<40x128xi32, #tpu.memory_space<vmem>>)
      tpu.yield
    }) : () -> ()
    %dma_wait3A = arith.constant 0 : i32
    %dma_wait3A_6 = tpu.memref_slice %arg10[%mul3A_2, %dma_wait3A] : memref<10240x128xf32, #tpu.memory_space<vmem_shared>> -> memref<640x128xf32, #tpu.memory_space<vmem_shared>>
    %dma_wait3A_7 = arith.constant 0 : i32
    %dma_wait3A_8 = tpu.memref_slice %arg2[%mul3A_2, %dma_wait3A_7] : memref<10240x128xf32, #tpu.memory_space<hbm>> -> memref<640x128xf32, #tpu.memory_space<hbm>>
    tpu.wait_dma2 semaphore(%arg15 : memref<!tpu.dma_semaphore, #tpu.memory_space<semaphore_mem>>) src(%dma_wait3A_8 : memref<640x128xf32, #tpu.memory_space<hbm>>) dst(%dma_wait3A_6 : memref<640x128xf32, #tpu.memory_space<vmem_shared>>)
    %barrier3A = arith.constant 0 : index
    tpu.barrier barrier_id(%barrier3A)
    %scan3A = arith.constant 0 : i32
    %scan3A_9 = arith.constant 2 : i32
    %scan3A_10 = arith.addi %scan3A, %scan3A_9 : i32
    %scan3A_11 = arith.constant 1 : i32
    scf.for %scan3A_14 = %scan3A to %scan3A_10 step %scan3A_11  : i32 {
      %mul3A_15 = arith.constant 1 : i32
      %mul3A_16 = arith.muli %scan3A_14, %mul3A_15 : i32
      %add3A_17 = arith.constant 0 : i32
      %add3A_18 = arith.addi %add3A_17, %mul3A_16 : i32
      %gt3A = arith.constant 0 : i32
      %gt3A_19 = arith.cmpi sgt, %add3A_18, %gt3A : i32
      %convert_element_type3A = arith.extui %gt3A_19 : i1 to i32
      %cond3A = arith.constant 0 : i32
      %cond3A_20 = arith.cmpi ne, %convert_element_type3A, %cond3A : i32
      scf.if %cond3A_20 {
        %mul3A_26 = arith.constant 40 : i32
        %mul3A_27 = arith.muli %add3A_18, %mul3A_26 : i32
        "tpu.region"() ({
          %run_scoped3A = tpu.sem_alloc : memref<!tpu.dma_semaphore, #tpu.memory_space<semaphore_mem>>
          %dma_start3A_30 = arith.constant 0 : i32
          %dma_start3A_31 = arith.constant 0 : i32
          %dma_start3A_32 = tpu.memref_slice %arg3[%add3A, %dma_start3A_30, %dma_start3A_31] : memref<32x80x128xi32, #tpu.memory_space<hbm>> -> memref<1x80x128xi32, #tpu.memory_space<hbm>>
          %dma_start3A_33 = tpu.memref_squeeze %dma_start3A_32 : memref<1x80x128xi32, #tpu.memory_space<hbm>> -> memref<80x128xi32, #tpu.memory_space<hbm>>
          %dma_start3A_34 = arith.constant 0 : i32
          %dma_start3A_35 = tpu.memref_slice %dma_start3A_33[%mul3A_27, %dma_start3A_34] : memref<80x128xi32, #tpu.memory_space<hbm>> -> memref<40x128xi32, #tpu.memory_space<hbm>>
          %dma_start3A_36 = arith.constant 0 : i32
          %dma_start3A_37 = arith.constant 0 : i32
          %dma_start3A_38 = tpu.memref_slice %arg3[%add3A, %dma_start3A_36, %dma_start3A_37] : memref<32x80x128xi32, #tpu.memory_space<hbm>> -> memref<1x80x128xi32, #tpu.memory_space<hbm>>
          %dma_start3A_39 = tpu.memref_squeeze %dma_start3A_38 : memref<1x80x128xi32, #tpu.memory_space<hbm>> -> memref<80x128xi32, #tpu.memory_space<hbm>>
          %dma_start3A_40 = arith.constant 0 : i32
          %dma_start3A_41 = tpu.memref_slice %dma_start3A_39[%mul3A_27, %dma_start3A_40] : memref<80x128xi32, #tpu.memory_space<hbm>> -> memref<40x128xi32, #tpu.memory_space<hbm>>
          tpu.enqueue_dma source(%dma_start3A_41 : memref<40x128xi32, #tpu.memory_space<hbm>>) target(%arg6 : memref<40x128xi32, #tpu.memory_space<vmem>>) target_semaphore(%run_scoped3A : memref<!tpu.dma_semaphore, #tpu.memory_space<semaphore_mem>>)
          %dma_wait3A_42 = arith.constant 0 : i32
          %dma_wait3A_43 = arith.constant 0 : i32
          %dma_wait3A_44 = tpu.memref_slice %arg3[%add3A, %dma_wait3A_42, %dma_wait3A_43] : memref<32x80x128xi32, #tpu.memory_space<hbm>> -> memref<1x80x128xi32, #tpu.memory_space<hbm>>
          %dma_wait3A_45 = tpu.memref_squeeze %dma_wait3A_44 : memref<1x80x128xi32, #tpu.memory_space<hbm>> -> memref<80x128xi32, #tpu.memory_space<hbm>>
          %dma_wait3A_46 = arith.constant 0 : i32
          %dma_wait3A_47 = tpu.memref_slice %dma_wait3A_45[%mul3A_27, %dma_wait3A_46] : memref<80x128xi32, #tpu.memory_space<hbm>> -> memref<40x128xi32, #tpu.memory_space<hbm>>
          %dma_wait3A_48 = arith.constant 0 : i32
          %dma_wait3A_49 = arith.constant 0 : i32
          %dma_wait3A_50 = tpu.memref_slice %arg3[%add3A, %dma_wait3A_48, %dma_wait3A_49] : memref<32x80x128xi32, #tpu.memory_space<hbm>> -> memref<1x80x128xi32, #tpu.memory_space<hbm>>
          %dma_wait3A_51 = tpu.memref_squeeze %dma_wait3A_50 : memref<1x80x128xi32, #tpu.memory_space<hbm>> -> memref<80x128xi32, #tpu.memory_space<hbm>>
          %dma_wait3A_52 = arith.constant 0 : i32
          %dma_wait3A_53 = tpu.memref_slice %dma_wait3A_51[%mul3A_27, %dma_wait3A_52] : memref<80x128xi32, #tpu.memory_space<hbm>> -> memref<40x128xi32, #tpu.memory_space<hbm>>
          tpu.wait_dma2 semaphore(%run_scoped3A : memref<!tpu.dma_semaphore, #tpu.memory_space<semaphore_mem>>) src(%dma_wait3A_53 : memref<40x128xi32, #tpu.memory_space<hbm>>) dst(%arg6 : memref<40x128xi32, #tpu.memory_space<vmem>>)
          tpu.yield
        }) : () -> ()
        %mul3A_28 = arith.constant 40 : i32
        %mul3A_29 = arith.muli %add3A_18, %mul3A_28 : i32
        "tpu.region"() ({
          %run_scoped3A = tpu.sem_alloc : memref<!tpu.dma_semaphore, #tpu.memory_space<semaphore_mem>>
          %dma_start3A_30 = arith.constant 0 : i32
          %dma_start3A_31 = arith.constant 0 : i32
          %dma_start3A_32 = tpu.memref_slice %arg4[%add3A, %dma_start3A_30, %dma_start3A_31] : memref<32x80x128xi32, #tpu.memory_space<hbm>> -> memref<1x80x128xi32, #tpu.memory_space<hbm>>
          %dma_start3A_33 = tpu.memref_squeeze %dma_start3A_32 : memref<1x80x128xi32, #tpu.memory_space<hbm>> -> memref<80x128xi32, #tpu.memory_space<hbm>>
          %dma_start3A_34 = arith.constant 0 : i32
          %dma_start3A_35 = tpu.memref_slice %dma_start3A_33[%mul3A_29, %dma_start3A_34] : memref<80x128xi32, #tpu.memory_space<hbm>> -> memref<40x128xi32, #tpu.memory_space<hbm>>
          %dma_start3A_36 = arith.constant 0 : i32
          %dma_start3A_37 = arith.constant 0 : i32
          %dma_start3A_38 = tpu.memref_slice %arg4[%add3A, %dma_start3A_36, %dma_start3A_37] : memref<32x80x128xi32, #tpu.memory_space<hbm>> -> memref<1x80x128xi32, #tpu.memory_space<hbm>>
          %dma_start3A_39 = tpu.memref_squeeze %dma_start3A_38 : memref<1x80x128xi32, #tpu.memory_space<hbm>> -> memref<80x128xi32, #tpu.memory_space<hbm>>
          %dma_start3A_40 = arith.constant 0 : i32
          %dma_start3A_41 = tpu.memref_slice %dma_start3A_39[%mul3A_29, %dma_start3A_40] : memref<80x128xi32, #tpu.memory_space<hbm>> -> memref<40x128xi32, #tpu.memory_space<hbm>>
          tpu.enqueue_dma source(%dma_start3A_41 : memref<40x128xi32, #tpu.memory_space<hbm>>) target(%arg7 : memref<40x128xi32, #tpu.memory_space<vmem>>) target_semaphore(%run_scoped3A : memref<!tpu.dma_semaphore, #tpu.memory_space<semaphore_mem>>)
          %dma_wait3A_42 = arith.constant 0 : i32
          %dma_wait3A_43 = arith.constant 0 : i32
          %dma_wait3A_44 = tpu.memref_slice %arg4[%add3A, %dma_wait3A_42, %dma_wait3A_43] : memref<32x80x128xi32, #tpu.memory_space<hbm>> -> memref<1x80x128xi32, #tpu.memory_space<hbm>>
          %dma_wait3A_45 = tpu.memref_squeeze %dma_wait3A_44 : memref<1x80x128xi32, #tpu.memory_space<hbm>> -> memref<80x128xi32, #tpu.memory_space<hbm>>
          %dma_wait3A_46 = arith.constant 0 : i32
          %dma_wait3A_47 = tpu.memref_slice %dma_wait3A_45[%mul3A_29, %dma_wait3A_46] : memref<80x128xi32, #tpu.memory_space<hbm>> -> memref<40x128xi32, #tpu.memory_space<hbm>>
          %dma_wait3A_48 = arith.constant 0 : i32
          %dma_wait3A_49 = arith.constant 0 : i32
          %dma_wait3A_50 = tpu.memref_slice %arg4[%add3A, %dma_wait3A_48, %dma_wait3A_49] : memref<32x80x128xi32, #tpu.memory_space<hbm>> -> memref<1x80x128xi32, #tpu.memory_space<hbm>>
          %dma_wait3A_51 = tpu.memref_squeeze %dma_wait3A_50 : memref<1x80x128xi32, #tpu.memory_space<hbm>> -> memref<80x128xi32, #tpu.memory_space<hbm>>
          %dma_wait3A_52 = arith.constant 0 : i32
          %dma_wait3A_53 = tpu.memref_slice %dma_wait3A_51[%mul3A_29, %dma_wait3A_52] : memref<80x128xi32, #tpu.memory_space<hbm>> -> memref<40x128xi32, #tpu.memory_space<hbm>>
          tpu.wait_dma2 semaphore(%run_scoped3A : memref<!tpu.dma_semaphore, #tpu.memory_space<semaphore_mem>>) src(%dma_wait3A_53 : memref<40x128xi32, #tpu.memory_space<hbm>>) dst(%arg7 : memref<40x128xi32, #tpu.memory_space<vmem>>)
          tpu.yield
        }) : () -> ()
      } else {
      }
      %scan3A_21 = arith.constant 0 : i32
      %scan3A_22 = arith.constant 20 : i32
      %scan3A_23 = arith.addi %scan3A_21, %scan3A_22 : i32
      %scan3A_24 = arith.constant 1 : i32
      scf.for %scan3A_26 = %scan3A_21 to %scan3A_23 step %scan3A_24  : i32 {
        %mul3A_27 = arith.constant 1 : i32
        %mul3A_28 = arith.muli %scan3A_26, %mul3A_27 : i32
        %add3A_29 = arith.constant 0 : i32
        %add3A_30 = arith.addi %add3A_29, %mul3A_28 : i32
        %mul3A_31 = arith.constant 2 : i32
        %mul3A_32 = arith.muli %mul3A_31, %add3A_30 : i32
        %dma_start3A_33 = arith.constant 0 : i32
        %dma_start3A_34 = tpu.memref_slice %arg6[%mul3A_32, %dma_start3A_33] : memref<40x128xi32, #tpu.memory_space<vmem>> -> memref<1x128xi32, #tpu.memory_space<vmem>>
        %dma_start3A_35 = tpu.memref_squeeze %dma_start3A_34 : memref<1x128xi32, #tpu.memory_space<vmem>> -> memref<128xi32, #tpu.memory_space<vmem>>
        %dma_start3A_36 = arith.constant 0 : i32
        %dma_start3A_37 = arith.constant 0 : i32
        %dma_start3A_38 = tpu.memref_slice %arg2[%dma_start3A_36, %dma_start3A_37] : memref<10240x128xf32, #tpu.memory_space<hbm>> -> memref<10240x128xf32, #tpu.memory_space<hbm>>
        tpu.enqueue_indirect_dma source(%dma_start3A_38 : memref<10240x128xf32, #tpu.memory_space<hbm>>) target(%arg8 : memref<128x128xf32, #tpu.memory_space<vmem>>) offsets(%dma_start3A_35 : memref<128xi32, #tpu.memory_space<vmem>>) semaphore(%arg11 : memref<!tpu.dma_semaphore, #tpu.memory_space<semaphore_mem>>)
        %mul3A_39 = arith.constant 2 : i32
        %mul3A_40 = arith.muli %mul3A_39, %add3A_30 : i32
        %add3A_41 = arith.constant 1 : i32
        %add3A_42 = arith.addi %mul3A_40, %add3A_41 : i32
        %dma_start3A_43 = arith.constant 0 : i32
        %dma_start3A_44 = tpu.memref_slice %arg6[%add3A_42, %dma_start3A_43] : memref<40x128xi32, #tpu.memory_space<vmem>> -> memref<1x128xi32, #tpu.memory_space<vmem>>
        %dma_start3A_45 = tpu.memref_squeeze %dma_start3A_44 : memref<1x128xi32, #tpu.memory_space<vmem>> -> memref<128xi32, #tpu.memory_space<vmem>>
        %dma_start3A_46 = arith.constant 0 : i32
        %dma_start3A_47 = arith.constant 0 : i32
        %dma_start3A_48 = tpu.memref_slice %arg2[%dma_start3A_46, %dma_start3A_47] : memref<10240x128xf32, #tpu.memory_space<hbm>> -> memref<10240x128xf32, #tpu.memory_space<hbm>>
        tpu.enqueue_indirect_dma source(%dma_start3A_48 : memref<10240x128xf32, #tpu.memory_space<hbm>>) target(%arg9 : memref<128x128xf32, #tpu.memory_space<vmem>>) offsets(%dma_start3A_45 : memref<128xi32, #tpu.memory_space<vmem>>) semaphore(%arg12 : memref<!tpu.dma_semaphore, #tpu.memory_space<semaphore_mem>>)
        %dma_wait3A_49 = arith.constant 0 : i32
        %dma_wait3A_50 = tpu.memref_slice %arg6[%mul3A_32, %dma_wait3A_49] : memref<40x128xi32, #tpu.memory_space<vmem>> -> memref<1x128xi32, #tpu.memory_space<vmem>>
        %dma_wait3A_51 = tpu.memref_squeeze %dma_wait3A_50 : memref<1x128xi32, #tpu.memory_space<vmem>> -> memref<128xi32, #tpu.memory_space<vmem>>
        %dma_wait3A_52 = arith.constant 0 : i32
        %dma_wait3A_53 = arith.constant 0 : i32
        %dma_wait3A_54 = tpu.memref_slice %arg2[%dma_wait3A_52, %dma_wait3A_53] : memref<10240x128xf32, #tpu.memory_space<hbm>> -> memref<10240x128xf32, #tpu.memory_space<hbm>>
        tpu.wait_indirect_dma semaphore(%arg11 : memref<!tpu.dma_semaphore, #tpu.memory_space<semaphore_mem>>) src(%dma_wait3A_54 : memref<10240x128xf32, #tpu.memory_space<hbm>>) dst(%arg8 : memref<128x128xf32, #tpu.memory_space<vmem>>)
        %mul3A_55 = arith.constant 2 : i32
        %mul3A_56 = arith.muli %mul3A_55, %add3A_30 : i32
        %dma_start3A_57 = arith.constant 0 : i32
        %dma_start3A_58 = tpu.memref_slice %arg7[%mul3A_56, %dma_start3A_57] : memref<40x128xi32, #tpu.memory_space<vmem>> -> memref<1x128xi32, #tpu.memory_space<vmem>>
        %dma_start3A_59 = tpu.memref_squeeze %dma_start3A_58 : memref<1x128xi32, #tpu.memory_space<vmem>> -> memref<128xi32, #tpu.memory_space<vmem>>
        %dma_start3A_60 = arith.constant 0 : i32
        %dma_start3A_61 = arith.constant 0 : i32
        %dma_start3A_62 = tpu.memref_slice %arg10[%dma_start3A_60, %dma_start3A_61] : memref<10240x128xf32, #tpu.memory_space<vmem_shared>> -> memref<10240x128xf32, #tpu.memory_space<vmem_shared>>
        tpu.enqueue_indirect_dma source(%arg8 : memref<128x128xf32, #tpu.memory_space<vmem>>) target(%dma_start3A_62 : memref<10240x128xf32, #tpu.memory_space<vmem_shared>>) offsets(%dma_start3A_59 : memref<128xi32, #tpu.memory_space<vmem>>) semaphore(%arg13 : memref<!tpu.dma_semaphore, #tpu.memory_space<semaphore_mem>>) {add = true}
        %dma_wait3A_63 = arith.constant 0 : i32
        %dma_wait3A_64 = tpu.memref_slice %arg6[%add3A_42, %dma_wait3A_63] : memref<40x128xi32, #tpu.memory_space<vmem>> -> memref<1x128xi32, #tpu.memory_space<vmem>>
        %dma_wait3A_65 = tpu.memref_squeeze %dma_wait3A_64 : memref<1x128xi32, #tpu.memory_space<vmem>> -> memref<128xi32, #tpu.memory_space<vmem>>
        %dma_wait3A_66 = arith.constant 0 : i32
        %dma_wait3A_67 = arith.constant 0 : i32
        %dma_wait3A_68 = tpu.memref_slice %arg2[%dma_wait3A_66, %dma_wait3A_67] : memref<10240x128xf32, #tpu.memory_space<hbm>> -> memref<10240x128xf32, #tpu.memory_space<hbm>>
        tpu.wait_indirect_dma semaphore(%arg12 : memref<!tpu.dma_semaphore, #tpu.memory_space<semaphore_mem>>) src(%dma_wait3A_68 : memref<10240x128xf32, #tpu.memory_space<hbm>>) dst(%arg9 : memref<128x128xf32, #tpu.memory_space<vmem>>)
        %mul3A_69 = arith.constant 2 : i32
        %mul3A_70 = arith.muli %mul3A_69, %add3A_30 : i32
        %add3A_71 = arith.constant 1 : i32
        %add3A_72 = arith.addi %mul3A_70, %add3A_71 : i32
        %dma_start3A_73 = arith.constant 0 : i32
        %dma_start3A_74 = tpu.memref_slice %arg7[%add3A_72, %dma_start3A_73] : memref<40x128xi32, #tpu.memory_space<vmem>> -> memref<1x128xi32, #tpu.memory_space<vmem>>
        %dma_start3A_75 = tpu.memref_squeeze %dma_start3A_74 : memref<1x128xi32, #tpu.memory_space<vmem>> -> memref<128xi32, #tpu.memory_space<vmem>>
        %dma_start3A_76 = arith.constant 0 : i32
        %dma_start3A_77 = arith.constant 0 : i32
        %dma_start3A_78 = tpu.memref_slice %arg10[%dma_start3A_76, %dma_start3A_77] : memref<10240x128xf32, #tpu.memory_space<vmem_shared>> -> memref<10240x128xf32, #tpu.memory_space<vmem_shared>>
        tpu.enqueue_indirect_dma source(%arg9 : memref<128x128xf32, #tpu.memory_space<vmem>>) target(%dma_start3A_78 : memref<10240x128xf32, #tpu.memory_space<vmem_shared>>) offsets(%dma_start3A_75 : memref<128xi32, #tpu.memory_space<vmem>>) semaphore(%arg14 : memref<!tpu.dma_semaphore, #tpu.memory_space<semaphore_mem>>) {add = true}
        %dma_wait3A_79 = arith.constant 0 : i32
        %dma_wait3A_80 = tpu.memref_slice %arg7[%mul3A_56, %dma_wait3A_79] : memref<40x128xi32, #tpu.memory_space<vmem>> -> memref<1x128xi32, #tpu.memory_space<vmem>>
        %dma_wait3A_81 = tpu.memref_squeeze %dma_wait3A_80 : memref<1x128xi32, #tpu.memory_space<vmem>> -> memref<128xi32, #tpu.memory_space<vmem>>
        %dma_wait3A_82 = arith.constant 0 : i32
        %dma_wait3A_83 = arith.constant 0 : i32
        %dma_wait3A_84 = tpu.memref_slice %arg10[%dma_wait3A_82, %dma_wait3A_83] : memref<10240x128xf32, #tpu.memory_space<vmem_shared>> -> memref<10240x128xf32, #tpu.memory_space<vmem_shared>>
        tpu.wait_indirect_dma semaphore(%arg13 : memref<!tpu.dma_semaphore, #tpu.memory_space<semaphore_mem>>) src(%arg8 : memref<128x128xf32, #tpu.memory_space<vmem>>) dst(%dma_wait3A_84 : memref<10240x128xf32, #tpu.memory_space<vmem_shared>>)
        %dma_wait3A_85 = arith.constant 0 : i32
        %dma_wait3A_86 = tpu.memref_slice %arg7[%add3A_72, %dma_wait3A_85] : memref<40x128xi32, #tpu.memory_space<vmem>> -> memref<1x128xi32, #tpu.memory_space<vmem>>
        %dma_wait3A_87 = tpu.memref_squeeze %dma_wait3A_86 : memref<1x128xi32, #tpu.memory_space<vmem>> -> memref<128xi32, #tpu.memory_space<vmem>>
        %dma_wait3A_88 = arith.constant 0 : i32
        %dma_wait3A_89 = arith.constant 0 : i32
        %dma_wait3A_90 = tpu.memref_slice %arg10[%dma_wait3A_88, %dma_wait3A_89] : memref<10240x128xf32, #tpu.memory_space<vmem_shared>> -> memref<10240x128xf32, #tpu.memory_space<vmem_shared>>
        tpu.wait_indirect_dma semaphore(%arg14 : memref<!tpu.dma_semaphore, #tpu.memory_space<semaphore_mem>>) src(%arg9 : memref<128x128xf32, #tpu.memory_space<vmem>>) dst(%dma_wait3A_90 : memref<10240x128xf32, #tpu.memory_space<vmem_shared>>)
      }
      %scan3A_25 = arith.constant 20 : i32
    }
    %scan3A_12 = arith.constant 2 : i32
    %barrier3A_13 = arith.constant 0 : index
    tpu.barrier barrier_id(%barrier3A_13)
    "tpu.region"() ({
      %run_scoped3A = tpu.sem_alloc : memref<!tpu.dma_semaphore, #tpu.memory_space<semaphore_mem>>
      %dma_start3A_14 = arith.constant 0 : i32
      %dma_start3A_15 = arith.constant 0 : i32
      %dma_start3A_16 = tpu.memref_slice %arg5[%arg0, %dma_start3A_14, %dma_start3A_15] : memref<2x10240x128xf32, #tpu.memory_space<hbm>> -> memref<1x10240x128xf32, #tpu.memory_space<hbm>>
      %dma_start3A_17 = tpu.memref_squeeze %dma_start3A_16 : memref<1x10240x128xf32, #tpu.memory_space<hbm>> -> memref<10240x128xf32, #tpu.memory_space<hbm>>
      %dma_start3A_18 = arith.constant 0 : i32
      %dma_start3A_19 = tpu.memref_slice %dma_start3A_17[%mul3A_2, %dma_start3A_18] : memref<10240x128xf32, #tpu.memory_space<hbm>> -> memref<640x128xf32, #tpu.memory_space<hbm>>
      %dma_start3A_20 = arith.constant 0 : i32
      %dma_start3A_21 = tpu.memref_slice %arg10[%mul3A_2, %dma_start3A_20] : memref<10240x128xf32, #tpu.memory_space<vmem_shared>> -> memref<640x128xf32, #tpu.memory_space<vmem_shared>>
      tpu.enqueue_dma source(%dma_start3A_21 : memref<640x128xf32, #tpu.memory_space<vmem_shared>>) target(%dma_start3A_19 : memref<640x128xf32, #tpu.memory_space<hbm>>) target_semaphore(%run_scoped3A : memref<!tpu.dma_semaphore, #tpu.memory_space<semaphore_mem>>)
      %dma_wait3A_22 = arith.constant 0 : i32
      %dma_wait3A_23 = arith.constant 0 : i32
      %dma_wait3A_24 = tpu.memref_slice %arg5[%arg0, %dma_wait3A_22, %dma_wait3A_23] : memref<2x10240x128xf32, #tpu.memory_space<hbm>> -> memref<1x10240x128xf32, #tpu.memory_space<hbm>>
      %dma_wait3A_25 = tpu.memref_squeeze %dma_wait3A_24 : memref<1x10240x128xf32, #tpu.memory_space<hbm>> -> memref<10240x128xf32, #tpu.memory_space<hbm>>
      %dma_wait3A_26 = arith.constant 0 : i32
      %dma_wait3A_27 = tpu.memref_slice %dma_wait3A_25[%mul3A_2, %dma_wait3A_26] : memref<10240x128xf32, #tpu.memory_space<hbm>> -> memref<640x128xf32, #tpu.memory_space<hbm>>
      %dma_wait3A_28 = arith.constant 0 : i32
      %dma_wait3A_29 = tpu.memref_slice %arg10[%mul3A_2, %dma_wait3A_28] : memref<10240x128xf32, #tpu.memory_space<vmem_shared>> -> memref<640x128xf32, #tpu.memory_space<vmem_shared>>
      tpu.wait_dma2 semaphore(%run_scoped3A : memref<!tpu.dma_semaphore, #tpu.memory_space<semaphore_mem>>) src(%dma_wait3A_29 : memref<640x128xf32, #tpu.memory_space<vmem_shared>>) dst(%dma_wait3A_27 : memref<640x128xf32, #tpu.memory_space<hbm>>)
      tpu.yield
    }) : () -> ()
    return
  }
}

#map = affine_map<(d0, d1) -> (0, 0, 0)>
#map1 = affine_map<(d0, d1) -> (0, 0)>
module attributes {stable_mosaic.version = 14 : i64} {
  func.func @k(%arg0: i32, %arg1: i32, %arg2: memref<32x80x128xi32, #tpu.memory_space<hbm>>, %arg3: memref<640x128xf32, #tpu.memory_space<hbm>>, %arg4: memref<128x128xf32, #tpu.memory_space<hbm>>, %arg5: memref<2x10240x128xf32, #tpu.memory_space<hbm>>, %arg6: memref<40x128xi32, #tpu.memory_space<vmem>>, %arg7: memref<128x128xf32, #tpu.memory_space<vmem>>, %arg8: memref<10240x128xf32, #tpu.memory_space<vmem_shared>>, %arg9: memref<!tpu.dma_semaphore, #tpu.memory_space<semaphore_mem>>, %arg10: memref<!tpu.dma_semaphore, #tpu.memory_space<semaphore_mem>>) attributes {dimension_semantics = [#tpu.dimension_semantics<core_parallel>, #tpu.dimension_semantics<subcore_parallel>], iteration_bounds = array<i64: 2, 16>, scalar_prefetch = 0 : i64, scratch_operands = 5 : i64, tpu.core_type = #tpu.core_type<sc_vector_subcore>, window_params = [{transform_indices = #map}, {transform_indices = #map1}, {transform_indices = #map1}, {transform_indices = #map}]} {
    %mul3A = arith.constant 16 : i32
    %mul3A_0 = arith.muli %arg0, %mul3A : i32
    %add3A = arith.addi %mul3A_0, %arg1 : i32
    %mul3A_1 = arith.constant 640 : i32
    %mul3A_2 = arith.muli %arg1, %mul3A_1 : i32
    %dma_start3A = arith.constant 0 : i32
    %dma_start3A_3 = tpu.memref_slice %arg8[%mul3A_2, %dma_start3A] : memref<10240x128xf32, #tpu.memory_space<vmem_shared>> -> memref<640x128xf32, #tpu.memory_space<vmem_shared>>
    tpu.enqueue_dma source(%arg3 : memref<640x128xf32, #tpu.memory_space<hbm>>) target(%dma_start3A_3 : memref<640x128xf32, #tpu.memory_space<vmem_shared>>) target_semaphore(%arg10 : memref<!tpu.dma_semaphore, #tpu.memory_space<semaphore_mem>>)
    "tpu.region"() ({
      %run_scoped3A = tpu.sem_alloc : memref<!tpu.dma_semaphore, #tpu.memory_space<semaphore_mem>>
      tpu.enqueue_dma source(%arg4 : memref<128x128xf32, #tpu.memory_space<hbm>>) target(%arg7 : memref<128x128xf32, #tpu.memory_space<vmem>>) target_semaphore(%run_scoped3A : memref<!tpu.dma_semaphore, #tpu.memory_space<semaphore_mem>>)
      tpu.wait_dma2 semaphore(%run_scoped3A : memref<!tpu.dma_semaphore, #tpu.memory_space<semaphore_mem>>) src(%arg4 : memref<128x128xf32, #tpu.memory_space<hbm>>) dst(%arg7 : memref<128x128xf32, #tpu.memory_space<vmem>>)
      tpu.yield
    }) : () -> ()
    "tpu.region"() ({
      %run_scoped3A = tpu.sem_alloc : memref<!tpu.dma_semaphore, #tpu.memory_space<semaphore_mem>>
      %dma_start3A_10 = arith.constant 0 : i32
      %dma_start3A_11 = arith.constant 0 : i32
      %dma_start3A_12 = tpu.memref_slice %arg2[%add3A, %dma_start3A_10, %dma_start3A_11] : memref<32x80x128xi32, #tpu.memory_space<hbm>> -> memref<1x80x128xi32, #tpu.memory_space<hbm>>
      %dma_start3A_13 = tpu.memref_squeeze %dma_start3A_12 : memref<1x80x128xi32, #tpu.memory_space<hbm>> -> memref<80x128xi32, #tpu.memory_space<hbm>>
      %dma_start3A_14 = arith.constant 0 : i32
      %dma_start3A_15 = arith.constant 0 : i32
      %dma_start3A_16 = tpu.memref_slice %dma_start3A_13[%dma_start3A_14, %dma_start3A_15] : memref<80x128xi32, #tpu.memory_space<hbm>> -> memref<40x128xi32, #tpu.memory_space<hbm>>
      %dma_start3A_17 = arith.constant 0 : i32
      %dma_start3A_18 = arith.constant 0 : i32
      %dma_start3A_19 = tpu.memref_slice %arg2[%add3A, %dma_start3A_17, %dma_start3A_18] : memref<32x80x128xi32, #tpu.memory_space<hbm>> -> memref<1x80x128xi32, #tpu.memory_space<hbm>>
      %dma_start3A_20 = tpu.memref_squeeze %dma_start3A_19 : memref<1x80x128xi32, #tpu.memory_space<hbm>> -> memref<80x128xi32, #tpu.memory_space<hbm>>
      %dma_start3A_21 = arith.constant 0 : i32
      %dma_start3A_22 = arith.constant 0 : i32
      %dma_start3A_23 = tpu.memref_slice %dma_start3A_20[%dma_start3A_21, %dma_start3A_22] : memref<80x128xi32, #tpu.memory_space<hbm>> -> memref<40x128xi32, #tpu.memory_space<hbm>>
      tpu.enqueue_dma source(%dma_start3A_23 : memref<40x128xi32, #tpu.memory_space<hbm>>) target(%arg6 : memref<40x128xi32, #tpu.memory_space<vmem>>) target_semaphore(%run_scoped3A : memref<!tpu.dma_semaphore, #tpu.memory_space<semaphore_mem>>)
      %dma_wait3A_24 = arith.constant 0 : i32
      %dma_wait3A_25 = arith.constant 0 : i32
      %dma_wait3A_26 = tpu.memref_slice %arg2[%add3A, %dma_wait3A_24, %dma_wait3A_25] : memref<32x80x128xi32, #tpu.memory_space<hbm>> -> memref<1x80x128xi32, #tpu.memory_space<hbm>>
      %dma_wait3A_27 = tpu.memref_squeeze %dma_wait3A_26 : memref<1x80x128xi32, #tpu.memory_space<hbm>> -> memref<80x128xi32, #tpu.memory_space<hbm>>
      %dma_wait3A_28 = arith.constant 0 : i32
      %dma_wait3A_29 = arith.constant 0 : i32
      %dma_wait3A_30 = tpu.memref_slice %dma_wait3A_27[%dma_wait3A_28, %dma_wait3A_29] : memref<80x128xi32, #tpu.memory_space<hbm>> -> memref<40x128xi32, #tpu.memory_space<hbm>>
      %dma_wait3A_31 = arith.constant 0 : i32
      %dma_wait3A_32 = arith.constant 0 : i32
      %dma_wait3A_33 = tpu.memref_slice %arg2[%add3A, %dma_wait3A_31, %dma_wait3A_32] : memref<32x80x128xi32, #tpu.memory_space<hbm>> -> memref<1x80x128xi32, #tpu.memory_space<hbm>>
      %dma_wait3A_34 = tpu.memref_squeeze %dma_wait3A_33 : memref<1x80x128xi32, #tpu.memory_space<hbm>> -> memref<80x128xi32, #tpu.memory_space<hbm>>
      %dma_wait3A_35 = arith.constant 0 : i32
      %dma_wait3A_36 = arith.constant 0 : i32
      %dma_wait3A_37 = tpu.memref_slice %dma_wait3A_34[%dma_wait3A_35, %dma_wait3A_36] : memref<80x128xi32, #tpu.memory_space<hbm>> -> memref<40x128xi32, #tpu.memory_space<hbm>>
      tpu.wait_dma2 semaphore(%run_scoped3A : memref<!tpu.dma_semaphore, #tpu.memory_space<semaphore_mem>>) src(%dma_wait3A_37 : memref<40x128xi32, #tpu.memory_space<hbm>>) dst(%arg6 : memref<40x128xi32, #tpu.memory_space<vmem>>)
      tpu.yield
    }) : () -> ()
    %dma_wait3A = arith.constant 0 : i32
    %dma_wait3A_4 = tpu.memref_slice %arg8[%mul3A_2, %dma_wait3A] : memref<10240x128xf32, #tpu.memory_space<vmem_shared>> -> memref<640x128xf32, #tpu.memory_space<vmem_shared>>
    tpu.wait_dma2 semaphore(%arg10 : memref<!tpu.dma_semaphore, #tpu.memory_space<semaphore_mem>>) src(%arg3 : memref<640x128xf32, #tpu.memory_space<hbm>>) dst(%dma_wait3A_4 : memref<640x128xf32, #tpu.memory_space<vmem_shared>>)
    %barrier3A = arith.constant 0 : index
    tpu.barrier barrier_id(%barrier3A)
    %scan3A = arith.constant 0 : i32
    %scan3A_5 = arith.constant 2 : i32
    %scan3A_6 = arith.addi %scan3A, %scan3A_5 : i32
    %scan3A_7 = arith.constant 1 : i32
    scf.for %scan3A_10 = %scan3A to %scan3A_6 step %scan3A_7  : i32 {
      %mul3A_11 = arith.constant 1 : i32
      %mul3A_12 = arith.muli %scan3A_10, %mul3A_11 : i32
      %add3A_13 = arith.constant 0 : i32
      %add3A_14 = arith.addi %add3A_13, %mul3A_12 : i32
      %gt3A = arith.constant 0 : i32
      %gt3A_15 = arith.cmpi sgt, %add3A_14, %gt3A : i32
      %convert_element_type3A = arith.extui %gt3A_15 : i1 to i32
      %cond3A = arith.constant 0 : i32
      %cond3A_16 = arith.cmpi ne, %convert_element_type3A, %cond3A : i32
      scf.if %cond3A_16 {
        %mul3A_22 = arith.constant 40 : i32
        %mul3A_23 = arith.muli %add3A_14, %mul3A_22 : i32
        "tpu.region"() ({
          %run_scoped3A = tpu.sem_alloc : memref<!tpu.dma_semaphore, #tpu.memory_space<semaphore_mem>>
          %dma_start3A_24 = arith.constant 0 : i32
          %dma_start3A_25 = arith.constant 0 : i32
          %dma_start3A_26 = tpu.memref_slice %arg2[%add3A, %dma_start3A_24, %dma_start3A_25] : memref<32x80x128xi32, #tpu.memory_space<hbm>> -> memref<1x80x128xi32, #tpu.memory_space<hbm>>
          %dma_start3A_27 = tpu.memref_squeeze %dma_start3A_26 : memref<1x80x128xi32, #tpu.memory_space<hbm>> -> memref<80x128xi32, #tpu.memory_space<hbm>>
          %dma_start3A_28 = arith.constant 0 : i32
          %dma_start3A_29 = tpu.memref_slice %dma_start3A_27[%mul3A_23, %dma_start3A_28] : memref<80x128xi32, #tpu.memory_space<hbm>> -> memref<40x128xi32, #tpu.memory_space<hbm>>
          %dma_start3A_30 = arith.constant 0 : i32
          %dma_start3A_31 = arith.constant 0 : i32
          %dma_start3A_32 = tpu.memref_slice %arg2[%add3A, %dma_start3A_30, %dma_start3A_31] : memref<32x80x128xi32, #tpu.memory_space<hbm>> -> memref<1x80x128xi32, #tpu.memory_space<hbm>>
          %dma_start3A_33 = tpu.memref_squeeze %dma_start3A_32 : memref<1x80x128xi32, #tpu.memory_space<hbm>> -> memref<80x128xi32, #tpu.memory_space<hbm>>
          %dma_start3A_34 = arith.constant 0 : i32
          %dma_start3A_35 = tpu.memref_slice %dma_start3A_33[%mul3A_23, %dma_start3A_34] : memref<80x128xi32, #tpu.memory_space<hbm>> -> memref<40x128xi32, #tpu.memory_space<hbm>>
          tpu.enqueue_dma source(%dma_start3A_35 : memref<40x128xi32, #tpu.memory_space<hbm>>) target(%arg6 : memref<40x128xi32, #tpu.memory_space<vmem>>) target_semaphore(%run_scoped3A : memref<!tpu.dma_semaphore, #tpu.memory_space<semaphore_mem>>)
          %dma_wait3A_36 = arith.constant 0 : i32
          %dma_wait3A_37 = arith.constant 0 : i32
          %dma_wait3A_38 = tpu.memref_slice %arg2[%add3A, %dma_wait3A_36, %dma_wait3A_37] : memref<32x80x128xi32, #tpu.memory_space<hbm>> -> memref<1x80x128xi32, #tpu.memory_space<hbm>>
          %dma_wait3A_39 = tpu.memref_squeeze %dma_wait3A_38 : memref<1x80x128xi32, #tpu.memory_space<hbm>> -> memref<80x128xi32, #tpu.memory_space<hbm>>
          %dma_wait3A_40 = arith.constant 0 : i32
          %dma_wait3A_41 = tpu.memref_slice %dma_wait3A_39[%mul3A_23, %dma_wait3A_40] : memref<80x128xi32, #tpu.memory_space<hbm>> -> memref<40x128xi32, #tpu.memory_space<hbm>>
          %dma_wait3A_42 = arith.constant 0 : i32
          %dma_wait3A_43 = arith.constant 0 : i32
          %dma_wait3A_44 = tpu.memref_slice %arg2[%add3A, %dma_wait3A_42, %dma_wait3A_43] : memref<32x80x128xi32, #tpu.memory_space<hbm>> -> memref<1x80x128xi32, #tpu.memory_space<hbm>>
          %dma_wait3A_45 = tpu.memref_squeeze %dma_wait3A_44 : memref<1x80x128xi32, #tpu.memory_space<hbm>> -> memref<80x128xi32, #tpu.memory_space<hbm>>
          %dma_wait3A_46 = arith.constant 0 : i32
          %dma_wait3A_47 = tpu.memref_slice %dma_wait3A_45[%mul3A_23, %dma_wait3A_46] : memref<80x128xi32, #tpu.memory_space<hbm>> -> memref<40x128xi32, #tpu.memory_space<hbm>>
          tpu.wait_dma2 semaphore(%run_scoped3A : memref<!tpu.dma_semaphore, #tpu.memory_space<semaphore_mem>>) src(%dma_wait3A_47 : memref<40x128xi32, #tpu.memory_space<hbm>>) dst(%arg6 : memref<40x128xi32, #tpu.memory_space<vmem>>)
          tpu.yield
        }) : () -> ()
      } else {
      }
      %scan3A_17 = arith.constant 0 : i32
      %scan3A_18 = arith.constant 5 : i32
      %scan3A_19 = arith.addi %scan3A_17, %scan3A_18 : i32
      %scan3A_20 = arith.constant 1 : i32
      scf.for %scan3A_22 = %scan3A_17 to %scan3A_19 step %scan3A_20  : i32 {
        %mul3A_23 = arith.constant 1 : i32
        %mul3A_24 = arith.muli %scan3A_22, %mul3A_23 : i32
        %add3A_25 = arith.constant 0 : i32
        %add3A_26 = arith.addi %add3A_25, %mul3A_24 : i32
        %mul3A_27 = arith.constant 8 : i32
        %mul3A_28 = arith.muli %add3A_26, %mul3A_27 : i32
        %add3A_29 = arith.constant 0 : i32
        %add3A_30 = arith.addi %mul3A_28, %add3A_29 : i32
        %dma_start3A_31 = arith.constant 0 : i32
        %dma_start3A_32 = tpu.memref_slice %arg6[%add3A_30, %dma_start3A_31] : memref<40x128xi32, #tpu.memory_space<vmem>> -> memref<1x128xi32, #tpu.memory_space<vmem>>
        %dma_start3A_33 = tpu.memref_squeeze %dma_start3A_32 : memref<1x128xi32, #tpu.memory_space<vmem>> -> memref<128xi32, #tpu.memory_space<vmem>>
        %dma_start3A_34 = arith.constant 0 : i32
        %dma_start3A_35 = arith.constant 0 : i32
        %dma_start3A_36 = tpu.memref_slice %arg8[%dma_start3A_34, %dma_start3A_35] : memref<10240x128xf32, #tpu.memory_space<vmem_shared>> -> memref<10240x128xf32, #tpu.memory_space<vmem_shared>>
        tpu.enqueue_indirect_dma source(%arg7 : memref<128x128xf32, #tpu.memory_space<vmem>>) target(%dma_start3A_36 : memref<10240x128xf32, #tpu.memory_space<vmem_shared>>) offsets(%dma_start3A_33 : memref<128xi32, #tpu.memory_space<vmem>>) semaphore(%arg9 : memref<!tpu.dma_semaphore, #tpu.memory_space<semaphore_mem>>) {add = true}
        %mul3A_37 = arith.constant 8 : i32
        %mul3A_38 = arith.muli %add3A_26, %mul3A_37 : i32
        %add3A_39 = arith.constant 1 : i32
        %add3A_40 = arith.addi %mul3A_38, %add3A_39 : i32
        %dma_start3A_41 = arith.constant 0 : i32
        %dma_start3A_42 = tpu.memref_slice %arg6[%add3A_40, %dma_start3A_41] : memref<40x128xi32, #tpu.memory_space<vmem>> -> memref<1x128xi32, #tpu.memory_space<vmem>>
        %dma_start3A_43 = tpu.memref_squeeze %dma_start3A_42 : memref<1x128xi32, #tpu.memory_space<vmem>> -> memref<128xi32, #tpu.memory_space<vmem>>
        %dma_start3A_44 = arith.constant 0 : i32
        %dma_start3A_45 = arith.constant 0 : i32
        %dma_start3A_46 = tpu.memref_slice %arg8[%dma_start3A_44, %dma_start3A_45] : memref<10240x128xf32, #tpu.memory_space<vmem_shared>> -> memref<10240x128xf32, #tpu.memory_space<vmem_shared>>
        tpu.enqueue_indirect_dma source(%arg7 : memref<128x128xf32, #tpu.memory_space<vmem>>) target(%dma_start3A_46 : memref<10240x128xf32, #tpu.memory_space<vmem_shared>>) offsets(%dma_start3A_43 : memref<128xi32, #tpu.memory_space<vmem>>) semaphore(%arg9 : memref<!tpu.dma_semaphore, #tpu.memory_space<semaphore_mem>>) {add = true}
        %mul3A_47 = arith.constant 8 : i32
        %mul3A_48 = arith.muli %add3A_26, %mul3A_47 : i32
        %add3A_49 = arith.constant 2 : i32
        %add3A_50 = arith.addi %mul3A_48, %add3A_49 : i32
        %dma_start3A_51 = arith.constant 0 : i32
        %dma_start3A_52 = tpu.memref_slice %arg6[%add3A_50, %dma_start3A_51] : memref<40x128xi32, #tpu.memory_space<vmem>> -> memref<1x128xi32, #tpu.memory_space<vmem>>
        %dma_start3A_53 = tpu.memref_squeeze %dma_start3A_52 : memref<1x128xi32, #tpu.memory_space<vmem>> -> memref<128xi32, #tpu.memory_space<vmem>>
        %dma_start3A_54 = arith.constant 0 : i32
        %dma_start3A_55 = arith.constant 0 : i32
        %dma_start3A_56 = tpu.memref_slice %arg8[%dma_start3A_54, %dma_start3A_55] : memref<10240x128xf32, #tpu.memory_space<vmem_shared>> -> memref<10240x128xf32, #tpu.memory_space<vmem_shared>>
        tpu.enqueue_indirect_dma source(%arg7 : memref<128x128xf32, #tpu.memory_space<vmem>>) target(%dma_start3A_56 : memref<10240x128xf32, #tpu.memory_space<vmem_shared>>) offsets(%dma_start3A_53 : memref<128xi32, #tpu.memory_space<vmem>>) semaphore(%arg9 : memref<!tpu.dma_semaphore, #tpu.memory_space<semaphore_mem>>) {add = true}
        %mul3A_57 = arith.constant 8 : i32
        %mul3A_58 = arith.muli %add3A_26, %mul3A_57 : i32
        %add3A_59 = arith.constant 3 : i32
        %add3A_60 = arith.addi %mul3A_58, %add3A_59 : i32
        %dma_start3A_61 = arith.constant 0 : i32
        %dma_start3A_62 = tpu.memref_slice %arg6[%add3A_60, %dma_start3A_61] : memref<40x128xi32, #tpu.memory_space<vmem>> -> memref<1x128xi32, #tpu.memory_space<vmem>>
        %dma_start3A_63 = tpu.memref_squeeze %dma_start3A_62 : memref<1x128xi32, #tpu.memory_space<vmem>> -> memref<128xi32, #tpu.memory_space<vmem>>
        %dma_start3A_64 = arith.constant 0 : i32
        %dma_start3A_65 = arith.constant 0 : i32
        %dma_start3A_66 = tpu.memref_slice %arg8[%dma_start3A_64, %dma_start3A_65] : memref<10240x128xf32, #tpu.memory_space<vmem_shared>> -> memref<10240x128xf32, #tpu.memory_space<vmem_shared>>
        tpu.enqueue_indirect_dma source(%arg7 : memref<128x128xf32, #tpu.memory_space<vmem>>) target(%dma_start3A_66 : memref<10240x128xf32, #tpu.memory_space<vmem_shared>>) offsets(%dma_start3A_63 : memref<128xi32, #tpu.memory_space<vmem>>) semaphore(%arg9 : memref<!tpu.dma_semaphore, #tpu.memory_space<semaphore_mem>>) {add = true}
        %mul3A_67 = arith.constant 8 : i32
        %mul3A_68 = arith.muli %add3A_26, %mul3A_67 : i32
        %add3A_69 = arith.constant 4 : i32
        %add3A_70 = arith.addi %mul3A_68, %add3A_69 : i32
        %dma_start3A_71 = arith.constant 0 : i32
        %dma_start3A_72 = tpu.memref_slice %arg6[%add3A_70, %dma_start3A_71] : memref<40x128xi32, #tpu.memory_space<vmem>> -> memref<1x128xi32, #tpu.memory_space<vmem>>
        %dma_start3A_73 = tpu.memref_squeeze %dma_start3A_72 : memref<1x128xi32, #tpu.memory_space<vmem>> -> memref<128xi32, #tpu.memory_space<vmem>>
        %dma_start3A_74 = arith.constant 0 : i32
        %dma_start3A_75 = arith.constant 0 : i32
        %dma_start3A_76 = tpu.memref_slice %arg8[%dma_start3A_74, %dma_start3A_75] : memref<10240x128xf32, #tpu.memory_space<vmem_shared>> -> memref<10240x128xf32, #tpu.memory_space<vmem_shared>>
        tpu.enqueue_indirect_dma source(%arg7 : memref<128x128xf32, #tpu.memory_space<vmem>>) target(%dma_start3A_76 : memref<10240x128xf32, #tpu.memory_space<vmem_shared>>) offsets(%dma_start3A_73 : memref<128xi32, #tpu.memory_space<vmem>>) semaphore(%arg9 : memref<!tpu.dma_semaphore, #tpu.memory_space<semaphore_mem>>) {add = true}
        %mul3A_77 = arith.constant 8 : i32
        %mul3A_78 = arith.muli %add3A_26, %mul3A_77 : i32
        %add3A_79 = arith.constant 5 : i32
        %add3A_80 = arith.addi %mul3A_78, %add3A_79 : i32
        %dma_start3A_81 = arith.constant 0 : i32
        %dma_start3A_82 = tpu.memref_slice %arg6[%add3A_80, %dma_start3A_81] : memref<40x128xi32, #tpu.memory_space<vmem>> -> memref<1x128xi32, #tpu.memory_space<vmem>>
        %dma_start3A_83 = tpu.memref_squeeze %dma_start3A_82 : memref<1x128xi32, #tpu.memory_space<vmem>> -> memref<128xi32, #tpu.memory_space<vmem>>
        %dma_start3A_84 = arith.constant 0 : i32
        %dma_start3A_85 = arith.constant 0 : i32
        %dma_start3A_86 = tpu.memref_slice %arg8[%dma_start3A_84, %dma_start3A_85] : memref<10240x128xf32, #tpu.memory_space<vmem_shared>> -> memref<10240x128xf32, #tpu.memory_space<vmem_shared>>
        tpu.enqueue_indirect_dma source(%arg7 : memref<128x128xf32, #tpu.memory_space<vmem>>) target(%dma_start3A_86 : memref<10240x128xf32, #tpu.memory_space<vmem_shared>>) offsets(%dma_start3A_83 : memref<128xi32, #tpu.memory_space<vmem>>) semaphore(%arg9 : memref<!tpu.dma_semaphore, #tpu.memory_space<semaphore_mem>>) {add = true}
        %mul3A_87 = arith.constant 8 : i32
        %mul3A_88 = arith.muli %add3A_26, %mul3A_87 : i32
        %add3A_89 = arith.constant 6 : i32
        %add3A_90 = arith.addi %mul3A_88, %add3A_89 : i32
        %dma_start3A_91 = arith.constant 0 : i32
        %dma_start3A_92 = tpu.memref_slice %arg6[%add3A_90, %dma_start3A_91] : memref<40x128xi32, #tpu.memory_space<vmem>> -> memref<1x128xi32, #tpu.memory_space<vmem>>
        %dma_start3A_93 = tpu.memref_squeeze %dma_start3A_92 : memref<1x128xi32, #tpu.memory_space<vmem>> -> memref<128xi32, #tpu.memory_space<vmem>>
        %dma_start3A_94 = arith.constant 0 : i32
        %dma_start3A_95 = arith.constant 0 : i32
        %dma_start3A_96 = tpu.memref_slice %arg8[%dma_start3A_94, %dma_start3A_95] : memref<10240x128xf32, #tpu.memory_space<vmem_shared>> -> memref<10240x128xf32, #tpu.memory_space<vmem_shared>>
        tpu.enqueue_indirect_dma source(%arg7 : memref<128x128xf32, #tpu.memory_space<vmem>>) target(%dma_start3A_96 : memref<10240x128xf32, #tpu.memory_space<vmem_shared>>) offsets(%dma_start3A_93 : memref<128xi32, #tpu.memory_space<vmem>>) semaphore(%arg9 : memref<!tpu.dma_semaphore, #tpu.memory_space<semaphore_mem>>) {add = true}
        %mul3A_97 = arith.constant 8 : i32
        %mul3A_98 = arith.muli %add3A_26, %mul3A_97 : i32
        %add3A_99 = arith.constant 7 : i32
        %add3A_100 = arith.addi %mul3A_98, %add3A_99 : i32
        %dma_start3A_101 = arith.constant 0 : i32
        %dma_start3A_102 = tpu.memref_slice %arg6[%add3A_100, %dma_start3A_101] : memref<40x128xi32, #tpu.memory_space<vmem>> -> memref<1x128xi32, #tpu.memory_space<vmem>>
        %dma_start3A_103 = tpu.memref_squeeze %dma_start3A_102 : memref<1x128xi32, #tpu.memory_space<vmem>> -> memref<128xi32, #tpu.memory_space<vmem>>
        %dma_start3A_104 = arith.constant 0 : i32
        %dma_start3A_105 = arith.constant 0 : i32
        %dma_start3A_106 = tpu.memref_slice %arg8[%dma_start3A_104, %dma_start3A_105] : memref<10240x128xf32, #tpu.memory_space<vmem_shared>> -> memref<10240x128xf32, #tpu.memory_space<vmem_shared>>
        tpu.enqueue_indirect_dma source(%arg7 : memref<128x128xf32, #tpu.memory_space<vmem>>) target(%dma_start3A_106 : memref<10240x128xf32, #tpu.memory_space<vmem_shared>>) offsets(%dma_start3A_103 : memref<128xi32, #tpu.memory_space<vmem>>) semaphore(%arg9 : memref<!tpu.dma_semaphore, #tpu.memory_space<semaphore_mem>>) {add = true}
        %mul3A_107 = arith.constant 8 : i32
        %mul3A_108 = arith.muli %add3A_26, %mul3A_107 : i32
        %add3A_109 = arith.constant 0 : i32
        %add3A_110 = arith.addi %mul3A_108, %add3A_109 : i32
        %dma_wait3A_111 = arith.constant 0 : i32
        %dma_wait3A_112 = tpu.memref_slice %arg6[%add3A_110, %dma_wait3A_111] : memref<40x128xi32, #tpu.memory_space<vmem>> -> memref<1x128xi32, #tpu.memory_space<vmem>>
        %dma_wait3A_113 = tpu.memref_squeeze %dma_wait3A_112 : memref<1x128xi32, #tpu.memory_space<vmem>> -> memref<128xi32, #tpu.memory_space<vmem>>
        %dma_wait3A_114 = arith.constant 0 : i32
        %dma_wait3A_115 = arith.constant 0 : i32
        %dma_wait3A_116 = tpu.memref_slice %arg8[%dma_wait3A_114, %dma_wait3A_115] : memref<10240x128xf32, #tpu.memory_space<vmem_shared>> -> memref<10240x128xf32, #tpu.memory_space<vmem_shared>>
        tpu.wait_indirect_dma semaphore(%arg9 : memref<!tpu.dma_semaphore, #tpu.memory_space<semaphore_mem>>) src(%arg7 : memref<128x128xf32, #tpu.memory_space<vmem>>) dst(%dma_wait3A_116 : memref<10240x128xf32, #tpu.memory_space<vmem_shared>>)
        %mul3A_117 = arith.constant 8 : i32
        %mul3A_118 = arith.muli %add3A_26, %mul3A_117 : i32
        %add3A_119 = arith.constant 1 : i32
        %add3A_120 = arith.addi %mul3A_118, %add3A_119 : i32
        %dma_wait3A_121 = arith.constant 0 : i32
        %dma_wait3A_122 = tpu.memref_slice %arg6[%add3A_120, %dma_wait3A_121] : memref<40x128xi32, #tpu.memory_space<vmem>> -> memref<1x128xi32, #tpu.memory_space<vmem>>
        %dma_wait3A_123 = tpu.memref_squeeze %dma_wait3A_122 : memref<1x128xi32, #tpu.memory_space<vmem>> -> memref<128xi32, #tpu.memory_space<vmem>>
        %dma_wait3A_124 = arith.constant 0 : i32
        %dma_wait3A_125 = arith.constant 0 : i32
        %dma_wait3A_126 = tpu.memref_slice %arg8[%dma_wait3A_124, %dma_wait3A_125] : memref<10240x128xf32, #tpu.memory_space<vmem_shared>> -> memref<10240x128xf32, #tpu.memory_space<vmem_shared>>
        tpu.wait_indirect_dma semaphore(%arg9 : memref<!tpu.dma_semaphore, #tpu.memory_space<semaphore_mem>>) src(%arg7 : memref<128x128xf32, #tpu.memory_space<vmem>>) dst(%dma_wait3A_126 : memref<10240x128xf32, #tpu.memory_space<vmem_shared>>)
        %mul3A_127 = arith.constant 8 : i32
        %mul3A_128 = arith.muli %add3A_26, %mul3A_127 : i32
        %add3A_129 = arith.constant 2 : i32
        %add3A_130 = arith.addi %mul3A_128, %add3A_129 : i32
        %dma_wait3A_131 = arith.constant 0 : i32
        %dma_wait3A_132 = tpu.memref_slice %arg6[%add3A_130, %dma_wait3A_131] : memref<40x128xi32, #tpu.memory_space<vmem>> -> memref<1x128xi32, #tpu.memory_space<vmem>>
        %dma_wait3A_133 = tpu.memref_squeeze %dma_wait3A_132 : memref<1x128xi32, #tpu.memory_space<vmem>> -> memref<128xi32, #tpu.memory_space<vmem>>
        %dma_wait3A_134 = arith.constant 0 : i32
        %dma_wait3A_135 = arith.constant 0 : i32
        %dma_wait3A_136 = tpu.memref_slice %arg8[%dma_wait3A_134, %dma_wait3A_135] : memref<10240x128xf32, #tpu.memory_space<vmem_shared>> -> memref<10240x128xf32, #tpu.memory_space<vmem_shared>>
        tpu.wait_indirect_dma semaphore(%arg9 : memref<!tpu.dma_semaphore, #tpu.memory_space<semaphore_mem>>) src(%arg7 : memref<128x128xf32, #tpu.memory_space<vmem>>) dst(%dma_wait3A_136 : memref<10240x128xf32, #tpu.memory_space<vmem_shared>>)
        %mul3A_137 = arith.constant 8 : i32
        %mul3A_138 = arith.muli %add3A_26, %mul3A_137 : i32
        %add3A_139 = arith.constant 3 : i32
        %add3A_140 = arith.addi %mul3A_138, %add3A_139 : i32
        %dma_wait3A_141 = arith.constant 0 : i32
        %dma_wait3A_142 = tpu.memref_slice %arg6[%add3A_140, %dma_wait3A_141] : memref<40x128xi32, #tpu.memory_space<vmem>> -> memref<1x128xi32, #tpu.memory_space<vmem>>
        %dma_wait3A_143 = tpu.memref_squeeze %dma_wait3A_142 : memref<1x128xi32, #tpu.memory_space<vmem>> -> memref<128xi32, #tpu.memory_space<vmem>>
        %dma_wait3A_144 = arith.constant 0 : i32
        %dma_wait3A_145 = arith.constant 0 : i32
        %dma_wait3A_146 = tpu.memref_slice %arg8[%dma_wait3A_144, %dma_wait3A_145] : memref<10240x128xf32, #tpu.memory_space<vmem_shared>> -> memref<10240x128xf32, #tpu.memory_space<vmem_shared>>
        tpu.wait_indirect_dma semaphore(%arg9 : memref<!tpu.dma_semaphore, #tpu.memory_space<semaphore_mem>>) src(%arg7 : memref<128x128xf32, #tpu.memory_space<vmem>>) dst(%dma_wait3A_146 : memref<10240x128xf32, #tpu.memory_space<vmem_shared>>)
        %mul3A_147 = arith.constant 8 : i32
        %mul3A_148 = arith.muli %add3A_26, %mul3A_147 : i32
        %add3A_149 = arith.constant 4 : i32
        %add3A_150 = arith.addi %mul3A_148, %add3A_149 : i32
        %dma_wait3A_151 = arith.constant 0 : i32
        %dma_wait3A_152 = tpu.memref_slice %arg6[%add3A_150, %dma_wait3A_151] : memref<40x128xi32, #tpu.memory_space<vmem>> -> memref<1x128xi32, #tpu.memory_space<vmem>>
        %dma_wait3A_153 = tpu.memref_squeeze %dma_wait3A_152 : memref<1x128xi32, #tpu.memory_space<vmem>> -> memref<128xi32, #tpu.memory_space<vmem>>
        %dma_wait3A_154 = arith.constant 0 : i32
        %dma_wait3A_155 = arith.constant 0 : i32
        %dma_wait3A_156 = tpu.memref_slice %arg8[%dma_wait3A_154, %dma_wait3A_155] : memref<10240x128xf32, #tpu.memory_space<vmem_shared>> -> memref<10240x128xf32, #tpu.memory_space<vmem_shared>>
        tpu.wait_indirect_dma semaphore(%arg9 : memref<!tpu.dma_semaphore, #tpu.memory_space<semaphore_mem>>) src(%arg7 : memref<128x128xf32, #tpu.memory_space<vmem>>) dst(%dma_wait3A_156 : memref<10240x128xf32, #tpu.memory_space<vmem_shared>>)
        %mul3A_157 = arith.constant 8 : i32
        %mul3A_158 = arith.muli %add3A_26, %mul3A_157 : i32
        %add3A_159 = arith.constant 5 : i32
        %add3A_160 = arith.addi %mul3A_158, %add3A_159 : i32
        %dma_wait3A_161 = arith.constant 0 : i32
        %dma_wait3A_162 = tpu.memref_slice %arg6[%add3A_160, %dma_wait3A_161] : memref<40x128xi32, #tpu.memory_space<vmem>> -> memref<1x128xi32, #tpu.memory_space<vmem>>
        %dma_wait3A_163 = tpu.memref_squeeze %dma_wait3A_162 : memref<1x128xi32, #tpu.memory_space<vmem>> -> memref<128xi32, #tpu.memory_space<vmem>>
        %dma_wait3A_164 = arith.constant 0 : i32
        %dma_wait3A_165 = arith.constant 0 : i32
        %dma_wait3A_166 = tpu.memref_slice %arg8[%dma_wait3A_164, %dma_wait3A_165] : memref<10240x128xf32, #tpu.memory_space<vmem_shared>> -> memref<10240x128xf32, #tpu.memory_space<vmem_shared>>
        tpu.wait_indirect_dma semaphore(%arg9 : memref<!tpu.dma_semaphore, #tpu.memory_space<semaphore_mem>>) src(%arg7 : memref<128x128xf32, #tpu.memory_space<vmem>>) dst(%dma_wait3A_166 : memref<10240x128xf32, #tpu.memory_space<vmem_shared>>)
        %mul3A_167 = arith.constant 8 : i32
        %mul3A_168 = arith.muli %add3A_26, %mul3A_167 : i32
        %add3A_169 = arith.constant 6 : i32
        %add3A_170 = arith.addi %mul3A_168, %add3A_169 : i32
        %dma_wait3A_171 = arith.constant 0 : i32
        %dma_wait3A_172 = tpu.memref_slice %arg6[%add3A_170, %dma_wait3A_171] : memref<40x128xi32, #tpu.memory_space<vmem>> -> memref<1x128xi32, #tpu.memory_space<vmem>>
        %dma_wait3A_173 = tpu.memref_squeeze %dma_wait3A_172 : memref<1x128xi32, #tpu.memory_space<vmem>> -> memref<128xi32, #tpu.memory_space<vmem>>
        %dma_wait3A_174 = arith.constant 0 : i32
        %dma_wait3A_175 = arith.constant 0 : i32
        %dma_wait3A_176 = tpu.memref_slice %arg8[%dma_wait3A_174, %dma_wait3A_175] : memref<10240x128xf32, #tpu.memory_space<vmem_shared>> -> memref<10240x128xf32, #tpu.memory_space<vmem_shared>>
        tpu.wait_indirect_dma semaphore(%arg9 : memref<!tpu.dma_semaphore, #tpu.memory_space<semaphore_mem>>) src(%arg7 : memref<128x128xf32, #tpu.memory_space<vmem>>) dst(%dma_wait3A_176 : memref<10240x128xf32, #tpu.memory_space<vmem_shared>>)
        %mul3A_177 = arith.constant 8 : i32
        %mul3A_178 = arith.muli %add3A_26, %mul3A_177 : i32
        %add3A_179 = arith.constant 7 : i32
        %add3A_180 = arith.addi %mul3A_178, %add3A_179 : i32
        %dma_wait3A_181 = arith.constant 0 : i32
        %dma_wait3A_182 = tpu.memref_slice %arg6[%add3A_180, %dma_wait3A_181] : memref<40x128xi32, #tpu.memory_space<vmem>> -> memref<1x128xi32, #tpu.memory_space<vmem>>
        %dma_wait3A_183 = tpu.memref_squeeze %dma_wait3A_182 : memref<1x128xi32, #tpu.memory_space<vmem>> -> memref<128xi32, #tpu.memory_space<vmem>>
        %dma_wait3A_184 = arith.constant 0 : i32
        %dma_wait3A_185 = arith.constant 0 : i32
        %dma_wait3A_186 = tpu.memref_slice %arg8[%dma_wait3A_184, %dma_wait3A_185] : memref<10240x128xf32, #tpu.memory_space<vmem_shared>> -> memref<10240x128xf32, #tpu.memory_space<vmem_shared>>
        tpu.wait_indirect_dma semaphore(%arg9 : memref<!tpu.dma_semaphore, #tpu.memory_space<semaphore_mem>>) src(%arg7 : memref<128x128xf32, #tpu.memory_space<vmem>>) dst(%dma_wait3A_186 : memref<10240x128xf32, #tpu.memory_space<vmem_shared>>)
      }
      %scan3A_21 = arith.constant 5 : i32
    }
    %scan3A_8 = arith.constant 2 : i32
    %barrier3A_9 = arith.constant 0 : index
    tpu.barrier barrier_id(%barrier3A_9)
    "tpu.region"() ({
      %run_scoped3A = tpu.sem_alloc : memref<!tpu.dma_semaphore, #tpu.memory_space<semaphore_mem>>
      %dma_start3A_10 = arith.constant 0 : i32
      %dma_start3A_11 = arith.constant 0 : i32
      %dma_start3A_12 = tpu.memref_slice %arg5[%arg0, %dma_start3A_10, %dma_start3A_11] : memref<2x10240x128xf32, #tpu.memory_space<hbm>> -> memref<1x10240x128xf32, #tpu.memory_space<hbm>>
      %dma_start3A_13 = tpu.memref_squeeze %dma_start3A_12 : memref<1x10240x128xf32, #tpu.memory_space<hbm>> -> memref<10240x128xf32, #tpu.memory_space<hbm>>
      %dma_start3A_14 = arith.constant 0 : i32
      %dma_start3A_15 = tpu.memref_slice %dma_start3A_13[%mul3A_2, %dma_start3A_14] : memref<10240x128xf32, #tpu.memory_space<hbm>> -> memref<640x128xf32, #tpu.memory_space<hbm>>
      %dma_start3A_16 = arith.constant 0 : i32
      %dma_start3A_17 = tpu.memref_slice %arg8[%mul3A_2, %dma_start3A_16] : memref<10240x128xf32, #tpu.memory_space<vmem_shared>> -> memref<640x128xf32, #tpu.memory_space<vmem_shared>>
      tpu.enqueue_dma source(%dma_start3A_17 : memref<640x128xf32, #tpu.memory_space<vmem_shared>>) target(%dma_start3A_15 : memref<640x128xf32, #tpu.memory_space<hbm>>) target_semaphore(%run_scoped3A : memref<!tpu.dma_semaphore, #tpu.memory_space<semaphore_mem>>)
      %dma_wait3A_18 = arith.constant 0 : i32
      %dma_wait3A_19 = arith.constant 0 : i32
      %dma_wait3A_20 = tpu.memref_slice %arg5[%arg0, %dma_wait3A_18, %dma_wait3A_19] : memref<2x10240x128xf32, #tpu.memory_space<hbm>> -> memref<1x10240x128xf32, #tpu.memory_space<hbm>>
      %dma_wait3A_21 = tpu.memref_squeeze %dma_wait3A_20 : memref<1x10240x128xf32, #tpu.memory_space<hbm>> -> memref<10240x128xf32, #tpu.memory_space<hbm>>
      %dma_wait3A_22 = arith.constant 0 : i32
      %dma_wait3A_23 = tpu.memref_slice %dma_wait3A_21[%mul3A_2, %dma_wait3A_22] : memref<10240x128xf32, #tpu.memory_space<hbm>> -> memref<640x128xf32, #tpu.memory_space<hbm>>
      %dma_wait3A_24 = arith.constant 0 : i32
      %dma_wait3A_25 = tpu.memref_slice %arg8[%mul3A_2, %dma_wait3A_24] : memref<10240x128xf32, #tpu.memory_space<vmem_shared>> -> memref<640x128xf32, #tpu.memory_space<vmem_shared>>
      tpu.wait_dma2 semaphore(%run_scoped3A : memref<!tpu.dma_semaphore, #tpu.memory_space<semaphore_mem>>) src(%dma_wait3A_25 : memref<640x128xf32, #tpu.memory_space<vmem_shared>>) dst(%dma_wait3A_23 : memref<640x128xf32, #tpu.memory_space<hbm>>)
      tpu.yield
    }) : () -> ()
    return
  }
}

#map = affine_map<(d0, d1) -> (0, 0)>
#map1 = affine_map<(d0, d1) -> (0, 0, 0)>
module attributes {stable_mosaic.version = 14 : i64} {
  func.func @k(%arg0: i32, %arg1: i32, %arg2: memref<10240x128xf32, #tpu.memory_space<hbm>>, %arg3: memref<32x80x128xi32, #tpu.memory_space<hbm>>, %arg4: memref<32x80x128xi32, #tpu.memory_space<hbm>>, %arg5: memref<2x10240x128xf32, #tpu.memory_space<hbm>>, %arg6: memref<40x128xi32, #tpu.memory_space<vmem>>, %arg7: memref<40x128xi32, #tpu.memory_space<vmem>>, %arg8: memref<128x128xf32, #tpu.memory_space<vmem>>, %arg9: memref<128x128xf32, #tpu.memory_space<vmem>>, %arg10: memref<10240x128xf32, #tpu.memory_space<vmem_shared>>, %arg11: memref<!tpu.dma_semaphore, #tpu.memory_space<semaphore_mem>>, %arg12: memref<!tpu.dma_semaphore, #tpu.memory_space<semaphore_mem>>, %arg13: memref<!tpu.dma_semaphore, #tpu.memory_space<semaphore_mem>>, %arg14: memref<!tpu.dma_semaphore, #tpu.memory_space<semaphore_mem>>, %arg15: memref<!tpu.dma_semaphore, #tpu.memory_space<semaphore_mem>>) attributes {dimension_semantics = [#tpu.dimension_semantics<core_parallel>, #tpu.dimension_semantics<subcore_parallel>], iteration_bounds = array<i64: 2, 16>, scalar_prefetch = 0 : i64, scratch_operands = 10 : i64, tpu.core_type = #tpu.core_type<sc_vector_subcore>, window_params = [{transform_indices = #map}, {transform_indices = #map1}, {transform_indices = #map1}, {transform_indices = #map1}]} {
    %mul3A = arith.constant 16 : i32
    %mul3A_0 = arith.muli %arg0, %mul3A : i32
    %add3A = arith.addi %mul3A_0, %arg1 : i32
    %mul3A_1 = arith.constant 640 : i32
    %mul3A_2 = arith.muli %arg1, %mul3A_1 : i32
    %dma_start3A = arith.constant 0 : i32
    %dma_start3A_3 = tpu.memref_slice %arg10[%mul3A_2, %dma_start3A] : memref<10240x128xf32, #tpu.memory_space<vmem_shared>> -> memref<640x128xf32, #tpu.memory_space<vmem_shared>>
    %dma_start3A_4 = arith.constant 0 : i32
    %dma_start3A_5 = tpu.memref_slice %arg2[%mul3A_2, %dma_start3A_4] : memref<10240x128xf32, #tpu.memory_space<hbm>> -> memref<640x128xf32, #tpu.memory_space<hbm>>
    tpu.enqueue_dma source(%dma_start3A_5 : memref<640x128xf32, #tpu.memory_space<hbm>>) target(%dma_start3A_3 : memref<640x128xf32, #tpu.memory_space<vmem_shared>>) target_semaphore(%arg15 : memref<!tpu.dma_semaphore, #tpu.memory_space<semaphore_mem>>)
    "tpu.region"() ({
      %run_scoped3A = tpu.sem_alloc : memref<!tpu.dma_semaphore, #tpu.memory_space<semaphore_mem>>
      %dma_start3A_14 = arith.constant 0 : i32
      %dma_start3A_15 = arith.constant 0 : i32
      %dma_start3A_16 = tpu.memref_slice %arg3[%add3A, %dma_start3A_14, %dma_start3A_15] : memref<32x80x128xi32, #tpu.memory_space<hbm>> -> memref<1x80x128xi32, #tpu.memory_space<hbm>>
      %dma_start3A_17 = tpu.memref_squeeze %dma_start3A_16 : memref<1x80x128xi32, #tpu.memory_space<hbm>> -> memref<80x128xi32, #tpu.memory_space<hbm>>
      %dma_start3A_18 = arith.constant 0 : i32
      %dma_start3A_19 = arith.constant 0 : i32
      %dma_start3A_20 = tpu.memref_slice %dma_start3A_17[%dma_start3A_18, %dma_start3A_19] : memref<80x128xi32, #tpu.memory_space<hbm>> -> memref<40x128xi32, #tpu.memory_space<hbm>>
      %dma_start3A_21 = arith.constant 0 : i32
      %dma_start3A_22 = arith.constant 0 : i32
      %dma_start3A_23 = tpu.memref_slice %arg3[%add3A, %dma_start3A_21, %dma_start3A_22] : memref<32x80x128xi32, #tpu.memory_space<hbm>> -> memref<1x80x128xi32, #tpu.memory_space<hbm>>
      %dma_start3A_24 = tpu.memref_squeeze %dma_start3A_23 : memref<1x80x128xi32, #tpu.memory_space<hbm>> -> memref<80x128xi32, #tpu.memory_space<hbm>>
      %dma_start3A_25 = arith.constant 0 : i32
      %dma_start3A_26 = arith.constant 0 : i32
      %dma_start3A_27 = tpu.memref_slice %dma_start3A_24[%dma_start3A_25, %dma_start3A_26] : memref<80x128xi32, #tpu.memory_space<hbm>> -> memref<40x128xi32, #tpu.memory_space<hbm>>
      tpu.enqueue_dma source(%dma_start3A_27 : memref<40x128xi32, #tpu.memory_space<hbm>>) target(%arg6 : memref<40x128xi32, #tpu.memory_space<vmem>>) target_semaphore(%run_scoped3A : memref<!tpu.dma_semaphore, #tpu.memory_space<semaphore_mem>>)
      %dma_wait3A_28 = arith.constant 0 : i32
      %dma_wait3A_29 = arith.constant 0 : i32
      %dma_wait3A_30 = tpu.memref_slice %arg3[%add3A, %dma_wait3A_28, %dma_wait3A_29] : memref<32x80x128xi32, #tpu.memory_space<hbm>> -> memref<1x80x128xi32, #tpu.memory_space<hbm>>
      %dma_wait3A_31 = tpu.memref_squeeze %dma_wait3A_30 : memref<1x80x128xi32, #tpu.memory_space<hbm>> -> memref<80x128xi32, #tpu.memory_space<hbm>>
      %dma_wait3A_32 = arith.constant 0 : i32
      %dma_wait3A_33 = arith.constant 0 : i32
      %dma_wait3A_34 = tpu.memref_slice %dma_wait3A_31[%dma_wait3A_32, %dma_wait3A_33] : memref<80x128xi32, #tpu.memory_space<hbm>> -> memref<40x128xi32, #tpu.memory_space<hbm>>
      %dma_wait3A_35 = arith.constant 0 : i32
      %dma_wait3A_36 = arith.constant 0 : i32
      %dma_wait3A_37 = tpu.memref_slice %arg3[%add3A, %dma_wait3A_35, %dma_wait3A_36] : memref<32x80x128xi32, #tpu.memory_space<hbm>> -> memref<1x80x128xi32, #tpu.memory_space<hbm>>
      %dma_wait3A_38 = tpu.memref_squeeze %dma_wait3A_37 : memref<1x80x128xi32, #tpu.memory_space<hbm>> -> memref<80x128xi32, #tpu.memory_space<hbm>>
      %dma_wait3A_39 = arith.constant 0 : i32
      %dma_wait3A_40 = arith.constant 0 : i32
      %dma_wait3A_41 = tpu.memref_slice %dma_wait3A_38[%dma_wait3A_39, %dma_wait3A_40] : memref<80x128xi32, #tpu.memory_space<hbm>> -> memref<40x128xi32, #tpu.memory_space<hbm>>
      tpu.wait_dma2 semaphore(%run_scoped3A : memref<!tpu.dma_semaphore, #tpu.memory_space<semaphore_mem>>) src(%dma_wait3A_41 : memref<40x128xi32, #tpu.memory_space<hbm>>) dst(%arg6 : memref<40x128xi32, #tpu.memory_space<vmem>>)
      tpu.yield
    }) : () -> ()
    "tpu.region"() ({
      %run_scoped3A = tpu.sem_alloc : memref<!tpu.dma_semaphore, #tpu.memory_space<semaphore_mem>>
      %dma_start3A_14 = arith.constant 0 : i32
      %dma_start3A_15 = arith.constant 0 : i32
      %dma_start3A_16 = tpu.memref_slice %arg4[%add3A, %dma_start3A_14, %dma_start3A_15] : memref<32x80x128xi32, #tpu.memory_space<hbm>> -> memref<1x80x128xi32, #tpu.memory_space<hbm>>
      %dma_start3A_17 = tpu.memref_squeeze %dma_start3A_16 : memref<1x80x128xi32, #tpu.memory_space<hbm>> -> memref<80x128xi32, #tpu.memory_space<hbm>>
      %dma_start3A_18 = arith.constant 0 : i32
      %dma_start3A_19 = arith.constant 0 : i32
      %dma_start3A_20 = tpu.memref_slice %dma_start3A_17[%dma_start3A_18, %dma_start3A_19] : memref<80x128xi32, #tpu.memory_space<hbm>> -> memref<40x128xi32, #tpu.memory_space<hbm>>
      %dma_start3A_21 = arith.constant 0 : i32
      %dma_start3A_22 = arith.constant 0 : i32
      %dma_start3A_23 = tpu.memref_slice %arg4[%add3A, %dma_start3A_21, %dma_start3A_22] : memref<32x80x128xi32, #tpu.memory_space<hbm>> -> memref<1x80x128xi32, #tpu.memory_space<hbm>>
      %dma_start3A_24 = tpu.memref_squeeze %dma_start3A_23 : memref<1x80x128xi32, #tpu.memory_space<hbm>> -> memref<80x128xi32, #tpu.memory_space<hbm>>
      %dma_start3A_25 = arith.constant 0 : i32
      %dma_start3A_26 = arith.constant 0 : i32
      %dma_start3A_27 = tpu.memref_slice %dma_start3A_24[%dma_start3A_25, %dma_start3A_26] : memref<80x128xi32, #tpu.memory_space<hbm>> -> memref<40x128xi32, #tpu.memory_space<hbm>>
      tpu.enqueue_dma source(%dma_start3A_27 : memref<40x128xi32, #tpu.memory_space<hbm>>) target(%arg7 : memref<40x128xi32, #tpu.memory_space<vmem>>) target_semaphore(%run_scoped3A : memref<!tpu.dma_semaphore, #tpu.memory_space<semaphore_mem>>)
      %dma_wait3A_28 = arith.constant 0 : i32
      %dma_wait3A_29 = arith.constant 0 : i32
      %dma_wait3A_30 = tpu.memref_slice %arg4[%add3A, %dma_wait3A_28, %dma_wait3A_29] : memref<32x80x128xi32, #tpu.memory_space<hbm>> -> memref<1x80x128xi32, #tpu.memory_space<hbm>>
      %dma_wait3A_31 = tpu.memref_squeeze %dma_wait3A_30 : memref<1x80x128xi32, #tpu.memory_space<hbm>> -> memref<80x128xi32, #tpu.memory_space<hbm>>
      %dma_wait3A_32 = arith.constant 0 : i32
      %dma_wait3A_33 = arith.constant 0 : i32
      %dma_wait3A_34 = tpu.memref_slice %dma_wait3A_31[%dma_wait3A_32, %dma_wait3A_33] : memref<80x128xi32, #tpu.memory_space<hbm>> -> memref<40x128xi32, #tpu.memory_space<hbm>>
      %dma_wait3A_35 = arith.constant 0 : i32
      %dma_wait3A_36 = arith.constant 0 : i32
      %dma_wait3A_37 = tpu.memref_slice %arg4[%add3A, %dma_wait3A_35, %dma_wait3A_36] : memref<32x80x128xi32, #tpu.memory_space<hbm>> -> memref<1x80x128xi32, #tpu.memory_space<hbm>>
      %dma_wait3A_38 = tpu.memref_squeeze %dma_wait3A_37 : memref<1x80x128xi32, #tpu.memory_space<hbm>> -> memref<80x128xi32, #tpu.memory_space<hbm>>
      %dma_wait3A_39 = arith.constant 0 : i32
      %dma_wait3A_40 = arith.constant 0 : i32
      %dma_wait3A_41 = tpu.memref_slice %dma_wait3A_38[%dma_wait3A_39, %dma_wait3A_40] : memref<80x128xi32, #tpu.memory_space<hbm>> -> memref<40x128xi32, #tpu.memory_space<hbm>>
      tpu.wait_dma2 semaphore(%run_scoped3A : memref<!tpu.dma_semaphore, #tpu.memory_space<semaphore_mem>>) src(%dma_wait3A_41 : memref<40x128xi32, #tpu.memory_space<hbm>>) dst(%arg7 : memref<40x128xi32, #tpu.memory_space<vmem>>)
      tpu.yield
    }) : () -> ()
    %dma_wait3A = arith.constant 0 : i32
    %dma_wait3A_6 = tpu.memref_slice %arg10[%mul3A_2, %dma_wait3A] : memref<10240x128xf32, #tpu.memory_space<vmem_shared>> -> memref<640x128xf32, #tpu.memory_space<vmem_shared>>
    %dma_wait3A_7 = arith.constant 0 : i32
    %dma_wait3A_8 = tpu.memref_slice %arg2[%mul3A_2, %dma_wait3A_7] : memref<10240x128xf32, #tpu.memory_space<hbm>> -> memref<640x128xf32, #tpu.memory_space<hbm>>
    tpu.wait_dma2 semaphore(%arg15 : memref<!tpu.dma_semaphore, #tpu.memory_space<semaphore_mem>>) src(%dma_wait3A_8 : memref<640x128xf32, #tpu.memory_space<hbm>>) dst(%dma_wait3A_6 : memref<640x128xf32, #tpu.memory_space<vmem_shared>>)
    %barrier3A = arith.constant 0 : index
    tpu.barrier barrier_id(%barrier3A)
    %scan3A = arith.constant 0 : i32
    %scan3A_9 = arith.constant 2 : i32
    %scan3A_10 = arith.addi %scan3A, %scan3A_9 : i32
    %scan3A_11 = arith.constant 1 : i32
    scf.for %scan3A_14 = %scan3A to %scan3A_10 step %scan3A_11  : i32 {
      %mul3A_15 = arith.constant 1 : i32
      %mul3A_16 = arith.muli %scan3A_14, %mul3A_15 : i32
      %add3A_17 = arith.constant 0 : i32
      %add3A_18 = arith.addi %add3A_17, %mul3A_16 : i32
      %gt3A = arith.constant 0 : i32
      %gt3A_19 = arith.cmpi sgt, %add3A_18, %gt3A : i32
      %convert_element_type3A = arith.extui %gt3A_19 : i1 to i32
      %cond3A = arith.constant 0 : i32
      %cond3A_20 = arith.cmpi ne, %convert_element_type3A, %cond3A : i32
      scf.if %cond3A_20 {
        %mul3A_26 = arith.constant 40 : i32
        %mul3A_27 = arith.muli %add3A_18, %mul3A_26 : i32
        "tpu.region"() ({
          %run_scoped3A = tpu.sem_alloc : memref<!tpu.dma_semaphore, #tpu.memory_space<semaphore_mem>>
          %dma_start3A_30 = arith.constant 0 : i32
          %dma_start3A_31 = arith.constant 0 : i32
          %dma_start3A_32 = tpu.memref_slice %arg3[%add3A, %dma_start3A_30, %dma_start3A_31] : memref<32x80x128xi32, #tpu.memory_space<hbm>> -> memref<1x80x128xi32, #tpu.memory_space<hbm>>
          %dma_start3A_33 = tpu.memref_squeeze %dma_start3A_32 : memref<1x80x128xi32, #tpu.memory_space<hbm>> -> memref<80x128xi32, #tpu.memory_space<hbm>>
          %dma_start3A_34 = arith.constant 0 : i32
          %dma_start3A_35 = tpu.memref_slice %dma_start3A_33[%mul3A_27, %dma_start3A_34] : memref<80x128xi32, #tpu.memory_space<hbm>> -> memref<40x128xi32, #tpu.memory_space<hbm>>
          %dma_start3A_36 = arith.constant 0 : i32
          %dma_start3A_37 = arith.constant 0 : i32
          %dma_start3A_38 = tpu.memref_slice %arg3[%add3A, %dma_start3A_36, %dma_start3A_37] : memref<32x80x128xi32, #tpu.memory_space<hbm>> -> memref<1x80x128xi32, #tpu.memory_space<hbm>>
          %dma_start3A_39 = tpu.memref_squeeze %dma_start3A_38 : memref<1x80x128xi32, #tpu.memory_space<hbm>> -> memref<80x128xi32, #tpu.memory_space<hbm>>
          %dma_start3A_40 = arith.constant 0 : i32
          %dma_start3A_41 = tpu.memref_slice %dma_start3A_39[%mul3A_27, %dma_start3A_40] : memref<80x128xi32, #tpu.memory_space<hbm>> -> memref<40x128xi32, #tpu.memory_space<hbm>>
          tpu.enqueue_dma source(%dma_start3A_41 : memref<40x128xi32, #tpu.memory_space<hbm>>) target(%arg6 : memref<40x128xi32, #tpu.memory_space<vmem>>) target_semaphore(%run_scoped3A : memref<!tpu.dma_semaphore, #tpu.memory_space<semaphore_mem>>)
          %dma_wait3A_42 = arith.constant 0 : i32
          %dma_wait3A_43 = arith.constant 0 : i32
          %dma_wait3A_44 = tpu.memref_slice %arg3[%add3A, %dma_wait3A_42, %dma_wait3A_43] : memref<32x80x128xi32, #tpu.memory_space<hbm>> -> memref<1x80x128xi32, #tpu.memory_space<hbm>>
          %dma_wait3A_45 = tpu.memref_squeeze %dma_wait3A_44 : memref<1x80x128xi32, #tpu.memory_space<hbm>> -> memref<80x128xi32, #tpu.memory_space<hbm>>
          %dma_wait3A_46 = arith.constant 0 : i32
          %dma_wait3A_47 = tpu.memref_slice %dma_wait3A_45[%mul3A_27, %dma_wait3A_46] : memref<80x128xi32, #tpu.memory_space<hbm>> -> memref<40x128xi32, #tpu.memory_space<hbm>>
          %dma_wait3A_48 = arith.constant 0 : i32
          %dma_wait3A_49 = arith.constant 0 : i32
          %dma_wait3A_50 = tpu.memref_slice %arg3[%add3A, %dma_wait3A_48, %dma_wait3A_49] : memref<32x80x128xi32, #tpu.memory_space<hbm>> -> memref<1x80x128xi32, #tpu.memory_space<hbm>>
          %dma_wait3A_51 = tpu.memref_squeeze %dma_wait3A_50 : memref<1x80x128xi32, #tpu.memory_space<hbm>> -> memref<80x128xi32, #tpu.memory_space<hbm>>
          %dma_wait3A_52 = arith.constant 0 : i32
          %dma_wait3A_53 = tpu.memref_slice %dma_wait3A_51[%mul3A_27, %dma_wait3A_52] : memref<80x128xi32, #tpu.memory_space<hbm>> -> memref<40x128xi32, #tpu.memory_space<hbm>>
          tpu.wait_dma2 semaphore(%run_scoped3A : memref<!tpu.dma_semaphore, #tpu.memory_space<semaphore_mem>>) src(%dma_wait3A_53 : memref<40x128xi32, #tpu.memory_space<hbm>>) dst(%arg6 : memref<40x128xi32, #tpu.memory_space<vmem>>)
          tpu.yield
        }) : () -> ()
        %mul3A_28 = arith.constant 40 : i32
        %mul3A_29 = arith.muli %add3A_18, %mul3A_28 : i32
        "tpu.region"() ({
          %run_scoped3A = tpu.sem_alloc : memref<!tpu.dma_semaphore, #tpu.memory_space<semaphore_mem>>
          %dma_start3A_30 = arith.constant 0 : i32
          %dma_start3A_31 = arith.constant 0 : i32
          %dma_start3A_32 = tpu.memref_slice %arg4[%add3A, %dma_start3A_30, %dma_start3A_31] : memref<32x80x128xi32, #tpu.memory_space<hbm>> -> memref<1x80x128xi32, #tpu.memory_space<hbm>>
          %dma_start3A_33 = tpu.memref_squeeze %dma_start3A_32 : memref<1x80x128xi32, #tpu.memory_space<hbm>> -> memref<80x128xi32, #tpu.memory_space<hbm>>
          %dma_start3A_34 = arith.constant 0 : i32
          %dma_start3A_35 = tpu.memref_slice %dma_start3A_33[%mul3A_29, %dma_start3A_34] : memref<80x128xi32, #tpu.memory_space<hbm>> -> memref<40x128xi32, #tpu.memory_space<hbm>>
          %dma_start3A_36 = arith.constant 0 : i32
          %dma_start3A_37 = arith.constant 0 : i32
          %dma_start3A_38 = tpu.memref_slice %arg4[%add3A, %dma_start3A_36, %dma_start3A_37] : memref<32x80x128xi32, #tpu.memory_space<hbm>> -> memref<1x80x128xi32, #tpu.memory_space<hbm>>
          %dma_start3A_39 = tpu.memref_squeeze %dma_start3A_38 : memref<1x80x128xi32, #tpu.memory_space<hbm>> -> memref<80x128xi32, #tpu.memory_space<hbm>>
          %dma_start3A_40 = arith.constant 0 : i32
          %dma_start3A_41 = tpu.memref_slice %dma_start3A_39[%mul3A_29, %dma_start3A_40] : memref<80x128xi32, #tpu.memory_space<hbm>> -> memref<40x128xi32, #tpu.memory_space<hbm>>
          tpu.enqueue_dma source(%dma_start3A_41 : memref<40x128xi32, #tpu.memory_space<hbm>>) target(%arg7 : memref<40x128xi32, #tpu.memory_space<vmem>>) target_semaphore(%run_scoped3A : memref<!tpu.dma_semaphore, #tpu.memory_space<semaphore_mem>>)
          %dma_wait3A_42 = arith.constant 0 : i32
          %dma_wait3A_43 = arith.constant 0 : i32
          %dma_wait3A_44 = tpu.memref_slice %arg4[%add3A, %dma_wait3A_42, %dma_wait3A_43] : memref<32x80x128xi32, #tpu.memory_space<hbm>> -> memref<1x80x128xi32, #tpu.memory_space<hbm>>
          %dma_wait3A_45 = tpu.memref_squeeze %dma_wait3A_44 : memref<1x80x128xi32, #tpu.memory_space<hbm>> -> memref<80x128xi32, #tpu.memory_space<hbm>>
          %dma_wait3A_46 = arith.constant 0 : i32
          %dma_wait3A_47 = tpu.memref_slice %dma_wait3A_45[%mul3A_29, %dma_wait3A_46] : memref<80x128xi32, #tpu.memory_space<hbm>> -> memref<40x128xi32, #tpu.memory_space<hbm>>
          %dma_wait3A_48 = arith.constant 0 : i32
          %dma_wait3A_49 = arith.constant 0 : i32
          %dma_wait3A_50 = tpu.memref_slice %arg4[%add3A, %dma_wait3A_48, %dma_wait3A_49] : memref<32x80x128xi32, #tpu.memory_space<hbm>> -> memref<1x80x128xi32, #tpu.memory_space<hbm>>
          %dma_wait3A_51 = tpu.memref_squeeze %dma_wait3A_50 : memref<1x80x128xi32, #tpu.memory_space<hbm>> -> memref<80x128xi32, #tpu.memory_space<hbm>>
          %dma_wait3A_52 = arith.constant 0 : i32
          %dma_wait3A_53 = tpu.memref_slice %dma_wait3A_51[%mul3A_29, %dma_wait3A_52] : memref<80x128xi32, #tpu.memory_space<hbm>> -> memref<40x128xi32, #tpu.memory_space<hbm>>
          tpu.wait_dma2 semaphore(%run_scoped3A : memref<!tpu.dma_semaphore, #tpu.memory_space<semaphore_mem>>) src(%dma_wait3A_53 : memref<40x128xi32, #tpu.memory_space<hbm>>) dst(%arg7 : memref<40x128xi32, #tpu.memory_space<vmem>>)
          tpu.yield
        }) : () -> ()
      } else {
      }
      %scan3A_21 = arith.constant 0 : i32
      %scan3A_22 = arith.constant 20 : i32
      %scan3A_23 = arith.addi %scan3A_21, %scan3A_22 : i32
      %scan3A_24 = arith.constant 1 : i32
      scf.for %scan3A_26 = %scan3A_21 to %scan3A_23 step %scan3A_24  : i32 {
        %mul3A_27 = arith.constant 1 : i32
        %mul3A_28 = arith.muli %scan3A_26, %mul3A_27 : i32
        %add3A_29 = arith.constant 0 : i32
        %add3A_30 = arith.addi %add3A_29, %mul3A_28 : i32
        %mul3A_31 = arith.constant 2 : i32
        %mul3A_32 = arith.muli %mul3A_31, %add3A_30 : i32
        %dma_start3A_33 = arith.constant 0 : i32
        %dma_start3A_34 = tpu.memref_slice %arg6[%mul3A_32, %dma_start3A_33] : memref<40x128xi32, #tpu.memory_space<vmem>> -> memref<1x128xi32, #tpu.memory_space<vmem>>
        %dma_start3A_35 = tpu.memref_squeeze %dma_start3A_34 : memref<1x128xi32, #tpu.memory_space<vmem>> -> memref<128xi32, #tpu.memory_space<vmem>>
        %dma_start3A_36 = arith.constant 0 : i32
        %dma_start3A_37 = arith.constant 0 : i32
        %dma_start3A_38 = tpu.memref_slice %arg2[%dma_start3A_36, %dma_start3A_37] : memref<10240x128xf32, #tpu.memory_space<hbm>> -> memref<10240x128xf32, #tpu.memory_space<hbm>>
        tpu.enqueue_indirect_dma source(%dma_start3A_38 : memref<10240x128xf32, #tpu.memory_space<hbm>>) target(%arg8 : memref<128x128xf32, #tpu.memory_space<vmem>>) offsets(%dma_start3A_35 : memref<128xi32, #tpu.memory_space<vmem>>) semaphore(%arg11 : memref<!tpu.dma_semaphore, #tpu.memory_space<semaphore_mem>>)
        %mul3A_39 = arith.constant 2 : i32
        %mul3A_40 = arith.muli %mul3A_39, %add3A_30 : i32
        %add3A_41 = arith.constant 1 : i32
        %add3A_42 = arith.addi %mul3A_40, %add3A_41 : i32
        %dma_start3A_43 = arith.constant 0 : i32
        %dma_start3A_44 = tpu.memref_slice %arg6[%add3A_42, %dma_start3A_43] : memref<40x128xi32, #tpu.memory_space<vmem>> -> memref<1x128xi32, #tpu.memory_space<vmem>>
        %dma_start3A_45 = tpu.memref_squeeze %dma_start3A_44 : memref<1x128xi32, #tpu.memory_space<vmem>> -> memref<128xi32, #tpu.memory_space<vmem>>
        %dma_start3A_46 = arith.constant 0 : i32
        %dma_start3A_47 = arith.constant 0 : i32
        %dma_start3A_48 = tpu.memref_slice %arg2[%dma_start3A_46, %dma_start3A_47] : memref<10240x128xf32, #tpu.memory_space<hbm>> -> memref<10240x128xf32, #tpu.memory_space<hbm>>
        tpu.enqueue_indirect_dma source(%dma_start3A_48 : memref<10240x128xf32, #tpu.memory_space<hbm>>) target(%arg9 : memref<128x128xf32, #tpu.memory_space<vmem>>) offsets(%dma_start3A_45 : memref<128xi32, #tpu.memory_space<vmem>>) semaphore(%arg12 : memref<!tpu.dma_semaphore, #tpu.memory_space<semaphore_mem>>)
        %dma_wait3A_49 = arith.constant 0 : i32
        %dma_wait3A_50 = tpu.memref_slice %arg6[%mul3A_32, %dma_wait3A_49] : memref<40x128xi32, #tpu.memory_space<vmem>> -> memref<1x128xi32, #tpu.memory_space<vmem>>
        %dma_wait3A_51 = tpu.memref_squeeze %dma_wait3A_50 : memref<1x128xi32, #tpu.memory_space<vmem>> -> memref<128xi32, #tpu.memory_space<vmem>>
        %dma_wait3A_52 = arith.constant 0 : i32
        %dma_wait3A_53 = arith.constant 0 : i32
        %dma_wait3A_54 = tpu.memref_slice %arg2[%dma_wait3A_52, %dma_wait3A_53] : memref<10240x128xf32, #tpu.memory_space<hbm>> -> memref<10240x128xf32, #tpu.memory_space<hbm>>
        tpu.wait_indirect_dma semaphore(%arg11 : memref<!tpu.dma_semaphore, #tpu.memory_space<semaphore_mem>>) src(%dma_wait3A_54 : memref<10240x128xf32, #tpu.memory_space<hbm>>) dst(%arg8 : memref<128x128xf32, #tpu.memory_space<vmem>>)
        %mul3A_55 = arith.constant 2 : i32
        %mul3A_56 = arith.muli %mul3A_55, %add3A_30 : i32
        %dma_start3A_57 = arith.constant 0 : i32
        %dma_start3A_58 = tpu.memref_slice %arg7[%mul3A_56, %dma_start3A_57] : memref<40x128xi32, #tpu.memory_space<vmem>> -> memref<1x128xi32, #tpu.memory_space<vmem>>
        %dma_start3A_59 = tpu.memref_squeeze %dma_start3A_58 : memref<1x128xi32, #tpu.memory_space<vmem>> -> memref<128xi32, #tpu.memory_space<vmem>>
        %dma_start3A_60 = arith.constant 0 : i32
        %dma_start3A_61 = arith.constant 0 : i32
        %dma_start3A_62 = tpu.memref_slice %arg10[%dma_start3A_60, %dma_start3A_61] : memref<10240x128xf32, #tpu.memory_space<vmem_shared>> -> memref<10240x128xf32, #tpu.memory_space<vmem_shared>>
        tpu.enqueue_indirect_dma source(%arg8 : memref<128x128xf32, #tpu.memory_space<vmem>>) target(%dma_start3A_62 : memref<10240x128xf32, #tpu.memory_space<vmem_shared>>) offsets(%dma_start3A_59 : memref<128xi32, #tpu.memory_space<vmem>>) semaphore(%arg13 : memref<!tpu.dma_semaphore, #tpu.memory_space<semaphore_mem>>) {add = true}
        %dma_wait3A_63 = arith.constant 0 : i32
        %dma_wait3A_64 = tpu.memref_slice %arg6[%add3A_42, %dma_wait3A_63] : memref<40x128xi32, #tpu.memory_space<vmem>> -> memref<1x128xi32, #tpu.memory_space<vmem>>
        %dma_wait3A_65 = tpu.memref_squeeze %dma_wait3A_64 : memref<1x128xi32, #tpu.memory_space<vmem>> -> memref<128xi32, #tpu.memory_space<vmem>>
        %dma_wait3A_66 = arith.constant 0 : i32
        %dma_wait3A_67 = arith.constant 0 : i32
        %dma_wait3A_68 = tpu.memref_slice %arg2[%dma_wait3A_66, %dma_wait3A_67] : memref<10240x128xf32, #tpu.memory_space<hbm>> -> memref<10240x128xf32, #tpu.memory_space<hbm>>
        tpu.wait_indirect_dma semaphore(%arg12 : memref<!tpu.dma_semaphore, #tpu.memory_space<semaphore_mem>>) src(%dma_wait3A_68 : memref<10240x128xf32, #tpu.memory_space<hbm>>) dst(%arg9 : memref<128x128xf32, #tpu.memory_space<vmem>>)
        %mul3A_69 = arith.constant 2 : i32
        %mul3A_70 = arith.muli %mul3A_69, %add3A_30 : i32
        %add3A_71 = arith.constant 1 : i32
        %add3A_72 = arith.addi %mul3A_70, %add3A_71 : i32
        %dma_start3A_73 = arith.constant 0 : i32
        %dma_start3A_74 = tpu.memref_slice %arg7[%add3A_72, %dma_start3A_73] : memref<40x128xi32, #tpu.memory_space<vmem>> -> memref<1x128xi32, #tpu.memory_space<vmem>>
        %dma_start3A_75 = tpu.memref_squeeze %dma_start3A_74 : memref<1x128xi32, #tpu.memory_space<vmem>> -> memref<128xi32, #tpu.memory_space<vmem>>
        %dma_start3A_76 = arith.constant 0 : i32
        %dma_start3A_77 = arith.constant 0 : i32
        %dma_start3A_78 = tpu.memref_slice %arg10[%dma_start3A_76, %dma_start3A_77] : memref<10240x128xf32, #tpu.memory_space<vmem_shared>> -> memref<10240x128xf32, #tpu.memory_space<vmem_shared>>
        tpu.enqueue_indirect_dma source(%arg9 : memref<128x128xf32, #tpu.memory_space<vmem>>) target(%dma_start3A_78 : memref<10240x128xf32, #tpu.memory_space<vmem_shared>>) offsets(%dma_start3A_75 : memref<128xi32, #tpu.memory_space<vmem>>) semaphore(%arg14 : memref<!tpu.dma_semaphore, #tpu.memory_space<semaphore_mem>>) {add = true}
        %dma_wait3A_79 = arith.constant 0 : i32
        %dma_wait3A_80 = tpu.memref_slice %arg7[%mul3A_56, %dma_wait3A_79] : memref<40x128xi32, #tpu.memory_space<vmem>> -> memref<1x128xi32, #tpu.memory_space<vmem>>
        %dma_wait3A_81 = tpu.memref_squeeze %dma_wait3A_80 : memref<1x128xi32, #tpu.memory_space<vmem>> -> memref<128xi32, #tpu.memory_space<vmem>>
        %dma_wait3A_82 = arith.constant 0 : i32
        %dma_wait3A_83 = arith.constant 0 : i32
        %dma_wait3A_84 = tpu.memref_slice %arg10[%dma_wait3A_82, %dma_wait3A_83] : memref<10240x128xf32, #tpu.memory_space<vmem_shared>> -> memref<10240x128xf32, #tpu.memory_space<vmem_shared>>
        tpu.wait_indirect_dma semaphore(%arg13 : memref<!tpu.dma_semaphore, #tpu.memory_space<semaphore_mem>>) src(%arg8 : memref<128x128xf32, #tpu.memory_space<vmem>>) dst(%dma_wait3A_84 : memref<10240x128xf32, #tpu.memory_space<vmem_shared>>)
        %dma_wait3A_85 = arith.constant 0 : i32
        %dma_wait3A_86 = tpu.memref_slice %arg7[%add3A_72, %dma_wait3A_85] : memref<40x128xi32, #tpu.memory_space<vmem>> -> memref<1x128xi32, #tpu.memory_space<vmem>>
        %dma_wait3A_87 = tpu.memref_squeeze %dma_wait3A_86 : memref<1x128xi32, #tpu.memory_space<vmem>> -> memref<128xi32, #tpu.memory_space<vmem>>
        %dma_wait3A_88 = arith.constant 0 : i32
        %dma_wait3A_89 = arith.constant 0 : i32
        %dma_wait3A_90 = tpu.memref_slice %arg10[%dma_wait3A_88, %dma_wait3A_89] : memref<10240x128xf32, #tpu.memory_space<vmem_shared>> -> memref<10240x128xf32, #tpu.memory_space<vmem_shared>>
        tpu.wait_indirect_dma semaphore(%arg14 : memref<!tpu.dma_semaphore, #tpu.memory_space<semaphore_mem>>) src(%arg9 : memref<128x128xf32, #tpu.memory_space<vmem>>) dst(%dma_wait3A_90 : memref<10240x128xf32, #tpu.memory_space<vmem_shared>>)
      }
      %scan3A_25 = arith.constant 20 : i32
    }
    %scan3A_12 = arith.constant 2 : i32
    %barrier3A_13 = arith.constant 0 : index
    tpu.barrier barrier_id(%barrier3A_13)
    "tpu.region"() ({
      %run_scoped3A = tpu.sem_alloc : memref<!tpu.dma_semaphore, #tpu.memory_space<semaphore_mem>>
      %dma_start3A_14 = arith.constant 0 : i32
      %dma_start3A_15 = arith.constant 0 : i32
      %dma_start3A_16 = tpu.memref_slice %arg5[%arg0, %dma_start3A_14, %dma_start3A_15] : memref<2x10240x128xf32, #tpu.memory_space<hbm>> -> memref<1x10240x128xf32, #tpu.memory_space<hbm>>
      %dma_start3A_17 = tpu.memref_squeeze %dma_start3A_16 : memref<1x10240x128xf32, #tpu.memory_space<hbm>> -> memref<10240x128xf32, #tpu.memory_space<hbm>>
      %dma_start3A_18 = arith.constant 0 : i32
      %dma_start3A_19 = tpu.memref_slice %dma_start3A_17[%mul3A_2, %dma_start3A_18] : memref<10240x128xf32, #tpu.memory_space<hbm>> -> memref<640x128xf32, #tpu.memory_space<hbm>>
      %dma_start3A_20 = arith.constant 0 : i32
      %dma_start3A_21 = tpu.memref_slice %arg10[%mul3A_2, %dma_start3A_20] : memref<10240x128xf32, #tpu.memory_space<vmem_shared>> -> memref<640x128xf32, #tpu.memory_space<vmem_shared>>
      tpu.enqueue_dma source(%dma_start3A_21 : memref<640x128xf32, #tpu.memory_space<vmem_shared>>) target(%dma_start3A_19 : memref<640x128xf32, #tpu.memory_space<hbm>>) target_semaphore(%run_scoped3A : memref<!tpu.dma_semaphore, #tpu.memory_space<semaphore_mem>>)
      %dma_wait3A_22 = arith.constant 0 : i32
      %dma_wait3A_23 = arith.constant 0 : i32
      %dma_wait3A_24 = tpu.memref_slice %arg5[%arg0, %dma_wait3A_22, %dma_wait3A_23] : memref<2x10240x128xf32, #tpu.memory_space<hbm>> -> memref<1x10240x128xf32, #tpu.memory_space<hbm>>
      %dma_wait3A_25 = tpu.memref_squeeze %dma_wait3A_24 : memref<1x10240x128xf32, #tpu.memory_space<hbm>> -> memref<10240x128xf32, #tpu.memory_space<hbm>>
      %dma_wait3A_26 = arith.constant 0 : i32
      %dma_wait3A_27 = tpu.memref_slice %dma_wait3A_25[%mul3A_2, %dma_wait3A_26] : memref<10240x128xf32, #tpu.memory_space<hbm>> -> memref<640x128xf32, #tpu.memory_space<hbm>>
      %dma_wait3A_28 = arith.constant 0 : i32
      %dma_wait3A_29 = tpu.memref_slice %arg10[%mul3A_2, %dma_wait3A_28] : memref<10240x128xf32, #tpu.memory_space<vmem_shared>> -> memref<640x128xf32, #tpu.memory_space<vmem_shared>>
      tpu.wait_dma2 semaphore(%run_scoped3A : memref<!tpu.dma_semaphore, #tpu.memory_space<semaphore_mem>>) src(%dma_wait3A_29 : memref<640x128xf32, #tpu.memory_space<vmem_shared>>) dst(%dma_wait3A_27 : memref<640x128xf32, #tpu.memory_space<hbm>>)
      tpu.yield
    }) : () -> ()
    return
  }
}

#map = affine_map<(d0, d1) -> (0, 0)>
#map1 = affine_map<(d0, d1) -> (0, 0, 0)>
module attributes {stable_mosaic.version = 14 : i64} {
  func.func @k(%arg0: i32, %arg1: i32, %arg2: memref<10240x128xf32, #tpu.memory_space<hbm>>, %arg3: memref<32x80x128xi32, #tpu.memory_space<hbm>>, %arg4: memref<32x80x128xi32, #tpu.memory_space<hbm>>, %arg5: memref<2x10240x128xf32, #tpu.memory_space<hbm>>, %arg6: memref<40x128xi32, #tpu.memory_space<vmem>>, %arg7: memref<40x128xi32, #tpu.memory_space<vmem>>, %arg8: memref<128x128xf32, #tpu.memory_space<vmem>>, %arg9: memref<128x128xf32, #tpu.memory_space<vmem>>, %arg10: memref<10240x128xf32, #tpu.memory_space<vmem_shared>>, %arg11: memref<!tpu.dma_semaphore, #tpu.memory_space<semaphore_mem>>, %arg12: memref<!tpu.dma_semaphore, #tpu.memory_space<semaphore_mem>>, %arg13: memref<!tpu.dma_semaphore, #tpu.memory_space<semaphore_mem>>, %arg14: memref<!tpu.dma_semaphore, #tpu.memory_space<semaphore_mem>>, %arg15: memref<!tpu.dma_semaphore, #tpu.memory_space<semaphore_mem>>) attributes {dimension_semantics = [#tpu.dimension_semantics<core_parallel>, #tpu.dimension_semantics<subcore_parallel>], iteration_bounds = array<i64: 2, 16>, scalar_prefetch = 0 : i64, scratch_operands = 10 : i64, tpu.core_type = #tpu.core_type<sc_vector_subcore>, window_params = [{transform_indices = #map}, {transform_indices = #map1}, {transform_indices = #map1}, {transform_indices = #map1}]} {
    %mul3A = arith.constant 16 : i32
    %mul3A_0 = arith.muli %arg0, %mul3A : i32
    %add3A = arith.addi %mul3A_0, %arg1 : i32
    %mul3A_1 = arith.constant 640 : i32
    %mul3A_2 = arith.muli %arg1, %mul3A_1 : i32
    %dma_start3A = arith.constant 0 : i32
    %dma_start3A_3 = tpu.memref_slice %arg10[%mul3A_2, %dma_start3A] : memref<10240x128xf32, #tpu.memory_space<vmem_shared>> -> memref<640x128xf32, #tpu.memory_space<vmem_shared>>
    %dma_start3A_4 = arith.constant 0 : i32
    %dma_start3A_5 = tpu.memref_slice %arg2[%mul3A_2, %dma_start3A_4] : memref<10240x128xf32, #tpu.memory_space<hbm>> -> memref<640x128xf32, #tpu.memory_space<hbm>>
    tpu.enqueue_dma source(%dma_start3A_5 : memref<640x128xf32, #tpu.memory_space<hbm>>) target(%dma_start3A_3 : memref<640x128xf32, #tpu.memory_space<vmem_shared>>) target_semaphore(%arg15 : memref<!tpu.dma_semaphore, #tpu.memory_space<semaphore_mem>>)
    "tpu.region"() ({
      %run_scoped3A = tpu.sem_alloc : memref<!tpu.dma_semaphore, #tpu.memory_space<semaphore_mem>>
      %dma_start3A_14 = arith.constant 0 : i32
      %dma_start3A_15 = arith.constant 0 : i32
      %dma_start3A_16 = tpu.memref_slice %arg3[%add3A, %dma_start3A_14, %dma_start3A_15] : memref<32x80x128xi32, #tpu.memory_space<hbm>> -> memref<1x80x128xi32, #tpu.memory_space<hbm>>
      %dma_start3A_17 = tpu.memref_squeeze %dma_start3A_16 : memref<1x80x128xi32, #tpu.memory_space<hbm>> -> memref<80x128xi32, #tpu.memory_space<hbm>>
      %dma_start3A_18 = arith.constant 0 : i32
      %dma_start3A_19 = arith.constant 0 : i32
      %dma_start3A_20 = tpu.memref_slice %dma_start3A_17[%dma_start3A_18, %dma_start3A_19] : memref<80x128xi32, #tpu.memory_space<hbm>> -> memref<40x128xi32, #tpu.memory_space<hbm>>
      %dma_start3A_21 = arith.constant 0 : i32
      %dma_start3A_22 = arith.constant 0 : i32
      %dma_start3A_23 = tpu.memref_slice %arg3[%add3A, %dma_start3A_21, %dma_start3A_22] : memref<32x80x128xi32, #tpu.memory_space<hbm>> -> memref<1x80x128xi32, #tpu.memory_space<hbm>>
      %dma_start3A_24 = tpu.memref_squeeze %dma_start3A_23 : memref<1x80x128xi32, #tpu.memory_space<hbm>> -> memref<80x128xi32, #tpu.memory_space<hbm>>
      %dma_start3A_25 = arith.constant 0 : i32
      %dma_start3A_26 = arith.constant 0 : i32
      %dma_start3A_27 = tpu.memref_slice %dma_start3A_24[%dma_start3A_25, %dma_start3A_26] : memref<80x128xi32, #tpu.memory_space<hbm>> -> memref<40x128xi32, #tpu.memory_space<hbm>>
      tpu.enqueue_dma source(%dma_start3A_27 : memref<40x128xi32, #tpu.memory_space<hbm>>) target(%arg6 : memref<40x128xi32, #tpu.memory_space<vmem>>) target_semaphore(%run_scoped3A : memref<!tpu.dma_semaphore, #tpu.memory_space<semaphore_mem>>)
      %dma_wait3A_28 = arith.constant 0 : i32
      %dma_wait3A_29 = arith.constant 0 : i32
      %dma_wait3A_30 = tpu.memref_slice %arg3[%add3A, %dma_wait3A_28, %dma_wait3A_29] : memref<32x80x128xi32, #tpu.memory_space<hbm>> -> memref<1x80x128xi32, #tpu.memory_space<hbm>>
      %dma_wait3A_31 = tpu.memref_squeeze %dma_wait3A_30 : memref<1x80x128xi32, #tpu.memory_space<hbm>> -> memref<80x128xi32, #tpu.memory_space<hbm>>
      %dma_wait3A_32 = arith.constant 0 : i32
      %dma_wait3A_33 = arith.constant 0 : i32
      %dma_wait3A_34 = tpu.memref_slice %dma_wait3A_31[%dma_wait3A_32, %dma_wait3A_33] : memref<80x128xi32, #tpu.memory_space<hbm>> -> memref<40x128xi32, #tpu.memory_space<hbm>>
      %dma_wait3A_35 = arith.constant 0 : i32
      %dma_wait3A_36 = arith.constant 0 : i32
      %dma_wait3A_37 = tpu.memref_slice %arg3[%add3A, %dma_wait3A_35, %dma_wait3A_36] : memref<32x80x128xi32, #tpu.memory_space<hbm>> -> memref<1x80x128xi32, #tpu.memory_space<hbm>>
      %dma_wait3A_38 = tpu.memref_squeeze %dma_wait3A_37 : memref<1x80x128xi32, #tpu.memory_space<hbm>> -> memref<80x128xi32, #tpu.memory_space<hbm>>
      %dma_wait3A_39 = arith.constant 0 : i32
      %dma_wait3A_40 = arith.constant 0 : i32
      %dma_wait3A_41 = tpu.memref_slice %dma_wait3A_38[%dma_wait3A_39, %dma_wait3A_40] : memref<80x128xi32, #tpu.memory_space<hbm>> -> memref<40x128xi32, #tpu.memory_space<hbm>>
      tpu.wait_dma2 semaphore(%run_scoped3A : memref<!tpu.dma_semaphore, #tpu.memory_space<semaphore_mem>>) src(%dma_wait3A_41 : memref<40x128xi32, #tpu.memory_space<hbm>>) dst(%arg6 : memref<40x128xi32, #tpu.memory_space<vmem>>)
      tpu.yield
    }) : () -> ()
    "tpu.region"() ({
      %run_scoped3A = tpu.sem_alloc : memref<!tpu.dma_semaphore, #tpu.memory_space<semaphore_mem>>
      %dma_start3A_14 = arith.constant 0 : i32
      %dma_start3A_15 = arith.constant 0 : i32
      %dma_start3A_16 = tpu.memref_slice %arg4[%add3A, %dma_start3A_14, %dma_start3A_15] : memref<32x80x128xi32, #tpu.memory_space<hbm>> -> memref<1x80x128xi32, #tpu.memory_space<hbm>>
      %dma_start3A_17 = tpu.memref_squeeze %dma_start3A_16 : memref<1x80x128xi32, #tpu.memory_space<hbm>> -> memref<80x128xi32, #tpu.memory_space<hbm>>
      %dma_start3A_18 = arith.constant 0 : i32
      %dma_start3A_19 = arith.constant 0 : i32
      %dma_start3A_20 = tpu.memref_slice %dma_start3A_17[%dma_start3A_18, %dma_start3A_19] : memref<80x128xi32, #tpu.memory_space<hbm>> -> memref<40x128xi32, #tpu.memory_space<hbm>>
      %dma_start3A_21 = arith.constant 0 : i32
      %dma_start3A_22 = arith.constant 0 : i32
      %dma_start3A_23 = tpu.memref_slice %arg4[%add3A, %dma_start3A_21, %dma_start3A_22] : memref<32x80x128xi32, #tpu.memory_space<hbm>> -> memref<1x80x128xi32, #tpu.memory_space<hbm>>
      %dma_start3A_24 = tpu.memref_squeeze %dma_start3A_23 : memref<1x80x128xi32, #tpu.memory_space<hbm>> -> memref<80x128xi32, #tpu.memory_space<hbm>>
      %dma_start3A_25 = arith.constant 0 : i32
      %dma_start3A_26 = arith.constant 0 : i32
      %dma_start3A_27 = tpu.memref_slice %dma_start3A_24[%dma_start3A_25, %dma_start3A_26] : memref<80x128xi32, #tpu.memory_space<hbm>> -> memref<40x128xi32, #tpu.memory_space<hbm>>
      tpu.enqueue_dma source(%dma_start3A_27 : memref<40x128xi32, #tpu.memory_space<hbm>>) target(%arg7 : memref<40x128xi32, #tpu.memory_space<vmem>>) target_semaphore(%run_scoped3A : memref<!tpu.dma_semaphore, #tpu.memory_space<semaphore_mem>>)
      %dma_wait3A_28 = arith.constant 0 : i32
      %dma_wait3A_29 = arith.constant 0 : i32
      %dma_wait3A_30 = tpu.memref_slice %arg4[%add3A, %dma_wait3A_28, %dma_wait3A_29] : memref<32x80x128xi32, #tpu.memory_space<hbm>> -> memref<1x80x128xi32, #tpu.memory_space<hbm>>
      %dma_wait3A_31 = tpu.memref_squeeze %dma_wait3A_30 : memref<1x80x128xi32, #tpu.memory_space<hbm>> -> memref<80x128xi32, #tpu.memory_space<hbm>>
      %dma_wait3A_32 = arith.constant 0 : i32
      %dma_wait3A_33 = arith.constant 0 : i32
      %dma_wait3A_34 = tpu.memref_slice %dma_wait3A_31[%dma_wait3A_32, %dma_wait3A_33] : memref<80x128xi32, #tpu.memory_space<hbm>> -> memref<40x128xi32, #tpu.memory_space<hbm>>
      %dma_wait3A_35 = arith.constant 0 : i32
      %dma_wait3A_36 = arith.constant 0 : i32
      %dma_wait3A_37 = tpu.memref_slice %arg4[%add3A, %dma_wait3A_35, %dma_wait3A_36] : memref<32x80x128xi32, #tpu.memory_space<hbm>> -> memref<1x80x128xi32, #tpu.memory_space<hbm>>
      %dma_wait3A_38 = tpu.memref_squeeze %dma_wait3A_37 : memref<1x80x128xi32, #tpu.memory_space<hbm>> -> memref<80x128xi32, #tpu.memory_space<hbm>>
      %dma_wait3A_39 = arith.constant 0 : i32
      %dma_wait3A_40 = arith.constant 0 : i32
      %dma_wait3A_41 = tpu.memref_slice %dma_wait3A_38[%dma_wait3A_39, %dma_wait3A_40] : memref<80x128xi32, #tpu.memory_space<hbm>> -> memref<40x128xi32, #tpu.memory_space<hbm>>
      tpu.wait_dma2 semaphore(%run_scoped3A : memref<!tpu.dma_semaphore, #tpu.memory_space<semaphore_mem>>) src(%dma_wait3A_41 : memref<40x128xi32, #tpu.memory_space<hbm>>) dst(%arg7 : memref<40x128xi32, #tpu.memory_space<vmem>>)
      tpu.yield
    }) : () -> ()
    %dma_wait3A = arith.constant 0 : i32
    %dma_wait3A_6 = tpu.memref_slice %arg10[%mul3A_2, %dma_wait3A] : memref<10240x128xf32, #tpu.memory_space<vmem_shared>> -> memref<640x128xf32, #tpu.memory_space<vmem_shared>>
    %dma_wait3A_7 = arith.constant 0 : i32
    %dma_wait3A_8 = tpu.memref_slice %arg2[%mul3A_2, %dma_wait3A_7] : memref<10240x128xf32, #tpu.memory_space<hbm>> -> memref<640x128xf32, #tpu.memory_space<hbm>>
    tpu.wait_dma2 semaphore(%arg15 : memref<!tpu.dma_semaphore, #tpu.memory_space<semaphore_mem>>) src(%dma_wait3A_8 : memref<640x128xf32, #tpu.memory_space<hbm>>) dst(%dma_wait3A_6 : memref<640x128xf32, #tpu.memory_space<vmem_shared>>)
    %barrier3A = arith.constant 0 : index
    tpu.barrier barrier_id(%barrier3A)
    %scan3A = arith.constant 0 : i32
    %scan3A_9 = arith.constant 2 : i32
    %scan3A_10 = arith.addi %scan3A, %scan3A_9 : i32
    %scan3A_11 = arith.constant 1 : i32
    scf.for %scan3A_14 = %scan3A to %scan3A_10 step %scan3A_11  : i32 {
      %mul3A_15 = arith.constant 1 : i32
      %mul3A_16 = arith.muli %scan3A_14, %mul3A_15 : i32
      %add3A_17 = arith.constant 0 : i32
      %add3A_18 = arith.addi %add3A_17, %mul3A_16 : i32
      %gt3A = arith.constant 0 : i32
      %gt3A_19 = arith.cmpi sgt, %add3A_18, %gt3A : i32
      %convert_element_type3A = arith.extui %gt3A_19 : i1 to i32
      %cond3A = arith.constant 0 : i32
      %cond3A_20 = arith.cmpi ne, %convert_element_type3A, %cond3A : i32
      scf.if %cond3A_20 {
        %mul3A_26 = arith.constant 40 : i32
        %mul3A_27 = arith.muli %add3A_18, %mul3A_26 : i32
        "tpu.region"() ({
          %run_scoped3A = tpu.sem_alloc : memref<!tpu.dma_semaphore, #tpu.memory_space<semaphore_mem>>
          %dma_start3A_30 = arith.constant 0 : i32
          %dma_start3A_31 = arith.constant 0 : i32
          %dma_start3A_32 = tpu.memref_slice %arg3[%add3A, %dma_start3A_30, %dma_start3A_31] : memref<32x80x128xi32, #tpu.memory_space<hbm>> -> memref<1x80x128xi32, #tpu.memory_space<hbm>>
          %dma_start3A_33 = tpu.memref_squeeze %dma_start3A_32 : memref<1x80x128xi32, #tpu.memory_space<hbm>> -> memref<80x128xi32, #tpu.memory_space<hbm>>
          %dma_start3A_34 = arith.constant 0 : i32
          %dma_start3A_35 = tpu.memref_slice %dma_start3A_33[%mul3A_27, %dma_start3A_34] : memref<80x128xi32, #tpu.memory_space<hbm>> -> memref<40x128xi32, #tpu.memory_space<hbm>>
          %dma_start3A_36 = arith.constant 0 : i32
          %dma_start3A_37 = arith.constant 0 : i32
          %dma_start3A_38 = tpu.memref_slice %arg3[%add3A, %dma_start3A_36, %dma_start3A_37] : memref<32x80x128xi32, #tpu.memory_space<hbm>> -> memref<1x80x128xi32, #tpu.memory_space<hbm>>
          %dma_start3A_39 = tpu.memref_squeeze %dma_start3A_38 : memref<1x80x128xi32, #tpu.memory_space<hbm>> -> memref<80x128xi32, #tpu.memory_space<hbm>>
          %dma_start3A_40 = arith.constant 0 : i32
          %dma_start3A_41 = tpu.memref_slice %dma_start3A_39[%mul3A_27, %dma_start3A_40] : memref<80x128xi32, #tpu.memory_space<hbm>> -> memref<40x128xi32, #tpu.memory_space<hbm>>
          tpu.enqueue_dma source(%dma_start3A_41 : memref<40x128xi32, #tpu.memory_space<hbm>>) target(%arg6 : memref<40x128xi32, #tpu.memory_space<vmem>>) target_semaphore(%run_scoped3A : memref<!tpu.dma_semaphore, #tpu.memory_space<semaphore_mem>>)
          %dma_wait3A_42 = arith.constant 0 : i32
          %dma_wait3A_43 = arith.constant 0 : i32
          %dma_wait3A_44 = tpu.memref_slice %arg3[%add3A, %dma_wait3A_42, %dma_wait3A_43] : memref<32x80x128xi32, #tpu.memory_space<hbm>> -> memref<1x80x128xi32, #tpu.memory_space<hbm>>
          %dma_wait3A_45 = tpu.memref_squeeze %dma_wait3A_44 : memref<1x80x128xi32, #tpu.memory_space<hbm>> -> memref<80x128xi32, #tpu.memory_space<hbm>>
          %dma_wait3A_46 = arith.constant 0 : i32
          %dma_wait3A_47 = tpu.memref_slice %dma_wait3A_45[%mul3A_27, %dma_wait3A_46] : memref<80x128xi32, #tpu.memory_space<hbm>> -> memref<40x128xi32, #tpu.memory_space<hbm>>
          %dma_wait3A_48 = arith.constant 0 : i32
          %dma_wait3A_49 = arith.constant 0 : i32
          %dma_wait3A_50 = tpu.memref_slice %arg3[%add3A, %dma_wait3A_48, %dma_wait3A_49] : memref<32x80x128xi32, #tpu.memory_space<hbm>> -> memref<1x80x128xi32, #tpu.memory_space<hbm>>
          %dma_wait3A_51 = tpu.memref_squeeze %dma_wait3A_50 : memref<1x80x128xi32, #tpu.memory_space<hbm>> -> memref<80x128xi32, #tpu.memory_space<hbm>>
          %dma_wait3A_52 = arith.constant 0 : i32
          %dma_wait3A_53 = tpu.memref_slice %dma_wait3A_51[%mul3A_27, %dma_wait3A_52] : memref<80x128xi32, #tpu.memory_space<hbm>> -> memref<40x128xi32, #tpu.memory_space<hbm>>
          tpu.wait_dma2 semaphore(%run_scoped3A : memref<!tpu.dma_semaphore, #tpu.memory_space<semaphore_mem>>) src(%dma_wait3A_53 : memref<40x128xi32, #tpu.memory_space<hbm>>) dst(%arg6 : memref<40x128xi32, #tpu.memory_space<vmem>>)
          tpu.yield
        }) : () -> ()
        %mul3A_28 = arith.constant 40 : i32
        %mul3A_29 = arith.muli %add3A_18, %mul3A_28 : i32
        "tpu.region"() ({
          %run_scoped3A = tpu.sem_alloc : memref<!tpu.dma_semaphore, #tpu.memory_space<semaphore_mem>>
          %dma_start3A_30 = arith.constant 0 : i32
          %dma_start3A_31 = arith.constant 0 : i32
          %dma_start3A_32 = tpu.memref_slice %arg4[%add3A, %dma_start3A_30, %dma_start3A_31] : memref<32x80x128xi32, #tpu.memory_space<hbm>> -> memref<1x80x128xi32, #tpu.memory_space<hbm>>
          %dma_start3A_33 = tpu.memref_squeeze %dma_start3A_32 : memref<1x80x128xi32, #tpu.memory_space<hbm>> -> memref<80x128xi32, #tpu.memory_space<hbm>>
          %dma_start3A_34 = arith.constant 0 : i32
          %dma_start3A_35 = tpu.memref_slice %dma_start3A_33[%mul3A_29, %dma_start3A_34] : memref<80x128xi32, #tpu.memory_space<hbm>> -> memref<40x128xi32, #tpu.memory_space<hbm>>
          %dma_start3A_36 = arith.constant 0 : i32
          %dma_start3A_37 = arith.constant 0 : i32
          %dma_start3A_38 = tpu.memref_slice %arg4[%add3A, %dma_start3A_36, %dma_start3A_37] : memref<32x80x128xi32, #tpu.memory_space<hbm>> -> memref<1x80x128xi32, #tpu.memory_space<hbm>>
          %dma_start3A_39 = tpu.memref_squeeze %dma_start3A_38 : memref<1x80x128xi32, #tpu.memory_space<hbm>> -> memref<80x128xi32, #tpu.memory_space<hbm>>
          %dma_start3A_40 = arith.constant 0 : i32
          %dma_start3A_41 = tpu.memref_slice %dma_start3A_39[%mul3A_29, %dma_start3A_40] : memref<80x128xi32, #tpu.memory_space<hbm>> -> memref<40x128xi32, #tpu.memory_space<hbm>>
          tpu.enqueue_dma source(%dma_start3A_41 : memref<40x128xi32, #tpu.memory_space<hbm>>) target(%arg7 : memref<40x128xi32, #tpu.memory_space<vmem>>) target_semaphore(%run_scoped3A : memref<!tpu.dma_semaphore, #tpu.memory_space<semaphore_mem>>)
          %dma_wait3A_42 = arith.constant 0 : i32
          %dma_wait3A_43 = arith.constant 0 : i32
          %dma_wait3A_44 = tpu.memref_slice %arg4[%add3A, %dma_wait3A_42, %dma_wait3A_43] : memref<32x80x128xi32, #tpu.memory_space<hbm>> -> memref<1x80x128xi32, #tpu.memory_space<hbm>>
          %dma_wait3A_45 = tpu.memref_squeeze %dma_wait3A_44 : memref<1x80x128xi32, #tpu.memory_space<hbm>> -> memref<80x128xi32, #tpu.memory_space<hbm>>
          %dma_wait3A_46 = arith.constant 0 : i32
          %dma_wait3A_47 = tpu.memref_slice %dma_wait3A_45[%mul3A_29, %dma_wait3A_46] : memref<80x128xi32, #tpu.memory_space<hbm>> -> memref<40x128xi32, #tpu.memory_space<hbm>>
          %dma_wait3A_48 = arith.constant 0 : i32
          %dma_wait3A_49 = arith.constant 0 : i32
          %dma_wait3A_50 = tpu.memref_slice %arg4[%add3A, %dma_wait3A_48, %dma_wait3A_49] : memref<32x80x128xi32, #tpu.memory_space<hbm>> -> memref<1x80x128xi32, #tpu.memory_space<hbm>>
          %dma_wait3A_51 = tpu.memref_squeeze %dma_wait3A_50 : memref<1x80x128xi32, #tpu.memory_space<hbm>> -> memref<80x128xi32, #tpu.memory_space<hbm>>
          %dma_wait3A_52 = arith.constant 0 : i32
          %dma_wait3A_53 = tpu.memref_slice %dma_wait3A_51[%mul3A_29, %dma_wait3A_52] : memref<80x128xi32, #tpu.memory_space<hbm>> -> memref<40x128xi32, #tpu.memory_space<hbm>>
          tpu.wait_dma2 semaphore(%run_scoped3A : memref<!tpu.dma_semaphore, #tpu.memory_space<semaphore_mem>>) src(%dma_wait3A_53 : memref<40x128xi32, #tpu.memory_space<hbm>>) dst(%arg7 : memref<40x128xi32, #tpu.memory_space<vmem>>)
          tpu.yield
        }) : () -> ()
      } else {
      }
      %scan3A_21 = arith.constant 0 : i32
      %scan3A_22 = arith.constant 20 : i32
      %scan3A_23 = arith.addi %scan3A_21, %scan3A_22 : i32
      %scan3A_24 = arith.constant 1 : i32
      scf.for %scan3A_26 = %scan3A_21 to %scan3A_23 step %scan3A_24  : i32 {
        %mul3A_27 = arith.constant 1 : i32
        %mul3A_28 = arith.muli %scan3A_26, %mul3A_27 : i32
        %add3A_29 = arith.constant 0 : i32
        %add3A_30 = arith.addi %add3A_29, %mul3A_28 : i32
        %mul3A_31 = arith.constant 2 : i32
        %mul3A_32 = arith.muli %mul3A_31, %add3A_30 : i32
        %dma_start3A_33 = arith.constant 0 : i32
        %dma_start3A_34 = tpu.memref_slice %arg6[%mul3A_32, %dma_start3A_33] : memref<40x128xi32, #tpu.memory_space<vmem>> -> memref<1x128xi32, #tpu.memory_space<vmem>>
        %dma_start3A_35 = tpu.memref_squeeze %dma_start3A_34 : memref<1x128xi32, #tpu.memory_space<vmem>> -> memref<128xi32, #tpu.memory_space<vmem>>
        %dma_start3A_36 = arith.constant 0 : i32
        %dma_start3A_37 = arith.constant 0 : i32
        %dma_start3A_38 = tpu.memref_slice %arg2[%dma_start3A_36, %dma_start3A_37] : memref<10240x128xf32, #tpu.memory_space<hbm>> -> memref<10240x128xf32, #tpu.memory_space<hbm>>
        tpu.enqueue_indirect_dma source(%dma_start3A_38 : memref<10240x128xf32, #tpu.memory_space<hbm>>) target(%arg8 : memref<128x128xf32, #tpu.memory_space<vmem>>) offsets(%dma_start3A_35 : memref<128xi32, #tpu.memory_space<vmem>>) semaphore(%arg11 : memref<!tpu.dma_semaphore, #tpu.memory_space<semaphore_mem>>)
        %mul3A_39 = arith.constant 2 : i32
        %mul3A_40 = arith.muli %mul3A_39, %add3A_30 : i32
        %add3A_41 = arith.constant 1 : i32
        %add3A_42 = arith.addi %mul3A_40, %add3A_41 : i32
        %dma_start3A_43 = arith.constant 0 : i32
        %dma_start3A_44 = tpu.memref_slice %arg6[%add3A_42, %dma_start3A_43] : memref<40x128xi32, #tpu.memory_space<vmem>> -> memref<1x128xi32, #tpu.memory_space<vmem>>
        %dma_start3A_45 = tpu.memref_squeeze %dma_start3A_44 : memref<1x128xi32, #tpu.memory_space<vmem>> -> memref<128xi32, #tpu.memory_space<vmem>>
        %dma_start3A_46 = arith.constant 0 : i32
        %dma_start3A_47 = arith.constant 0 : i32
        %dma_start3A_48 = tpu.memref_slice %arg2[%dma_start3A_46, %dma_start3A_47] : memref<10240x128xf32, #tpu.memory_space<hbm>> -> memref<10240x128xf32, #tpu.memory_space<hbm>>
        tpu.enqueue_indirect_dma source(%dma_start3A_48 : memref<10240x128xf32, #tpu.memory_space<hbm>>) target(%arg9 : memref<128x128xf32, #tpu.memory_space<vmem>>) offsets(%dma_start3A_45 : memref<128xi32, #tpu.memory_space<vmem>>) semaphore(%arg12 : memref<!tpu.dma_semaphore, #tpu.memory_space<semaphore_mem>>)
        %dma_wait3A_49 = arith.constant 0 : i32
        %dma_wait3A_50 = tpu.memref_slice %arg6[%mul3A_32, %dma_wait3A_49] : memref<40x128xi32, #tpu.memory_space<vmem>> -> memref<1x128xi32, #tpu.memory_space<vmem>>
        %dma_wait3A_51 = tpu.memref_squeeze %dma_wait3A_50 : memref<1x128xi32, #tpu.memory_space<vmem>> -> memref<128xi32, #tpu.memory_space<vmem>>
        %dma_wait3A_52 = arith.constant 0 : i32
        %dma_wait3A_53 = arith.constant 0 : i32
        %dma_wait3A_54 = tpu.memref_slice %arg2[%dma_wait3A_52, %dma_wait3A_53] : memref<10240x128xf32, #tpu.memory_space<hbm>> -> memref<10240x128xf32, #tpu.memory_space<hbm>>
        tpu.wait_indirect_dma semaphore(%arg11 : memref<!tpu.dma_semaphore, #tpu.memory_space<semaphore_mem>>) src(%dma_wait3A_54 : memref<10240x128xf32, #tpu.memory_space<hbm>>) dst(%arg8 : memref<128x128xf32, #tpu.memory_space<vmem>>)
        %mul3A_55 = arith.constant 2 : i32
        %mul3A_56 = arith.muli %mul3A_55, %add3A_30 : i32
        %dma_start3A_57 = arith.constant 0 : i32
        %dma_start3A_58 = tpu.memref_slice %arg7[%mul3A_56, %dma_start3A_57] : memref<40x128xi32, #tpu.memory_space<vmem>> -> memref<1x128xi32, #tpu.memory_space<vmem>>
        %dma_start3A_59 = tpu.memref_squeeze %dma_start3A_58 : memref<1x128xi32, #tpu.memory_space<vmem>> -> memref<128xi32, #tpu.memory_space<vmem>>
        %dma_start3A_60 = arith.constant 0 : i32
        %dma_start3A_61 = arith.constant 0 : i32
        %dma_start3A_62 = tpu.memref_slice %arg10[%dma_start3A_60, %dma_start3A_61] : memref<10240x128xf32, #tpu.memory_space<vmem_shared>> -> memref<10240x128xf32, #tpu.memory_space<vmem_shared>>
        tpu.enqueue_indirect_dma source(%arg8 : memref<128x128xf32, #tpu.memory_space<vmem>>) target(%dma_start3A_62 : memref<10240x128xf32, #tpu.memory_space<vmem_shared>>) offsets(%dma_start3A_59 : memref<128xi32, #tpu.memory_space<vmem>>) semaphore(%arg13 : memref<!tpu.dma_semaphore, #tpu.memory_space<semaphore_mem>>) {add = true}
        %dma_wait3A_63 = arith.constant 0 : i32
        %dma_wait3A_64 = tpu.memref_slice %arg6[%add3A_42, %dma_wait3A_63] : memref<40x128xi32, #tpu.memory_space<vmem>> -> memref<1x128xi32, #tpu.memory_space<vmem>>
        %dma_wait3A_65 = tpu.memref_squeeze %dma_wait3A_64 : memref<1x128xi32, #tpu.memory_space<vmem>> -> memref<128xi32, #tpu.memory_space<vmem>>
        %dma_wait3A_66 = arith.constant 0 : i32
        %dma_wait3A_67 = arith.constant 0 : i32
        %dma_wait3A_68 = tpu.memref_slice %arg2[%dma_wait3A_66, %dma_wait3A_67] : memref<10240x128xf32, #tpu.memory_space<hbm>> -> memref<10240x128xf32, #tpu.memory_space<hbm>>
        tpu.wait_indirect_dma semaphore(%arg12 : memref<!tpu.dma_semaphore, #tpu.memory_space<semaphore_mem>>) src(%dma_wait3A_68 : memref<10240x128xf32, #tpu.memory_space<hbm>>) dst(%arg9 : memref<128x128xf32, #tpu.memory_space<vmem>>)
        %mul3A_69 = arith.constant 2 : i32
        %mul3A_70 = arith.muli %mul3A_69, %add3A_30 : i32
        %add3A_71 = arith.constant 1 : i32
        %add3A_72 = arith.addi %mul3A_70, %add3A_71 : i32
        %dma_start3A_73 = arith.constant 0 : i32
        %dma_start3A_74 = tpu.memref_slice %arg7[%add3A_72, %dma_start3A_73] : memref<40x128xi32, #tpu.memory_space<vmem>> -> memref<1x128xi32, #tpu.memory_space<vmem>>
        %dma_start3A_75 = tpu.memref_squeeze %dma_start3A_74 : memref<1x128xi32, #tpu.memory_space<vmem>> -> memref<128xi32, #tpu.memory_space<vmem>>
        %dma_start3A_76 = arith.constant 0 : i32
        %dma_start3A_77 = arith.constant 0 : i32
        %dma_start3A_78 = tpu.memref_slice %arg10[%dma_start3A_76, %dma_start3A_77] : memref<10240x128xf32, #tpu.memory_space<vmem_shared>> -> memref<10240x128xf32, #tpu.memory_space<vmem_shared>>
        tpu.enqueue_indirect_dma source(%arg9 : memref<128x128xf32, #tpu.memory_space<vmem>>) target(%dma_start3A_78 : memref<10240x128xf32, #tpu.memory_space<vmem_shared>>) offsets(%dma_start3A_75 : memref<128xi32, #tpu.memory_space<vmem>>) semaphore(%arg14 : memref<!tpu.dma_semaphore, #tpu.memory_space<semaphore_mem>>) {add = true}
        %dma_wait3A_79 = arith.constant 0 : i32
        %dma_wait3A_80 = tpu.memref_slice %arg7[%mul3A_56, %dma_wait3A_79] : memref<40x128xi32, #tpu.memory_space<vmem>> -> memref<1x128xi32, #tpu.memory_space<vmem>>
        %dma_wait3A_81 = tpu.memref_squeeze %dma_wait3A_80 : memref<1x128xi32, #tpu.memory_space<vmem>> -> memref<128xi32, #tpu.memory_space<vmem>>
        %dma_wait3A_82 = arith.constant 0 : i32
        %dma_wait3A_83 = arith.constant 0 : i32
        %dma_wait3A_84 = tpu.memref_slice %arg10[%dma_wait3A_82, %dma_wait3A_83] : memref<10240x128xf32, #tpu.memory_space<vmem_shared>> -> memref<10240x128xf32, #tpu.memory_space<vmem_shared>>
        tpu.wait_indirect_dma semaphore(%arg13 : memref<!tpu.dma_semaphore, #tpu.memory_space<semaphore_mem>>) src(%arg8 : memref<128x128xf32, #tpu.memory_space<vmem>>) dst(%dma_wait3A_84 : memref<10240x128xf32, #tpu.memory_space<vmem_shared>>)
        %dma_wait3A_85 = arith.constant 0 : i32
        %dma_wait3A_86 = tpu.memref_slice %arg7[%add3A_72, %dma_wait3A_85] : memref<40x128xi32, #tpu.memory_space<vmem>> -> memref<1x128xi32, #tpu.memory_space<vmem>>
        %dma_wait3A_87 = tpu.memref_squeeze %dma_wait3A_86 : memref<1x128xi32, #tpu.memory_space<vmem>> -> memref<128xi32, #tpu.memory_space<vmem>>
        %dma_wait3A_88 = arith.constant 0 : i32
        %dma_wait3A_89 = arith.constant 0 : i32
        %dma_wait3A_90 = tpu.memref_slice %arg10[%dma_wait3A_88, %dma_wait3A_89] : memref<10240x128xf32, #tpu.memory_space<vmem_shared>> -> memref<10240x128xf32, #tpu.memory_space<vmem_shared>>
        tpu.wait_indirect_dma semaphore(%arg14 : memref<!tpu.dma_semaphore, #tpu.memory_space<semaphore_mem>>) src(%arg9 : memref<128x128xf32, #tpu.memory_space<vmem>>) dst(%dma_wait3A_90 : memref<10240x128xf32, #tpu.memory_space<vmem_shared>>)
      }
      %scan3A_25 = arith.constant 20 : i32
    }
    %scan3A_12 = arith.constant 2 : i32
    %barrier3A_13 = arith.constant 0 : index
    tpu.barrier barrier_id(%barrier3A_13)
    "tpu.region"() ({
      %run_scoped3A = tpu.sem_alloc : memref<!tpu.dma_semaphore, #tpu.memory_space<semaphore_mem>>
      %dma_start3A_14 = arith.constant 0 : i32
      %dma_start3A_15 = arith.constant 0 : i32
      %dma_start3A_16 = tpu.memref_slice %arg5[%arg0, %dma_start3A_14, %dma_start3A_15] : memref<2x10240x128xf32, #tpu.memory_space<hbm>> -> memref<1x10240x128xf32, #tpu.memory_space<hbm>>
      %dma_start3A_17 = tpu.memref_squeeze %dma_start3A_16 : memref<1x10240x128xf32, #tpu.memory_space<hbm>> -> memref<10240x128xf32, #tpu.memory_space<hbm>>
      %dma_start3A_18 = arith.constant 0 : i32
      %dma_start3A_19 = tpu.memref_slice %dma_start3A_17[%mul3A_2, %dma_start3A_18] : memref<10240x128xf32, #tpu.memory_space<hbm>> -> memref<640x128xf32, #tpu.memory_space<hbm>>
      %dma_start3A_20 = arith.constant 0 : i32
      %dma_start3A_21 = tpu.memref_slice %arg10[%mul3A_2, %dma_start3A_20] : memref<10240x128xf32, #tpu.memory_space<vmem_shared>> -> memref<640x128xf32, #tpu.memory_space<vmem_shared>>
      tpu.enqueue_dma source(%dma_start3A_21 : memref<640x128xf32, #tpu.memory_space<vmem_shared>>) target(%dma_start3A_19 : memref<640x128xf32, #tpu.memory_space<hbm>>) target_semaphore(%run_scoped3A : memref<!tpu.dma_semaphore, #tpu.memory_space<semaphore_mem>>)
      %dma_wait3A_22 = arith.constant 0 : i32
      %dma_wait3A_23 = arith.constant 0 : i32
      %dma_wait3A_24 = tpu.memref_slice %arg5[%arg0, %dma_wait3A_22, %dma_wait3A_23] : memref<2x10240x128xf32, #tpu.memory_space<hbm>> -> memref<1x10240x128xf32, #tpu.memory_space<hbm>>
      %dma_wait3A_25 = tpu.memref_squeeze %dma_wait3A_24 : memref<1x10240x128xf32, #tpu.memory_space<hbm>> -> memref<10240x128xf32, #tpu.memory_space<hbm>>
      %dma_wait3A_26 = arith.constant 0 : i32
      %dma_wait3A_27 = tpu.memref_slice %dma_wait3A_25[%mul3A_2, %dma_wait3A_26] : memref<10240x128xf32, #tpu.memory_space<hbm>> -> memref<640x128xf32, #tpu.memory_space<hbm>>
      %dma_wait3A_28 = arith.constant 0 : i32
      %dma_wait3A_29 = tpu.memref_slice %arg10[%mul3A_2, %dma_wait3A_28] : memref<10240x128xf32, #tpu.memory_space<vmem_shared>> -> memref<640x128xf32, #tpu.memory_space<vmem_shared>>
      tpu.wait_dma2 semaphore(%run_scoped3A : memref<!tpu.dma_semaphore, #tpu.memory_space<semaphore_mem>>) src(%dma_wait3A_29 : memref<640x128xf32, #tpu.memory_space<vmem_shared>>) dst(%dma_wait3A_27 : memref<640x128xf32, #tpu.memory_space<hbm>>)
      tpu.yield
    }) : () -> ()
    return
  }
}

module attributes {stable_mosaic.version = 14 : i64} {
  func.func @body(%arg0: i32, %arg1: memref<1024x128xf32, #tpu.memory_space<vmem>>, %arg2: memref<2x1024x128xf32, #tpu.memory_space<vmem>>, %arg3: memref<1024x128xf32, #tpu.memory_space<vmem>>, %arg4: memref<1024x128xf32, #tpu.memory_space<vmem>>) attributes {dimension_semantics = [#tpu.dimension_semantics<arbitrary>], iteration_bounds = array<i64: 10>, scalar_prefetch = 0 : i64, scratch_operands = 0 : i64, tpu.core_type = #tpu.core_type<tc>, window_params = [{transform_indices = @transform_0, window_bounds = array<i64: 1024, 128>}, {transform_indices = @transform_1, window_bounds = array<i64: 2, 1024, 128>}, {transform_indices = @transform_2, window_bounds = array<i64: 1024, 128>}, {transform_indices = @transform_3, window_bounds = array<i64: 1024, 128>}]} {
    %get3A = arith.constant 0 : index
    %get3A_0 = arith.constant 0 : index
    %get3A_1 = arith.constant 0 : index
    %get3A_2 = vector.load %arg2[%get3A, %get3A_0, %get3A_1] : memref<2x1024x128xf32, #tpu.memory_space<vmem>>, vector<1x1024x1xf32>
    %get3A_3 = vector.shape_cast %get3A_2 : vector<1x1024x1xf32> to vector<1024x1xf32>
    %get3A_4 = arith.constant 1 : index
    %get3A_5 = arith.constant 0 : index
    %get3A_6 = arith.constant 0 : index
    %get3A_7 = vector.load %arg2[%get3A_4, %get3A_5, %get3A_6] : memref<2x1024x128xf32, #tpu.memory_space<vmem>>, vector<1x1024x1xf32>
    %get3A_8 = vector.shape_cast %get3A_7 : vector<1x1024x1xf32> to vector<1024x1xf32>
    %add3A = arith.addf %get3A_3, %get3A_8 : vector<1024x1xf32>
    %add3A_9 = arith.constant 1.000000e+00 : f32
    %add3A_10 = vector.broadcast %add3A_9 : f32 to vector<1024x1xf32>
    %add3A_11 = arith.addf %add3A, %add3A_10 : vector<1024x1xf32>
    %rsqrt3A = math.rsqrt %add3A_11 : vector<1024x1xf32>
    %broadcast_in_dim3A = vector.shape_cast %rsqrt3A : vector<1024x1xf32> to vector<1024x1xf32>
    %broadcast_in_dim3A_12 = vector.broadcast %broadcast_in_dim3A : vector<1024x1xf32> to vector<1024x128xf32>
    %swap3A = arith.constant 0 : index
    %swap3A_13 = arith.constant 0 : index
    %swap3A_14 = vector.load %arg3[%swap3A, %swap3A_13] : memref<1024x128xf32, #tpu.memory_space<vmem>>, vector<1024x128xf32>
    tpu.vector_store %arg3[%swap3A, %swap3A_13], %broadcast_in_dim3A_12 {strides = array<i32>} : memref<1024x128xf32, #tpu.memory_space<vmem>>, vector<1024x128xf32>,
    %get3A_15 = arith.constant 0 : index
    %get3A_16 = arith.constant 0 : index
    %get3A_17 = vector.load %arg1[%get3A_15, %get3A_16] : memref<1024x128xf32, #tpu.memory_space<vmem>>, vector<1024x128xf32>
    %mul3A = vector.broadcast %rsqrt3A : vector<1024x1xf32> to vector<1024x128xf32>
    %mul3A_18 = arith.mulf %get3A_17, %mul3A : vector<1024x128xf32>
    %swap3A_19 = arith.constant 0 : index
    %swap3A_20 = arith.constant 0 : index
    %swap3A_21 = vector.load %arg4[%swap3A_19, %swap3A_20] : memref<1024x128xf32, #tpu.memory_space<vmem>>, vector<1024x128xf32>
    tpu.vector_store %arg4[%swap3A_19, %swap3A_20], %mul3A_18 {strides = array<i32>} : memref<1024x128xf32, #tpu.memory_space<vmem>>, vector<1024x128xf32>,
    return
  }
  func.func @transform_0(%arg0: i32) -> (i32, i32) {
    %c0_i32 = arith.constant 0 : i32
    %c0_i32_0 = arith.constant 0 : i32
    return %arg0, %c0_i32 : i32, i32
  }
  func.func @transform_1(%arg0: i32) -> (i32, i32, i32) {
    %c0_i32 = arith.constant 0 : i32
    %c0_i32_0 = arith.constant 0 : i32
    %c0_i32_1 = arith.constant 0 : i32
    return %c0_i32, %arg0, %c0_i32_0 : i32, i32, i32
  }
  func.func @transform_2(%arg0: i32) -> (i32, i32) {
    %c0_i32 = arith.constant 0 : i32
    %c0_i32_0 = arith.constant 0 : i32
    return %arg0, %c0_i32 : i32, i32
  }
  func.func @transform_3(%arg0: i32) -> (i32, i32) {
    %c0_i32 = arith.constant 0 : i32
    %c0_i32_0 = arith.constant 0 : i32
    return %arg0, %c0_i32 : i32, i32
  }
}

module attributes {stable_mosaic.version = 14 : i64} {
  func.func @body(%arg0: i32, %arg1: memref<1024x128xf32, #tpu.memory_space<vmem>>, %arg2: memref<128x128xf32, #tpu.memory_space<vmem>>, %arg3: memref<1024x128xf32, #tpu.memory_space<vmem>>) attributes {dimension_semantics = [#tpu.dimension_semantics<arbitrary>], iteration_bounds = array<i64: 10>, scalar_prefetch = 0 : i64, scratch_operands = 0 : i64, tpu.core_type = #tpu.core_type<tc>, window_params = [{transform_indices = @transform_0, window_bounds = array<i64: 1024, 128>}, {pipeline_mode = #tpu.pipeline_mode<synchronous>, transform_indices = @transform_1, window_bounds = array<i64: 128, 128>}, {transform_indices = @transform_2, window_bounds = array<i64: 1024, 128>}]} {
    %get3A = arith.constant 0 : index
    %get3A_0 = arith.constant 0 : index
    %get3A_1 = vector.load %arg1[%get3A, %get3A_0] : memref<1024x128xf32, #tpu.memory_space<vmem>>, vector<1024x128xf32>
    %get3A_2 = arith.constant 0 : index
    %get3A_3 = arith.constant 0 : index
    %get3A_4 = vector.load %arg2[%get3A_2, %get3A_3] : memref<128x128xf32, #tpu.memory_space<vmem>>, vector<128x128xf32>
    %dot_general3A = arith.constant dense<0.000000e+00> : vector<1024x128xf32>
    %dot_general3A_5 = tpu.matmul %get3A_1, %get3A_4, %dot_general3A {dimension_numbers = #tpu.dot_dimension_numbers<[1], [0], [0], [1], [0, 0, 1, 1], [], []>, transpose_lhs_hint = false} : vector<1024x128xf32>, vector<128x128xf32>, vector<1024x128xf32> -> vector<1024x128xf32>
    %swap3A = arith.constant 0 : index
    %swap3A_6 = arith.constant 0 : index
    %swap3A_7 = vector.load %arg3[%swap3A, %swap3A_6] : memref<1024x128xf32, #tpu.memory_space<vmem>>, vector<1024x128xf32>
    tpu.vector_store %arg3[%swap3A, %swap3A_6], %dot_general3A_5 {strides = array<i32>} : memref<1024x128xf32, #tpu.memory_space<vmem>>, vector<1024x128xf32>,
    return
  }
  func.func @transform_0(%arg0: i32) -> (i32, i32) {
    %c0_i32 = arith.constant 0 : i32
    %c0_i32_0 = arith.constant 0 : i32
    return %arg0, %c0_i32 : i32, i32
  }
  func.func @transform_1(%arg0: i32) -> (i32, i32) {
    %c0_i32 = arith.constant 0 : i32
    %c0_i32_0 = arith.constant 0 : i32
    %c0_i32_1 = arith.constant 0 : i32
    return %c0_i32, %c0_i32_0 : i32, i32
  }
  func.func @transform_2(%arg0: i32) -> (i32, i32) {
    %c0_i32 = arith.constant 0 : i32
    %c0_i32_0 = arith.constant 0 : i32
    return %arg0, %c0_i32 : i32, i32
  }
}

module attributes {stable_mosaic.version = 14 : i64} {
  func.func @body(%arg0: i32, %arg1: memref<2x1024x128xf32, #tpu.memory_space<vmem>>, %arg2: memref<1024x128xf32, #tpu.memory_space<vmem>>, %arg3: memref<1024x128xf32, #tpu.memory_space<vmem>>, %arg4: memref<1x128xf32, #tpu.memory_space<vmem>>, %arg5: memref<1x128xf32, #tpu.memory_space<vmem>>, %arg6: memref<1x128xf32, #tpu.memory_space<vmem>>, %arg7: memref<128x128xf32, #tpu.memory_space<vmem>>, %arg8: memref<1024x128xf32, #tpu.memory_space<vmem>>, %arg9: memref<1024x128xf32, #tpu.memory_space<vmem>>) attributes {dimension_semantics = [#tpu.dimension_semantics<arbitrary>], iteration_bounds = array<i64: 10>, scalar_prefetch = 0 : i64, scratch_operands = 0 : i64, tpu.core_type = #tpu.core_type<tc>, window_params = [{transform_indices = @transform_0, window_bounds = array<i64: 2, 1024, 128>}, {transform_indices = @transform_1, window_bounds = array<i64: 1024, 128>}, {transform_indices = @transform_2, window_bounds = array<i64: 1024, 128>}, {pipeline_mode = #tpu.pipeline_mode<synchronous>, transform_indices = @transform_3, window_bounds = array<i64: 1, 128>}, {pipeline_mode = #tpu.pipeline_mode<synchronous>, transform_indices = @transform_4, window_bounds = array<i64: 1, 128>}, {pipeline_mode = #tpu.pipeline_mode<synchronous>, transform_indices = @transform_5, window_bounds = array<i64: 1, 128>}, {pipeline_mode = #tpu.pipeline_mode<synchronous>, transform_indices = @transform_6, window_bounds = array<i64: 128, 128>}, {transform_indices = @transform_7, window_bounds = array<i64: 1024, 128>}, {transform_indices = @transform_8, window_bounds = array<i64: 1024, 128>}]} {
    %get3A = arith.constant 0 : index
    %get3A_0 = arith.constant 0 : index
    %get3A_1 = vector.load %arg3[%get3A, %get3A_0] : memref<1024x128xf32, #tpu.memory_space<vmem>>, vector<1024x128xf32>
    %get3A_2 = arith.constant 0 : index
    %get3A_3 = arith.constant 0 : index
    %get3A_4 = arith.constant 0 : index
    %get3A_5 = vector.load %arg1[%get3A_2, %get3A_3, %get3A_4] : memref<2x1024x128xf32, #tpu.memory_space<vmem>>, vector<1x1024x128xf32>
    %get3A_6 = vector.shape_cast %get3A_5 : vector<1x1024x128xf32> to vector<1024x128xf32>
    %get3A_7 = arith.constant 1 : index
    %get3A_8 = arith.constant 0 : index
    %get3A_9 = arith.constant 0 : index
    %get3A_10 = vector.load %arg1[%get3A_7, %get3A_8, %get3A_9] : memref<2x1024x128xf32, #tpu.memory_space<vmem>>, vector<1x1024x128xf32>
    %get3A_11 = vector.shape_cast %get3A_10 : vector<1x1024x128xf32> to vector<1024x128xf32>
    %add3A = arith.addf %get3A_6, %get3A_11 : vector<1024x128xf32>
    %get3A_12 = arith.constant 0 : index
    %get3A_13 = arith.constant 0 : index
    %get3A_14 = vector.load %arg2[%get3A_12, %get3A_13] : memref<1024x128xf32, #tpu.memory_space<vmem>>, vector<1024x128xf32>
    %sub3A = arith.subf %add3A, %get3A_14 : vector<1024x128xf32>
    %mul3A = arith.mulf %get3A_1, %sub3A : vector<1024x128xf32>
    %get3A_15 = arith.constant 0 : index
    %get3A_16 = arith.constant 0 : index
    %get3A_17 = vector.load %arg4[%get3A_15, %get3A_16] : memref<1x128xf32, #tpu.memory_space<vmem>>, vector<1x128xf32>
    %add3A_18 = vector.broadcast %get3A_17 : vector<1x128xf32> to vector<1024x128xf32>
    %add3A_19 = arith.addf %mul3A, %add3A_18 : vector<1024x128xf32>
    %max3A = arith.constant 0.000000e+00 : f32
    %max3A_20 = vector.broadcast %max3A : f32 to vector<1024x128xf32>
    %max3A_21 = arith.maximumf %add3A_19, %max3A_20 : vector<1024x128xf32>
    %swap3A = arith.constant 0 : index
    %swap3A_22 = arith.constant 0 : index
    %swap3A_23 = vector.load %arg8[%swap3A, %swap3A_22] : memref<1024x128xf32, #tpu.memory_space<vmem>>, vector<1024x128xf32>
    tpu.vector_store %arg8[%swap3A, %swap3A_22], %max3A_21 {strides = array<i32>} : memref<1024x128xf32, #tpu.memory_space<vmem>>, vector<1024x128xf32>,
    %get3A_24 = arith.constant 0 : index
    %get3A_25 = arith.constant 0 : index
    %get3A_26 = vector.load %arg5[%get3A_24, %get3A_25] : memref<1x128xf32, #tpu.memory_space<vmem>>, vector<1x128xf32>
    %get3A_27 = arith.constant 0 : index
    %get3A_28 = arith.constant 0 : index
    %get3A_29 = vector.load %arg6[%get3A_27, %get3A_28] : memref<1x128xf32, #tpu.memory_space<vmem>>, vector<1x128xf32>
    %reduce_sum3A = arith.constant dense<0.000000e+00> : vector<1024xf32>
    %reduce_sum3A_30 = vector.multi_reduction <add>, %max3A_21, %reduce_sum3A [1] : vector<1024x128xf32> to vector<1024xf32>
    %broadcast_in_dim3A = vector.shape_cast %reduce_sum3A_30 : vector<1024xf32> to vector<1024x1xf32>
    %div3A = arith.constant 1.280000e+02 : f32
    %div3A_31 = vector.broadcast %div3A : f32 to vector<1024x1xf32>
    %div3A_32 = arith.divf %broadcast_in_dim3A, %div3A_31 : vector<1024x1xf32>
    %sub3A_33 = vector.broadcast %div3A_32 : vector<1024x1xf32> to vector<1024x128xf32>
    %sub3A_34 = arith.subf %max3A_21, %sub3A_33 : vector<1024x128xf32>
    %integer_pow3A = arith.mulf %sub3A_34, %sub3A_34 : vector<1024x128xf32>
    %reduce_sum3A_35 = arith.constant dense<0.000000e+00> : vector<1024xf32>
    %reduce_sum3A_36 = vector.multi_reduction <add>, %integer_pow3A, %reduce_sum3A_35 [1] : vector<1024x128xf32> to vector<1024xf32>
    %broadcast_in_dim3A_37 = vector.shape_cast %reduce_sum3A_36 : vector<1024xf32> to vector<1024x1xf32>
    %div3A_38 = arith.constant 1.280000e+02 : f32
    %div3A_39 = vector.broadcast %div3A_38 : f32 to vector<1024x1xf32>
    %div3A_40 = arith.divf %broadcast_in_dim3A_37, %div3A_39 : vector<1024x1xf32>
    %sub3A_41 = vector.broadcast %div3A_32 : vector<1024x1xf32> to vector<1024x128xf32>
    %sub3A_42 = arith.subf %max3A_21, %sub3A_41 : vector<1024x128xf32>
    %add3A_43 = arith.constant 9.99999974E-6 : f32
    %add3A_44 = vector.broadcast %add3A_43 : f32 to vector<1024x1xf32>
    %add3A_45 = arith.addf %div3A_40, %add3A_44 : vector<1024x1xf32>
    %sqrt3A = math.sqrt %add3A_45 : vector<1024x1xf32>
    %div3A_46 = vector.broadcast %sqrt3A : vector<1024x1xf32> to vector<1024x128xf32>
    %div3A_47 = arith.divf %sub3A_42, %div3A_46 : vector<1024x128xf32>
    %mul3A_48 = vector.broadcast %get3A_26 : vector<1x128xf32> to vector<1024x128xf32>
    %mul3A_49 = arith.mulf %div3A_47, %mul3A_48 : vector<1024x128xf32>
    %add3A_50 = vector.broadcast %get3A_29 : vector<1x128xf32> to vector<1024x128xf32>
    %add3A_51 = arith.addf %mul3A_49, %add3A_50 : vector<1024x128xf32>
    %get3A_52 = arith.constant 0 : index
    %get3A_53 = arith.constant 0 : index
    %get3A_54 = vector.load %arg7[%get3A_52, %get3A_53] : memref<128x128xf32, #tpu.memory_space<vmem>>, vector<128x128xf32>
    %dot_general3A = arith.constant dense<0.000000e+00> : vector<1024x128xf32>
    %dot_general3A_55 = tpu.matmul %add3A_51, %get3A_54, %dot_general3A {dimension_numbers = #tpu.dot_dimension_numbers<[1], [0], [0], [1], [0, 0, 1, 1], [], []>, transpose_lhs_hint = false} : vector<1024x128xf32>, vector<128x128xf32>, vector<1024x128xf32> -> vector<1024x128xf32>
    %mul3A_56 = arith.mulf %dot_general3A_55, %get3A_1 : vector<1024x128xf32>
    %swap3A_57 = arith.constant 0 : index
    %swap3A_58 = arith.constant 0 : index
    %swap3A_59 = vector.load %arg9[%swap3A_57, %swap3A_58] : memref<1024x128xf32, #tpu.memory_space<vmem>>, vector<1024x128xf32>
    tpu.vector_store %arg9[%swap3A_57, %swap3A_58], %mul3A_56 {strides = array<i32>} : memref<1024x128xf32, #tpu.memory_space<vmem>>, vector<1024x128xf32>,
    return
  }
  func.func @transform_0(%arg0: i32) -> (i32, i32, i32) {
    %c0_i32 = arith.constant 0 : i32
    %c0_i32_0 = arith.constant 0 : i32
    %c0_i32_1 = arith.constant 0 : i32
    return %c0_i32, %arg0, %c0_i32_0 : i32, i32, i32
  }
  func.func @transform_1(%arg0: i32) -> (i32, i32) {
    %c0_i32 = arith.constant 0 : i32
    %c0_i32_0 = arith.constant 0 : i32
    return %arg0, %c0_i32 : i32, i32
  }
  func.func @transform_2(%arg0: i32) -> (i32, i32) {
    %c0_i32 = arith.constant 0 : i32
    %c0_i32_0 = arith.constant 0 : i32
    return %arg0, %c0_i32 : i32, i32
  }
  func.func @transform_3(%arg0: i32) -> (i32, i32) {
    %c0_i32 = arith.constant 0 : i32
    %c0_i32_0 = arith.constant 0 : i32
    %c0_i32_1 = arith.constant 0 : i32
    return %c0_i32, %c0_i32_0 : i32, i32
  }
  func.func @transform_4(%arg0: i32) -> (i32, i32) {
    %c0_i32 = arith.constant 0 : i32
    %c0_i32_0 = arith.constant 0 : i32
    %c0_i32_1 = arith.constant 0 : i32
    return %c0_i32, %c0_i32_0 : i32, i32
  }
  func.func @transform_5(%arg0: i32) -> (i32, i32) {
    %c0_i32 = arith.constant 0 : i32
    %c0_i32_0 = arith.constant 0 : i32
    %c0_i32_1 = arith.constant 0 : i32
    return %c0_i32, %c0_i32_0 : i32, i32
  }
  func.func @transform_6(%arg0: i32) -> (i32, i32) {
    %c0_i32 = arith.constant 0 : i32
    %c0_i32_0 = arith.constant 0 : i32
    %c0_i32_1 = arith.constant 0 : i32
    return %c0_i32, %c0_i32_0 : i32, i32
  }
  func.func @transform_7(%arg0: i32) -> (i32, i32) {
    %c0_i32 = arith.constant 0 : i32
    %c0_i32_0 = arith.constant 0 : i32
    return %arg0, %c0_i32 : i32, i32
  }
  func.func @transform_8(%arg0: i32) -> (i32, i32) {
    %c0_i32 = arith.constant 0 : i32
    %c0_i32_0 = arith.constant 0 : i32
    return %arg0, %c0_i32 : i32, i32
  }
}

module attributes {stable_mosaic.version = 14 : i64} {
  func.func @body(%arg0: i32, %arg1: memref<2x1024x128xf32, #tpu.memory_space<vmem>>, %arg2: memref<1024x128xf32, #tpu.memory_space<vmem>>, %arg3: memref<1024x128xf32, #tpu.memory_space<vmem>>, %arg4: memref<1x128xf32, #tpu.memory_space<vmem>>, %arg5: memref<1024x128xf32, #tpu.memory_space<vmem>>, %arg6: memref<128x128xf32, #tpu.memory_space<vmem>>, %arg7: memref<1024x128xf32, #tpu.memory_space<vmem>>) attributes {dimension_semantics = [#tpu.dimension_semantics<arbitrary>], iteration_bounds = array<i64: 10>, scalar_prefetch = 0 : i64, scratch_operands = 0 : i64, tpu.core_type = #tpu.core_type<tc>, window_params = [{transform_indices = @transform_0, window_bounds = array<i64: 2, 1024, 128>}, {transform_indices = @transform_1, window_bounds = array<i64: 1024, 128>}, {transform_indices = @transform_2, window_bounds = array<i64: 1024, 128>}, {pipeline_mode = #tpu.pipeline_mode<synchronous>, transform_indices = @transform_3, window_bounds = array<i64: 1, 128>}, {transform_indices = @transform_4, window_bounds = array<i64: 1024, 128>}, {pipeline_mode = #tpu.pipeline_mode<synchronous>, transform_indices = @transform_5, window_bounds = array<i64: 128, 128>}, {transform_indices = @transform_6, window_bounds = array<i64: 1024, 128>}]} {
    %get3A = arith.constant 0 : index
    %get3A_0 = arith.constant 0 : index
    %get3A_1 = vector.load %arg3[%get3A, %get3A_0] : memref<1024x128xf32, #tpu.memory_space<vmem>>, vector<1024x128xf32>
    %get3A_2 = arith.constant 0 : index
    %get3A_3 = arith.constant 0 : index
    %get3A_4 = arith.constant 0 : index
    %get3A_5 = vector.load %arg1[%get3A_2, %get3A_3, %get3A_4] : memref<2x1024x128xf32, #tpu.memory_space<vmem>>, vector<1x1024x128xf32>
    %get3A_6 = vector.shape_cast %get3A_5 : vector<1x1024x128xf32> to vector<1024x128xf32>
    %get3A_7 = arith.constant 1 : index
    %get3A_8 = arith.constant 0 : index
    %get3A_9 = arith.constant 0 : index
    %get3A_10 = vector.load %arg1[%get3A_7, %get3A_8, %get3A_9] : memref<2x1024x128xf32, #tpu.memory_space<vmem>>, vector<1x1024x128xf32>
    %get3A_11 = vector.shape_cast %get3A_10 : vector<1x1024x128xf32> to vector<1024x128xf32>
    %add3A = arith.addf %get3A_6, %get3A_11 : vector<1024x128xf32>
    %get3A_12 = arith.constant 0 : index
    %get3A_13 = arith.constant 0 : index
    %get3A_14 = vector.load %arg2[%get3A_12, %get3A_13] : memref<1024x128xf32, #tpu.memory_space<vmem>>, vector<1024x128xf32>
    %sub3A = arith.subf %add3A, %get3A_14 : vector<1024x128xf32>
    %mul3A = arith.mulf %get3A_1, %sub3A : vector<1024x128xf32>
    %get3A_15 = arith.constant 0 : index
    %get3A_16 = arith.constant 0 : index
    %get3A_17 = vector.load %arg4[%get3A_15, %get3A_16] : memref<1x128xf32, #tpu.memory_space<vmem>>, vector<1x128xf32>
    %add3A_18 = vector.broadcast %get3A_17 : vector<1x128xf32> to vector<1024x128xf32>
    %add3A_19 = arith.addf %mul3A, %add3A_18 : vector<1024x128xf32>
    %max3A = arith.constant 0.000000e+00 : f32
    %max3A_20 = vector.broadcast %max3A : f32 to vector<1024x128xf32>
    %max3A_21 = arith.maximumf %add3A_19, %max3A_20 : vector<1024x128xf32>
    %get3A_22 = arith.constant 0 : index
    %get3A_23 = arith.constant 0 : index
    %get3A_24 = vector.load %arg5[%get3A_22, %get3A_23] : memref<1024x128xf32, #tpu.memory_space<vmem>>, vector<1024x128xf32>
    %add3A_25 = arith.addf %max3A_21, %get3A_24 : vector<1024x128xf32>
    %get3A_26 = arith.constant 0 : index
    %get3A_27 = arith.constant 0 : index
    %get3A_28 = vector.load %arg6[%get3A_26, %get3A_27] : memref<128x128xf32, #tpu.memory_space<vmem>>, vector<128x128xf32>
    %dot_general3A = arith.constant dense<0.000000e+00> : vector<1024x128xf32>
    %dot_general3A_29 = tpu.matmul %add3A_25, %get3A_28, %dot_general3A {dimension_numbers = #tpu.dot_dimension_numbers<[1], [0], [0], [1], [0, 0, 1, 1], [], []>, transpose_lhs_hint = false} : vector<1024x128xf32>, vector<128x128xf32>, vector<1024x128xf32> -> vector<1024x128xf32>
    %mul3A_30 = arith.mulf %dot_general3A_29, %get3A_1 : vector<1024x128xf32>
    %swap3A = arith.constant 0 : index
    %swap3A_31 = arith.constant 0 : index
    %swap3A_32 = vector.load %arg7[%swap3A, %swap3A_31] : memref<1024x128xf32, #tpu.memory_space<vmem>>, vector<1024x128xf32>
    tpu.vector_store %arg7[%swap3A, %swap3A_31], %mul3A_30 {strides = array<i32>} : memref<1024x128xf32, #tpu.memory_space<vmem>>, vector<1024x128xf32>,
    return
  }
  func.func @transform_0(%arg0: i32) -> (i32, i32, i32) {
    %c0_i32 = arith.constant 0 : i32
    %c0_i32_0 = arith.constant 0 : i32
    %c0_i32_1 = arith.constant 0 : i32
    return %c0_i32, %arg0, %c0_i32_0 : i32, i32, i32
  }
  func.func @transform_1(%arg0: i32) -> (i32, i32) {
    %c0_i32 = arith.constant 0 : i32
    %c0_i32_0 = arith.constant 0 : i32
    return %arg0, %c0_i32 : i32, i32
  }
  func.func @transform_2(%arg0: i32) -> (i32, i32) {
    %c0_i32 = arith.constant 0 : i32
    %c0_i32_0 = arith.constant 0 : i32
    return %arg0, %c0_i32 : i32, i32
  }
  func.func @transform_3(%arg0: i32) -> (i32, i32) {
    %c0_i32 = arith.constant 0 : i32
    %c0_i32_0 = arith.constant 0 : i32
    %c0_i32_1 = arith.constant 0 : i32
    return %c0_i32, %c0_i32_0 : i32, i32
  }
  func.func @transform_4(%arg0: i32) -> (i32, i32) {
    %c0_i32 = arith.constant 0 : i32
    %c0_i32_0 = arith.constant 0 : i32
    return %arg0, %c0_i32 : i32, i32
  }
  func.func @transform_5(%arg0: i32) -> (i32, i32) {
    %c0_i32 = arith.constant 0 : i32
    %c0_i32_0 = arith.constant 0 : i32
    %c0_i32_1 = arith.constant 0 : i32
    return %c0_i32, %c0_i32_0 : i32, i32
  }
  func.func @transform_6(%arg0: i32) -> (i32, i32) {
    %c0_i32 = arith.constant 0 : i32
    %c0_i32_0 = arith.constant 0 : i32
    return %arg0, %c0_i32 : i32, i32
  }
}

module attributes {stable_mosaic.version = 14 : i64} {
  func.func @body(%arg0: i32, %arg1: memref<2x1024x128xf32, #tpu.memory_space<vmem>>, %arg2: memref<1024x128xf32, #tpu.memory_space<vmem>>, %arg3: memref<1024x128xf32, #tpu.memory_space<vmem>>, %arg4: memref<1x128xf32, #tpu.memory_space<vmem>>, %arg5: memref<1x128xf32, #tpu.memory_space<vmem>>, %arg6: memref<1x128xf32, #tpu.memory_space<vmem>>, %arg7: memref<1024x128xf32, #tpu.memory_space<vmem>>) attributes {dimension_semantics = [#tpu.dimension_semantics<arbitrary>], iteration_bounds = array<i64: 10>, scalar_prefetch = 0 : i64, scratch_operands = 0 : i64, tpu.core_type = #tpu.core_type<tc>, window_params = [{transform_indices = @transform_0, window_bounds = array<i64: 2, 1024, 128>}, {transform_indices = @transform_1, window_bounds = array<i64: 1024, 128>}, {transform_indices = @transform_2, window_bounds = array<i64: 1024, 128>}, {pipeline_mode = #tpu.pipeline_mode<synchronous>, transform_indices = @transform_3, window_bounds = array<i64: 1, 128>}, {pipeline_mode = #tpu.pipeline_mode<synchronous>, transform_indices = @transform_4, window_bounds = array<i64: 1, 128>}, {pipeline_mode = #tpu.pipeline_mode<synchronous>, transform_indices = @transform_5, window_bounds = array<i64: 1, 128>}, {transform_indices = @transform_6, window_bounds = array<i64: 1024, 128>}]} {
    %get3A = arith.constant 0 : index
    %get3A_0 = arith.constant 0 : index
    %get3A_1 = arith.constant 0 : index
    %get3A_2 = vector.load %arg1[%get3A, %get3A_0, %get3A_1] : memref<2x1024x128xf32, #tpu.memory_space<vmem>>, vector<1x1024x128xf32>
    %get3A_3 = vector.shape_cast %get3A_2 : vector<1x1024x128xf32> to vector<1024x128xf32>
    %get3A_4 = arith.constant 1 : index
    %get3A_5 = arith.constant 0 : index
    %get3A_6 = arith.constant 0 : index
    %get3A_7 = vector.load %arg1[%get3A_4, %get3A_5, %get3A_6] : memref<2x1024x128xf32, #tpu.memory_space<vmem>>, vector<1x1024x128xf32>
    %get3A_8 = vector.shape_cast %get3A_7 : vector<1x1024x128xf32> to vector<1024x128xf32>
    %add3A = arith.addf %get3A_3, %get3A_8 : vector<1024x128xf32>
    %get3A_9 = arith.constant 0 : index
    %get3A_10 = arith.constant 0 : index
    %get3A_11 = vector.load %arg2[%get3A_9, %get3A_10] : memref<1024x128xf32, #tpu.memory_space<vmem>>, vector<1024x128xf32>
    %sub3A = arith.subf %add3A, %get3A_11 : vector<1024x128xf32>
    %get3A_12 = arith.constant 0 : index
    %get3A_13 = arith.constant 0 : index
    %get3A_14 = vector.load %arg3[%get3A_12, %get3A_13] : memref<1024x128xf32, #tpu.memory_space<vmem>>, vector<1024x128xf32>
    %mul3A = arith.mulf %get3A_14, %sub3A : vector<1024x128xf32>
    %get3A_15 = arith.constant 0 : index
    %get3A_16 = arith.constant 0 : index
    %get3A_17 = vector.load %arg4[%get3A_15, %get3A_16] : memref<1x128xf32, #tpu.memory_space<vmem>>, vector<1x128xf32>
    %add3A_18 = vector.broadcast %get3A_17 : vector<1x128xf32> to vector<1024x128xf32>
    %add3A_19 = arith.addf %mul3A, %add3A_18 : vector<1024x128xf32>
    %get3A_20 = arith.constant 0 : index
    %get3A_21 = arith.constant 0 : index
    %get3A_22 = vector.load %arg5[%get3A_20, %get3A_21] : memref<1x128xf32, #tpu.memory_space<vmem>>, vector<1x128xf32>
    %get3A_23 = arith.constant 0 : index
    %get3A_24 = arith.constant 0 : index
    %get3A_25 = vector.load %arg6[%get3A_23, %get3A_24] : memref<1x128xf32, #tpu.memory_space<vmem>>, vector<1x128xf32>
    %reduce_sum3A = arith.constant dense<0.000000e+00> : vector<1024xf32>
    %reduce_sum3A_26 = vector.multi_reduction <add>, %add3A_19, %reduce_sum3A [1] : vector<1024x128xf32> to vector<1024xf32>
    %broadcast_in_dim3A = vector.shape_cast %reduce_sum3A_26 : vector<1024xf32> to vector<1024x1xf32>
    %div3A = arith.constant 1.280000e+02 : f32
    %div3A_27 = vector.broadcast %div3A : f32 to vector<1024x1xf32>
    %div3A_28 = arith.divf %broadcast_in_dim3A, %div3A_27 : vector<1024x1xf32>
    %sub3A_29 = vector.broadcast %div3A_28 : vector<1024x1xf32> to vector<1024x128xf32>
    %sub3A_30 = arith.subf %add3A_19, %sub3A_29 : vector<1024x128xf32>
    %integer_pow3A = arith.mulf %sub3A_30, %sub3A_30 : vector<1024x128xf32>
    %reduce_sum3A_31 = arith.constant dense<0.000000e+00> : vector<1024xf32>
    %reduce_sum3A_32 = vector.multi_reduction <add>, %integer_pow3A, %reduce_sum3A_31 [1] : vector<1024x128xf32> to vector<1024xf32>
    %broadcast_in_dim3A_33 = vector.shape_cast %reduce_sum3A_32 : vector<1024xf32> to vector<1024x1xf32>
    %div3A_34 = arith.constant 1.280000e+02 : f32
    %div3A_35 = vector.broadcast %div3A_34 : f32 to vector<1024x1xf32>
    %div3A_36 = arith.divf %broadcast_in_dim3A_33, %div3A_35 : vector<1024x1xf32>
    %sub3A_37 = vector.broadcast %div3A_28 : vector<1024x1xf32> to vector<1024x128xf32>
    %sub3A_38 = arith.subf %add3A_19, %sub3A_37 : vector<1024x128xf32>
    %add3A_39 = arith.constant 9.99999974E-6 : f32
    %add3A_40 = vector.broadcast %add3A_39 : f32 to vector<1024x1xf32>
    %add3A_41 = arith.addf %div3A_36, %add3A_40 : vector<1024x1xf32>
    %sqrt3A = math.sqrt %add3A_41 : vector<1024x1xf32>
    %div3A_42 = vector.broadcast %sqrt3A : vector<1024x1xf32> to vector<1024x128xf32>
    %div3A_43 = arith.divf %sub3A_38, %div3A_42 : vector<1024x128xf32>
    %mul3A_44 = vector.broadcast %get3A_22 : vector<1x128xf32> to vector<1024x128xf32>
    %mul3A_45 = arith.mulf %div3A_43, %mul3A_44 : vector<1024x128xf32>
    %add3A_46 = vector.broadcast %get3A_25 : vector<1x128xf32> to vector<1024x128xf32>
    %add3A_47 = arith.addf %mul3A_45, %add3A_46 : vector<1024x128xf32>
    %swap3A = arith.constant 0 : index
    %swap3A_48 = arith.constant 0 : index
    %swap3A_49 = vector.load %arg7[%swap3A, %swap3A_48] : memref<1024x128xf32, #tpu.memory_space<vmem>>, vector<1024x128xf32>
    tpu.vector_store %arg7[%swap3A, %swap3A_48], %add3A_47 {strides = array<i32>} : memref<1024x128xf32, #tpu.memory_space<vmem>>, vector<1024x128xf32>,
    return
  }
  func.func @transform_0(%arg0: i32) -> (i32, i32, i32) {
    %c0_i32 = arith.constant 0 : i32
    %c0_i32_0 = arith.constant 0 : i32
    %c0_i32_1 = arith.constant 0 : i32
    return %c0_i32, %arg0, %c0_i32_0 : i32, i32, i32
  }
  func.func @transform_1(%arg0: i32) -> (i32, i32) {
    %c0_i32 = arith.constant 0 : i32
    %c0_i32_0 = arith.constant 0 : i32
    return %arg0, %c0_i32 : i32, i32
  }
  func.func @transform_2(%arg0: i32) -> (i32, i32) {
    %c0_i32 = arith.constant 0 : i32
    %c0_i32_0 = arith.constant 0 : i32
    return %arg0, %c0_i32 : i32, i32
  }
  func.func @transform_3(%arg0: i32) -> (i32, i32) {
    %c0_i32 = arith.constant 0 : i32
    %c0_i32_0 = arith.constant 0 : i32
    %c0_i32_1 = arith.constant 0 : i32
    return %c0_i32, %c0_i32_0 : i32, i32
  }
  func.func @transform_4(%arg0: i32) -> (i32, i32) {
    %c0_i32 = arith.constant 0 : i32
    %c0_i32_0 = arith.constant 0 : i32
    %c0_i32_1 = arith.constant 0 : i32
    return %c0_i32, %c0_i32_0 : i32, i32
  }
  func.func @transform_5(%arg0: i32) -> (i32, i32) {
    %c0_i32 = arith.constant 0 : i32
    %c0_i32_0 = arith.constant 0 : i32
    %c0_i32_1 = arith.constant 0 : i32
    return %c0_i32, %c0_i32_0 : i32, i32
  }
  func.func @transform_6(%arg0: i32) -> (i32, i32) {
    %c0_i32 = arith.constant 0 : i32
    %c0_i32_0 = arith.constant 0 : i32
    return %arg0, %c0_i32 : i32, i32
  }
}

</mosaic_0001>

<sc_bundles>
// kernel: kernel.11.cloned.1.call-start
scs
__scs_entry_jumppad:
0x0: {  	(pc) =	sbr.rel $0x88, $3  }
0x1: {  	(tag) =	ssettag $0x0;
	lr =	simm.s32 $0x1  }
0x2: {  	[smem:$0x3F95] =	sst lr;
	_ =	strace $0xD0000000  }
0x3: {  	_ = 	snop  }
0x4: {  	_ = 	snop  }
0x5: {  	_ = 	snop  }
0x6: {  	_ = 	snop  }
0x7: {  	_ = 	snop  }
__scs_overlays_trampoline_lowered:
0x8: {  	[smem:$0x3FA4] =	sst s0  }
0x9: {  	[smem:$0x3FA5] =	sst s1  }
0xa: {  	[smem:$0x3FA6] =	sst s2  }
0xb: {  	[smem:$0x3FA7] =	sst s3  }
0xc: {  	[smem:$0x3FA8] =	sst s4  }
0xd: {  	[smem:$0x3FA9] =	sst s5  }
0xe: {  	[smem:$0x3FAA] =	sst s6  }
0xf: {  	[smem:$0x3FAB] =	sst s7  }
0x10: {  	[smem:$0x3FAC] =	sst s8  }
0x11: {  	[smem:$0x3FAD] =	sst s9;
	s0 =	simm.s32 @!p0 $0x0  }
0x12: {  	s1 =	sld [smem:$0x3F93];
	s0 =	simm.s32 @p0 $0x1  }
0x13: {  	[smem:$0x3FAE] =	sst s0;
	s0 =	simm.s32 @!p1 $0x0  }
0x14: {  	s2 =	sld [smem:$0x3F92];
	s0 =	simm.s32 @p1 $0x1  }
0x15: {  	[smem:$0x3FAF] =	sst s0;
	s0 =	simm.s32 @!p2 $0x0  }
0x16: {  	s3 =	sld [smem:$0x3FDB];
	s0 =	simm.s32 @p2 $0x1  }
0x17: {  	s4 =	simm.s32 $0x1BF5;
	[smem:$0x3FB1] =	sst s0  }
0x18: {  	s0 =	sld [smem:$0x3F94];
	_ =	swait.ge [sflag:s4], $0x0  }
0x19: {  	s7 =	sld [smem:$0x3F95]  }
0x1a: {  	s8 =	sadd.s32 $0xFFFFE003, lr  }
0x1b: {  	s9 =	sadd.s32 $0xFFFFFEF7, lr;
	s5 =	simm.s32 $0xFFFFFFFF;
	p2 =	slt.u32 s8, $0xFFFFF086  }
0x1c: {  	p1 =	slt.u32 s9, $0xF7A;
	s5 =	simm.s32 @!p2 $0x0  }
0x1d: {  	s5 =	simm.s32 @p1 $0x1;
	p0 =	seq.s32 s7, s2  }
0x1e: {  	s7 =	smul.u32 @!p0 $0xF7A, s2;
	p2 =	seq.s32 @!p0 s5, $0x0  }
0x1f: {  	s9 =	smul.u32 $0xF7A, s1;
	s8 =	simm.s32 @!p0 $0x1BF5;
	p2 =	por !p2, p0  }
0x20: {  	[sflag:s8] =	ssyncset.s32 @!p0 $0xFFFFF086;
	s6 =	sadd.s32 @!p0 s3, s7;
	s7 =	simm.s32 @!p0 $0x108  }
0x21: {  	s3 =	sadd.s32 s3, s9;
	s6 =	sadd.s32 @!p0 $0x88, s6;
	s7 =	simm.s32 @p2 $0x1082  }
0x22: {  	[simem:s7], [sflag:s8] =	dma.local @!p0 [hbm:s6], $0xF7A  }
0x23: {  	s9 =	sor.u32 $0xD0000000, s2;
	s6 =	simm.s32 $0x108;
	_ =	swait.ge @!p0 [sflag:s8], $0x0  }
0x24: {  	s3 =	sadd.s32 $0x88, s3;
	s6 =	simm.s32 @!p1 $0x1082;
	[sflag:s4] =	ssyncset.s32 $0xFFFFF086  }
0x25: {  	[simem:s6], [sflag:s4] =	dma.local [hbm:s3], $0xF7A  }
0x26: {  	[smem:$0x3F95] =	sst s1;
	(tag) =	ssettag s2;
	_ =	strace s9  }
0x27: {  	s1 =	sld [smem:$0x3FA5]  }
0x28: {  	s2 =	sld [smem:$0x3FA6]  }
0x29: {  	s4 =	sld [smem:$0x3FA8]  }
0x2a: {  	p0 =	seq.s32 s5, $0x0;
	s5 =	sld [smem:$0x3FA9]  }
0x2b: {  	s6 =	sld [smem:$0x3FAA]  }
0x2c: {  	s7 =	sld [smem:$0x3FAB]  }
0x2d: {  	s3 =	simm.s32 $0x108;
	s8 =	sld [smem:$0x3FAC]  }
0x2e: {  	s3 =	simm.s32 @!p0 $0x1082;
	s9 =	sld [smem:$0x3FAD]  }
0x2f: {  	lr =	sadd.s32 s0, s3;
	s0 =	sld [smem:$0x3FA4]  }
0x30: {  	s3 =	sld [smem:$0x3FA7]  }
0x31: {  	[smem:$0x3FB0] =	sst s10  }
0x32: {  	s10 =	sld [smem:$0x3FAE];
	_ =	sdelay $0x3  }
0x33: {  	p0 =	seq.s32 s10, $0x1;
	s10 =	sld [smem:$0x3FB0];
	_ =	sdelay $0x3  }
0x34: {  	[smem:$0x3FB0] =	sst s10  }
0x35: {  	s10 =	sld [smem:$0x3FAF];
	_ =	sdelay $0x3  }
0x36: {  	p1 =	seq.s32 s10, $0x1;
	s10 =	sld [smem:$0x3FB0];
	_ =	sdelay $0x3  }
0x37: {  	[smem:$0x3FB0] =	sst s10  }
0x38: {  	s10 =	sld [smem:$0x3FB1]  }
0x39: {  	_ = 	snop;
	(pc) =	sbr.ind lr, $3  }
0x3a: {  	_ = 	snop  }
0x3b: {  	_ = 	snop  }
0x3c: {  	p2 =	seq.s32 s10, $0x1;
	s10 =	sld [smem:$0x3FB0]  }
0x3d: {  	_ =	shalt  }
0x3e: {  	_ =	shalt  }
0x3f: {  	_ =	shalt  }
0x40: {  	_ =	shalt  }
0x41: {  	_ =	shalt  }
0x42: {  	_ =	shalt  }
0x43: {  	_ =	shalt  }
0x44: {  	_ =	shalt  }
0x45: {  	_ =	shalt  }
0x46: {  	_ =	shalt  }
0x47: {  	_ =	shalt  }
0x48: {  	_ =	shalt  }
0x49: {  	_ =	shalt  }
0x4a: {  	_ =	shalt  }
0x4b: {  	_ =	shalt  }
0x4c: {  	_ =	shalt  }
0x4d: {  	_ =	shalt  }
0x4e: {  	_ =	shalt  }
0x4f: {  	_ =	shalt  }
0x50: {  	_ =	shalt  }
0x51: {  	_ =	shalt  }
0x52: {  	_ =	shalt  }
0x53: {  	_ =	shalt  }
0x54: {  	_ =	shalt  }
0x55: {  	_ =	shalt  }
0x56: {  	_ =	shalt  }
0x57: {  	_ =	shalt  }
0x58: {  	_ =	shalt  }
0x59: {  	_ =	shalt  }
0x5a: {  	_ =	shalt  }
0x5b: {  	_ =	shalt  }
0x5c: {  	_ =	shalt  }
0x5d: {  	_ =	shalt  }
0x5e: {  	_ =	shalt  }
0x5f: {  	_ =	shalt  }
0x60: {  	_ =	shalt  }
0x61: {  	_ =	shalt  }
0x62: {  	_ =	shalt  }
0x63: {  	_ =	shalt  }
0x64: {  	_ =	shalt  }
0x65: {  	_ =	shalt  }
0x66: {  	_ =	shalt  }
0x67: {  	_ =	shalt  }
0x68: {  	_ =	shalt  }
0x69: {  	_ =	shalt  }
0x6a: {  	_ =	shalt  }
0x6b: {  	_ =	shalt  }
0x6c: {  	_ =	shalt  }
0x6d: {  	_ =	shalt  }
0x6e: {  	_ =	shalt  }
0x6f: {  	_ =	shalt  }
0x70: {  	_ =	shalt  }
0x71: {  	_ =	shalt  }
0x72: {  	_ =	shalt  }
0x73: {  	_ =	shalt  }
0x74: {  	_ =	shalt  }
0x75: {  	_ =	shalt  }
0x76: {  	_ =	shalt  }
0x77: {  	_ =	shalt  }
0x78: {  	_ =	shalt  }
0x79: {  	_ =	shalt  }
0x7a: {  	_ =	shalt  }
0x7b: {  	_ =	shalt  }
0x7c: {  	_ =	shalt  }
0x7d: {  	_ =	shalt  }
0x7e: {  	_ =	shalt  }
0x7f: {  	_ =	shalt  }
0x80: {  	_ =	shalt  }
0x81: {  	_ =	shalt  }
0x82: {  	_ =	shalt  }
0x83: {  	_ =	shalt  }
0x84: {  	_ =	shalt  }
0x85: {  	_ =	shalt  }
0x86: {  	_ =	shalt  }
0x87: {  	_ =	shalt  }
.Lfunc_end0:
.L_simem_size_0:
called_computation_lowered:
.L_overlay_start_0:
0x88: {  	s2 =	sld [smem:$0x3FD9]  }
0x89: {  	s3 =	sld [smem:$0x3FFE];
	_ =	sdelay $0x1  }
0x8a: {  	s1 =	srdreg.scid  }
0x8b: {  	s0 =	sand.u32 $0x1, s1  }
0x8c: {  	s17 =	sshll.u32 s0, $0xA;
	s2 =	sadd.s32 s3, s2  }
0x8d: {  	s2 =	sadd.s32 s2, s17  }
0x8e: {  	[smem:$0x3FBC] =	sst s2  }
0x8f: {  	_ = 	snop  }
0x90: {  	s2 =	sld [smem:$0x3FD0];
	(tm) =	ssettm $0x1  }
0x91: {  	s18 =	sld [smem:$0x3FFB];
	_ =	sdelay $0x3  }
0x92: {  	_ =	strace s18  }
0x93: {  	s3 =	sld [smem:$0x3FFC];
	_ =	sdelay $0x3  }
0x94: {  	_ =	strace s3  }
0x95: {  	s3 =	sld [smem:$0x3FFD];
	_ =	sdelay $0x3  }
0x96: {  	_ =	strace s3  }
0x97: {  	_ =	strace $0x8FFFFFFF  }
0x98: {  	s19 =	sld [smem:$0x3FDB];
	_ =	sdelay $0x1  }
0x99: {  	s4 =	simm.s32 $_scs_section_size  }
0x9a: {  	s5 =	simm.s32 $_size__tile_overlayer_lowered;
	s6 =	simm.s32 $_tile_overlayer_lowered  }
0x9b: {  	s22 =	simm.s32 $0x1BFF;
	s21 =	sshll.u32 s6, $0x1;
	s3 =	sadd.s32 s4, s19  }
0x9c: {  	s7 =	simm.s32 $0x0;
	s20 =	sshll.u32 s5, $0x1;
	s5 =	sadd.s32 s21, s3  }
0x9d: {  	[timem:s7], [sflag:s22] =	dma.local [hbm:s5], s20  }
0x9e: {  	_ =	swait.ge [sflag:s22], s20  }
0x9f: {  	s4 =	ssub.s32 $0x0, s20;
	[sflag:s22] =	ssyncset.done $0x0  }
0xa0: {  	[sflag:s22] =	ssyncadd.s32 s4;
	_ =	sdelay $0x1  }
0xa1: {  	s23 =	simm.s32 $0x1B8B  }
0xa2: {  	_ =	swait.ge [sflag:s23], $0x1  }
0xa3: {  	[sflag:s23] =	ssyncset.done $0x0  }
0xa4: {  	s25 =	simm.s32 $0x1B8E;
	s24 =	sld [smem:$0x3FFE];
	[sflag:s23] =	ssyncadd.s32 $0xFFFFFFFF  }
0xa5: {  	s26 =	simm.s32 $execute0_lowered;
	[smem:$0x3FD2] =	sst s25  }
0xa6: {  	s5 =	sshll.u32 s26, $0x1;
	_ =	strace $0x80000046;
	[dreg:$0x1] =	wrdreg $0xFFFFFFFF  }
0xa7: {  	s28 =	simm.s32 $_size_execute0_lowered;
	s3 =	sadd.s32 s3, s5;
	[dreg:$0x0] =	wrdreg $0x0  }
0xa8: {  	s5 =	sshll.u32 s28, $0x1;
	[dreg:$0x2] =	wrdreg s3  }
0xa9: {  	[dreg:$0x3] =	wrdreg s5  }
0xaa: {  	[dreg:$0x4] =	wrdreg $0xC0  }
0xab: {  	_ =	task [dreg:s7], $0x5FFFF  }
0xac: {  	[dreg:$0x1] =	wrdreg $0xFFFFFFFF  }
0xad: {  	[dreg:$0x0] =	wrdreg $0x60  }
0xae: {  	[dreg:$0x2] =	wrdreg s2  }
0xaf: {  	[dreg:$0x3] =	wrdreg s24  }
0xb0: {  	[dreg:$0x4] =	wrdreg $0x54000  }
0xb1: {  	[dreg:$0x5] =	wrdreg $0x9  }
0xb2: {  	_ =	task.clear_ibuf [dreg:s7], $0x6FFFF;
	_ =	strace $0x90000046  }
0xb3: {  	s29 =	simm.s32 $0x9;
	_ =	strace $0x80000048  }
0xb4: {  	_ =	swait.ge [sflag:s29], $0x1  }
0xb5: {  	[sflag:s29] =	ssyncadd.s32 $0xFFFFFFFF  }
0xb6: {  	_ =	strace $0x90000048  }
0xb7: {  	_ =	sfence  }
0xb8: {  	s30 =	sld [smem:$0x0];
	_ =	sdelay $0x2  }
0xb9: {  	s31 =	sshll.u32 s1, $0xD;
	s1 =	sshrl.u32 s1, $0x2  }
0xba: {  	s3 =	sand.u32 $0x4000, s31;
	s1 =	sadd.s32 s1, s30  }
0xbb: {  	s0 =	sor.u32 s3, s0;
	s1 =	sshll.u32 s1, $0x11  }
0xbc: {  	s0 =	sor.u32 s1, s0  }
0xbd: {  	s0 =	sadd.s32 $0x8F2B, s0  }
0xbe: {  	[sflag:s0] =	ssyncadd.remote.s32 $0x1  }
0xbf: {  	_ =	sfence.sel $0xFFFF  }
0xc0: {  	[dreg:$0x0] =	wrdreg $0xFFFFFFFF;
	(pc) =	sbr.abs _section_cstart, $3  }
0xc1: {  	[dreg:$0x1] =	wrdreg $0xFFFFFFFF  }
0xc2: {  	_ =	task.clear_ibuf [dreg:s7], $0x2FFFF;
	_ =	strace $0x9FFFFFFF  }
0xc3: {  	(tm) =	ssettm $0x7FFFFFFF  }
tec
execute0_lowered:
.L_overlay_start_1:
0x0: {  	(tag) =	ssettag $0x1  }
0x1: {  	s0 =	rddreg [dreg:$0x0]  }
0x2: {  	s2 =	rddreg [dreg:$0x1]  }
0x3: {  	s1 =	rddreg [dreg:$0x2];
	s9 =	simm.s32 $0x0  }
0x4: {  	s3 =	srdreg.scid;
	s7 =	stileid.u32;
	s11 =	simm.s32 $0x1400  }
0x5: {  	s15 =	simm.s32 $0x80;
	s17 =	simm.s32 $0x780;
	s18 =	simm.s32 $0x800  }
0x6: {  	s19 =	simm.s32 $0x880;
	s28 =	simm.s32 $0xC00;
	s29 =	simm.s32 $0xB80  }
0x7: {  	s30 =	simm.s32 $0xC80;
	s13 =	simm.s32 $0x1180;
	s10 =	simm.s32 $0x1200  }
0x8: {  	s12 =	simm.s32 $0x1280;
	s16 =	simm.s32 $0x1380;
	[smem:$0x7FF] =	sst s9  }
0x9: {  	s4 =	sadd.s32 $0xEA00, s2;
	s3 =	sand.u32 $0x1, s3;
	s20 =	sadd.s32 $0xE200, s2  }
0xa: {  	s6 =	smul.u32 $0x50000, s7;
	_ =	strace $0x80000047;
	[dreg:$0x4] =	wrdreg s4  }
0xb: {  	s8 =	sshll.u32 s7, $0x6;
	s26 =	smul.u32 $0x2800, s7;
	[dreg:$0x5] =	wrdreg s20  }
0xc: {  	s21 =	smul.u32 $0x28000, s3;
	s5 =	ssub.s32 $0x2, s3;
	s3 =	sshll.u32 s3, $0x4  }
0xd: {  	[dreg:$0x6] =	wrdreg s8;
	s24 =	sor.u32 $0x1C02, s8;
	s20 =	simm.s32 $0x900  }
0xe: {  	s8 =	simm.s32 $0x1080;
	s22 =	sshrl.u32 s5, $0x1;
	s3 =	sor.u32 s7, s3  }
0xf: {  	s6 =	sshrl.u32 s6, $0x2;
	[dreg:$0x7] =	wrdreg s24;
	s7 =	simm.s32 $0xF00  }
0x10: {  	s24 =	simm.s32 $0x1100;
	s2 =	sadd.s32 s21, s2;
	s3 =	smul.u32 $0x500, s3  }
0x11: {  	s4 =	ssub.s32 s5, s22;
	s23 =	sadd.s32 s6, s1;
	s22 =	simm.s32 $0x1  }
0x12: {  	s21 =	simm.s32 $0x980;
	s5 =	simm.s32 $0xE80;
	s6 =	simm.s32 $0x1000  }
0x13: {  	s25 =	sadd.s32 $0x11200, s2;
	s4 =	smax.u32 s4, $0x1;
	s31 =	sshrl.u32 s23, $0x3  }
0x14: {  	s2 =	simm.s32 $0x0;
	s23 =	simm.s32 $0xA00;
	[dreg:$0x9] =	wrdreg s4  }
0x15: {  	s3 =	sadd.s32 s0, s3;
	s4 =	simm.s32 $0x3;
	[dreg:$0xa] =	wrdreg s31  }
0x16: {  	s0 =	sadd.s32 s26, s25;
	s25 =	simm.s32 $0xA80;
	[dreg:$0x8] =	wrdreg s3  }
0x17: {  	s26 =	simm.s32 $0xB00;
	s14 =	sadd.s32 $0x280, s3;
	[dreg:$0xb] =	wrdreg s0  }
.LBB2_1:
0x18: {  	[dreg:$0xc] =	wrdreg s2  }
0x19: {  	s0 =	rddreg [dreg:$0x4]  }
0x1a: {  	s3 =	smov.u32 s31;
	s2 =	rddreg [dreg:$0x7]  }
0x1b: {  	[spmem:s3], [sflag:s2] =	dma.local [hbm:s0], $0x2800  }
0x1c: {  	s0 =	rddreg [dreg:$0x5]  }
0x1d: {  	[tilespmem:s11], [sflag:$0x3] =	stream.linear.gather [hbm4b:s0+s9], $0x4000, $0x38;
	[tilespmem:$0x19400] =	vst v63  }
0x1e: {  	_ =	swait.ge [sflag:s4], $0x4000  }
0x1f: {  	[sflag:s4] =	ssyncset.done $0x0  }
0x20: {  	s3 =	rddreg [dreg:$0x8];
	[sflag:s4] =	ssyncadd.s32 $0xFFFFC000  }
0x21: {  	[tilespmem:s9], [sflag:$0x3] =	stream.linear.gather [hbm4b:s3+s9], $0x1400, $0x38;
	[tilespmem:$0x19400] =	vst v63  }
0x22: {  	_ =	swait.ge [sflag:s4], $0x1400  }
0x23: {  	[sflag:s4] =	ssyncset.done $0x0  }
0x24: {  	s31 =	simm.s32 $0x2;
	[sflag:s4] =	ssyncadd.s32 $0xFFFFEC00  }
0x25: {  	p0 =	por $0x1, $0x1;
	_ =	swait.ge [sflag:s31], $0x2800  }
0x26: {  	p1 =	por $0x0, $0x0;
	s2 =	simm.s32 $0x1300;
	[sflag:s31] =	ssyncset.done $0x0  }
0x27: {  	s0 =	simm.s32 $0xD00;
	s3 =	simm.s32 $0xE00;
	[sflag:s31] =	ssyncadd.s32 $0xFFFFD800  }
0x28: {  	s9 =	simm.s32 $0xF80;
	s4 =	simm.s32 $0xD80;
	[bflag:$0x0] =	sbarrier.arrive $0xFFFF  }
.LBB2_2:
0x29: {  	s31 =	simm.s32 @p1 $0x0  }
0x2a: {  	[tilespmem:s31], [sflag:$0x3] =	stream.linear.gather @p1 [hbm4b:s14+s31], $0x1400, $0x38;
	[tilespmem:$0x19400] =	vst v63  }
0x2b: {  	s31 =	simm.s32 @p1 $0x3  }
0x2c: {  	_ =	swait.ge @p1 [sflag:s31], $0x1400  }
0x2d: {  	[sflag:s31] =	ssyncset.done @p1 $0x0  }
0x2e: {  	[sflag:s31] =	ssyncadd.s32 @p1 $0xFFFFEC00;
	s31 =	simm.s32 $0x0  }
0x2f: {  	[spmem:s1] =	stream.indirect.scatter.add.f32 [tilespmem:s11], [sflag:$0x1], $0x80, s31, s15, $0xb8;
	[tilespmem:$0x19400] =	vst v63  }
0x30: {  	_ = 	snop  }
0x31: {  	[spmem:s1] =	stream.indirect.scatter.add.f32 [tilespmem:s11], [sflag:$0x1], $0x80, s15, s15, $0xb8;
	[tilespmem:$0x19400] =	vst v63  }
0x32: {  	s31 =	simm.s32 $0x100  }
0x33: {  	[spmem:s1] =	stream.indirect.scatter.add.f32 [tilespmem:s11], [sflag:$0x1], $0x80, s31, s15, $0xb8;
	[tilespmem:$0x19400] =	vst v63  }
0x34: {  	s31 =	simm.s32 $0x180  }
0x35: {  	[spmem:s1] =	stream.indirect.scatter.add.f32 [tilespmem:s11], [sflag:$0x1], $0x80, s31, s15, $0xb8;
	[tilespmem:$0x19400] =	vst v63  }
0x36: {  	s31 =	simm.s32 $0x200  }
0x37: {  	[spmem:s1] =	stream.indirect.scatter.add.f32 [tilespmem:s11], [sflag:$0x1], $0x80, s31, s15, $0xb8;
	[tilespmem:$0x19400] =	vst v63  }
0x38: {  	s31 =	simm.s32 $0x280  }
0x39: {  	[spmem:s1] =	stream.indirect.scatter.add.f32 [tilespmem:s11], [sflag:$0x1], $0x80, s31, s15, $0xb8;
	[tilespmem:$0x19400] =	vst v63  }
0x3a: {  	s31 =	simm.s32 $0x300  }
0x3b: {  	[spmem:s1] =	stream.indirect.scatter.add.f32 [tilespmem:s11], [sflag:$0x1], $0x80, s31, s15, $0xb8;
	[tilespmem:$0x19400] =	vst v63  }
0x3c: {  	s31 =	simm.s32 $0x380  }
0x3d: {  	[spmem:s1] =	stream.indirect.scatter.add.f32 [tilespmem:s11], [sflag:$0x1], $0x80, s31, s15, $0xb8;
	[tilespmem:$0x19400] =	vst v63  }
0x3e: {  	_ =	swait.ge [sflag:s22], $0x4000  }
0x3f: {  	[sflag:s22] =	ssyncset.done $0x0  }
0x40: {  	[sflag:s22] =	ssyncadd.s32 $0xFFFFC000  }
0x41: {  	_ =	swait.ge [sflag:s22], $0x4000  }
0x42: {  	[sflag:s22] =	ssyncset.done $0x0  }
0x43: {  	[sflag:s22] =	ssyncadd.s32 $0xFFFFC000  }
0x44: {  	_ =	swait.ge [sflag:s22], $0x4000  }
0x45: {  	[sflag:s22] =	ssyncset.done $0x0  }
0x46: {  	[sflag:s22] =	ssyncadd.s32 $0xFFFFC000  }
0x47: {  	_ =	swait.ge [sflag:s22], $0x4000  }
0x48: {  	[sflag:s22] =	ssyncset.done $0x0  }
0x49: {  	[sflag:s22] =	ssyncadd.s32 $0xFFFFC000  }
0x4a: {  	_ =	swait.ge [sflag:s22], $0x4000  }
0x4b: {  	[sflag:s22] =	ssyncset.done $0x0  }
0x4c: {  	[sflag:s22] =	ssyncadd.s32 $0xFFFFC000  }
0x4d: {  	_ =	swait.ge [sflag:s22], $0x4000  }
0x4e: {  	[sflag:s22] =	ssyncset.done $0x0  }
0x4f: {  	[sflag:s22] =	ssyncadd.s32 $0xFFFFC000  }
0x50: {  	_ =	swait.ge [sflag:s22], $0x4000  }
0x51: {  	[sflag:s22] =	ssyncset.done $0x0  }
0x52: {  	[sflag:s22] =	ssyncadd.s32 $0xFFFFC000  }
0x53: {  	_ =	swait.ge [sflag:s22], $0x4000  }
0x54: {  	[sflag:s22] =	ssyncset.done $0x0  }
0x55: {  	s31 =	simm.s32 $0x400;
	[sflag:s22] =	ssyncadd.s32 $0xFFFFC000  }
0x56: {  	[spmem:s1] =	stream.indirect.scatter.add.f32 [tilespmem:s11], [sflag:$0x1], $0x80, s31, s15, $0xb8;
	[tilespmem:$0x19400] =	vst v63  }
0x57: {  	s31 =	simm.s32 $0x480  }
0x58: {  	[spmem:s1] =	stream.indirect.scatter.add.f32 [tilespmem:s11], [sflag:$0x1], $0x80, s31, s15, $0xb8;
	[tilespmem:$0x19400] =	vst v63  }
0x59: {  	s31 =	simm.s32 $0x500  }
0x5a: {  	[spmem:s1] =	stream.indirect.scatter.add.f32 [tilespmem:s11], [sflag:$0x1], $0x80, s31, s15, $0xb8;
	[tilespmem:$0x19400] =	vst v63  }
0x5b: {  	s31 =	simm.s32 $0x580  }
0x5c: {  	[spmem:s1] =	stream.indirect.scatter.add.f32 [tilespmem:s11], [sflag:$0x1], $0x80, s31, s15, $0xb8;
	[tilespmem:$0x19400] =	vst v63  }
0x5d: {  	s31 =	simm.s32 $0x600  }
0x5e: {  	[spmem:s1] =	stream.indirect.scatter.add.f32 [tilespmem:s11], [sflag:$0x1], $0x80, s31, s15, $0xb8;
	[tilespmem:$0x19400] =	vst v63  }
0x5f: {  	s31 =	simm.s32 $0x680  }
0x60: {  	[spmem:s1] =	stream.indirect.scatter.add.f32 [tilespmem:s11], [sflag:$0x1], $0x80, s31, s15, $0xb8;
	[tilespmem:$0x19400] =	vst v63  }
0x61: {  	s31 =	simm.s32 $0x700  }
0x62: {  	[spmem:s1] =	stream.indirect.scatter.add.f32 [tilespmem:s11], [sflag:$0x1], $0x80, s31, s15, $0xb8;
	[tilespmem:$0x19400] =	vst v63  }
0x63: {  	_ = 	snop  }
0x64: {  	[spmem:s1] =	stream.indirect.scatter.add.f32 [tilespmem:s11], [sflag:$0x1], $0x80, s17, s15, $0xb8;
	[tilespmem:$0x19400] =	vst v63  }
0x65: {  	_ =	swait.ge [sflag:s22], $0x4000  }
0x66: {  	[sflag:s22] =	ssyncset.done $0x0  }
0x67: {  	[sflag:s22] =	ssyncadd.s32 $0xFFFFC000  }
0x68: {  	_ =	swait.ge [sflag:s22], $0x4000  }
0x69: {  	[sflag:s22] =	ssyncset.done $0x0  }
0x6a: {  	[sflag:s22] =	ssyncadd.s32 $0xFFFFC000  }
0x6b: {  	_ =	swait.ge [sflag:s22], $0x4000  }
0x6c: {  	[sflag:s22] =	ssyncset.done $0x0  }
0x6d: {  	[sflag:s22] =	ssyncadd.s32 $0xFFFFC000  }
0x6e: {  	_ =	swait.ge [sflag:s22], $0x4000  }
0x6f: {  	[sflag:s22] =	ssyncset.done $0x0  }
0x70: {  	[sflag:s22] =	ssyncadd.s32 $0xFFFFC000  }
0x71: {  	_ =	swait.ge [sflag:s22], $0x4000  }
0x72: {  	[sflag:s22] =	ssyncset.done $0x0  }
0x73: {  	[sflag:s22] =	ssyncadd.s32 $0xFFFFC000  }
0x74: {  	_ =	swait.ge [sflag:s22], $0x4000  }
0x75: {  	[sflag:s22] =	ssyncset.done $0x0  }
0x76: {  	[sflag:s22] =	ssyncadd.s32 $0xFFFFC000  }
0x77: {  	_ =	swait.ge [sflag:s22], $0x4000  }
0x78: {  	[sflag:s22] =	ssyncset.done $0x0  }
0x79: {  	[sflag:s22] =	ssyncadd.s32 $0xFFFFC000  }
0x7a: {  	_ =	swait.ge [sflag:s22], $0x4000  }
0x7b: {  	[sflag:s22] =	ssyncset.done $0x0  }
0x7c: {  	[sflag:s22] =	ssyncadd.s32 $0xFFFFC000  }
0x7d: {  	[spmem:s1] =	stream.indirect.scatter.add.f32 [tilespmem:s11], [sflag:$0x1], $0x80, s18, s15, $0xb8;
	[tilespmem:$0x19400] =	vst v63  }
0x7e: {  	_ = 	snop  }
0x7f: {  	[spmem:s1] =	stream.indirect.scatter.add.f32 [tilespmem:s11], [sflag:$0x1], $0x80, s19, s15, $0xb8;
	[tilespmem:$0x19400] =	vst v63  }
0x80: {  	_ = 	snop  }
0x81: {  	[spmem:s1] =	stream.indirect.scatter.add.f32 [tilespmem:s11], [sflag:$0x1], $0x80, s20, s15, $0xb8;
	[tilespmem:$0x19400] =	vst v63  }
0x82: {  	_ = 	snop  }
0x83: {  	[spmem:s1] =	stream.indirect.scatter.add.f32 [tilespmem:s11], [sflag:$0x1], $0x80, s21, s15, $0xb8;
	[tilespmem:$0x19400] =	vst v63  }
0x84: {  	_ = 	snop  }
0x85: {  	[spmem:s1] =	stream.indirect.scatter.add.f32 [tilespmem:s11], [sflag:$0x1], $0x80, s23, s15, $0xb8;
	[tilespmem:$0x19400] =	vst v63  }
0x86: {  	_ = 	snop  }
0x87: {  	[spmem:s1] =	stream.indirect.scatter.add.f32 [tilespmem:s11], [sflag:$0x1], $0x80, s25, s15, $0xb8;
	[tilespmem:$0x19400] =	vst v63  }
0x88: {  	_ = 	snop  }
0x89: {  	[spmem:s1] =	stream.indirect.scatter.add.f32 [tilespmem:s11], [sflag:$0x1], $0x80, s26, s15, $0xb8;
	[tilespmem:$0x19400] =	vst v63  }
0x8a: {  	_ = 	snop  }
0x8b: {  	[spmem:s1] =	stream.indirect.scatter.add.f32 [tilespmem:s11], [sflag:$0x1], $0x80, s29, s15, $0xb8;
	[tilespmem:$0x19400] =	vst v63  }
0x8c: {  	_ =	swait.ge [sflag:s22], $0x4000  }
0x8d: {  	[sflag:s22] =	ssyncset.done $0x0  }
0x8e: {  	[sflag:s22] =	ssyncadd.s32 $0xFFFFC000  }
0x8f: {  	_ =	swait.ge [sflag:s22], $0x4000  }
0x90: {  	[sflag:s22] =	ssyncset.done $0x0  }
0x91: {  	[sflag:s22] =	ssyncadd.s32 $0xFFFFC000  }
0x92: {  	_ =	swait.ge [sflag:s22], $0x4000  }
0x93: {  	[sflag:s22] =	ssyncset.done $0x0  }
0x94: {  	[sflag:s22] =	ssyncadd.s32 $0xFFFFC000  }
0x95: {  	_ =	swait.ge [sflag:s22], $0x4000  }
0x96: {  	[sflag:s22] =	ssyncset.done $0x0  }
0x97: {  	[sflag:s22] =	ssyncadd.s32 $0xFFFFC000  }
0x98: {  	_ =	swait.ge [sflag:s22], $0x4000  }
0x99: {  	[sflag:s22] =	ssyncset.done $0x0  }
0x9a: {  	[sflag:s22] =	ssyncadd.s32 $0xFFFFC000  }
0x9b: {  	_ =	swait.ge [sflag:s22], $0x4000  }
0x9c: {  	[sflag:s22] =	ssyncset.done $0x0  }
0x9d: {  	[sflag:s22] =	ssyncadd.s32 $0xFFFFC000  }
0x9e: {  	_ =	swait.ge [sflag:s22], $0x4000  }
0x9f: {  	[sflag:s22] =	ssyncset.done $0x0  }
0xa0: {  	[sflag:s22] =	ssyncadd.s32 $0xFFFFC000  }
0xa1: {  	_ =	swait.ge [sflag:s22], $0x4000  }
0xa2: {  	[sflag:s22] =	ssyncset.done $0x0  }
0xa3: {  	[sflag:s22] =	ssyncadd.s32 $0xFFFFC000  }
0xa4: {  	[spmem:s1] =	stream.indirect.scatter.add.f32 [tilespmem:s11], [sflag:$0x1], $0x80, s28, s15, $0xb8;
	[tilespmem:$0x19400] =	vst v63  }
0xa5: {  	_ = 	snop  }
0xa6: {  	[spmem:s1] =	stream.indirect.scatter.add.f32 [tilespmem:s11], [sflag:$0x1], $0x80, s30, s15, $0xb8;
	[tilespmem:$0x19400] =	vst v63  }
0xa7: {  	_ = 	snop  }
0xa8: {  	[spmem:s1] =	stream.indirect.scatter.add.f32 [tilespmem:s11], [sflag:$0x1], $0x80, s0, s15, $0xb8;
	[tilespmem:$0x19400] =	vst v63  }
0xa9: {  	_ = 	snop  }
0xaa: {  	[spmem:s1] =	stream.indirect.scatter.add.f32 [tilespmem:s11], [sflag:$0x1], $0x80, s4, s15, $0xb8;
	[tilespmem:$0x19400] =	vst v63  }
0xab: {  	_ = 	snop  }
0xac: {  	[spmem:s1] =	stream.indirect.scatter.add.f32 [tilespmem:s11], [sflag:$0x1], $0x80, s3, s15, $0xb8;
	[tilespmem:$0x19400] =	vst v63  }
0xad: {  	_ = 	snop  }
0xae: {  	[spmem:s1] =	stream.indirect.scatter.add.f32 [tilespmem:s11], [sflag:$0x1], $0x80, s5, s15, $0xb8;
	[tilespmem:$0x19400] =	vst v63  }
0xaf: {  	_ = 	snop  }
0xb0: {  	[spmem:s1] =	stream.indirect.scatter.add.f32 [tilespmem:s11], [sflag:$0x1], $0x80, s7, s15, $0xb8;
	[tilespmem:$0x19400] =	vst v63  }
0xb1: {  	_ = 	snop  }
0xb2: {  	[spmem:s1] =	stream.indirect.scatter.add.f32 [tilespmem:s11], [sflag:$0x1], $0x80, s9, s15, $0xb8;
	[tilespmem:$0x19400] =	vst v63  }
0xb3: {  	_ =	swait.ge [sflag:s22], $0x4000  }
0xb4: {  	[sflag:s22] =	ssyncset.done $0x0  }
0xb5: {  	[sflag:s22] =	ssyncadd.s32 $0xFFFFC000  }
0xb6: {  	_ =	swait.ge [sflag:s22], $0x4000  }
0xb7: {  	[sflag:s22] =	ssyncset.done $0x0  }
0xb8: {  	[sflag:s22] =	ssyncadd.s32 $0xFFFFC000  }
0xb9: {  	_ =	swait.ge [sflag:s22], $0x4000  }
0xba: {  	[sflag:s22] =	ssyncset.done $0x0  }
0xbb: {  	[sflag:s22] =	ssyncadd.s32 $0xFFFFC000  }
0xbc: {  	_ =	swait.ge [sflag:s22], $0x4000  }
0xbd: {  	[sflag:s22] =	ssyncset.done $0x0  }
0xbe: {  	[sflag:s22] =	ssyncadd.s32 $0xFFFFC000  }
0xbf: {  	_ =	swait.ge [sflag:s22], $0x4000  }
0xc0: {  	[sflag:s22] =	ssyncset.done $0x0  }
0xc1: {  	[sflag:s22] =	ssyncadd.s32 $0xFFFFC000  }
0xc2: {  	_ =	swait.ge [sflag:s22], $0x4000  }
0xc3: {  	[sflag:s22] =	ssyncset.done $0x0  }
0xc4: {  	[sflag:s22] =	ssyncadd.s32 $0xFFFFC000  }
0xc5: {  	_ =	swait.ge [sflag:s22], $0x4000  }
0xc6: {  	[sflag:s22] =	ssyncset.done $0x0  }
0xc7: {  	[sflag:s22] =	ssyncadd.s32 $0xFFFFC000  }
0xc8: {  	_ =	swait.ge [sflag:s22], $0x4000  }
0xc9: {  	[sflag:s22] =	ssyncset.done $0x0  }
0xca: {  	[sflag:s22] =	ssyncadd.s32 $0xFFFFC000  }
0xcb: {  	[spmem:s1] =	stream.indirect.scatter.add.f32 [tilespmem:s11], [sflag:$0x1], $0x80, s6, s15, $0xb8;
	[tilespmem:$0x19400] =	vst v63  }
0xcc: {  	_ = 	snop  }
0xcd: {  	[spmem:s1] =	stream.indirect.scatter.add.f32 [tilespmem:s11], [sflag:$0x1], $0x80, s8, s15, $0xb8;
	[tilespmem:$0x19400] =	vst v63  }
0xce: {  	_ = 	snop  }
0xcf: {  	[spmem:s1] =	stream.indirect.scatter.add.f32 [tilespmem:s11], [sflag:$0x1], $0x80, s24, s15, $0xb8;
	[tilespmem:$0x19400] =	vst v63  }
0xd0: {  	_ = 	snop  }
0xd1: {  	[spmem:s1] =	stream.indirect.scatter.add.f32 [tilespmem:s11], [sflag:$0x1], $0x80, s13, s15, $0xb8;
	[tilespmem:$0x19400] =	vst v63  }
0xd2: {  	_ = 	snop  }
0xd3: {  	[spmem:s1] =	stream.indirect.scatter.add.f32 [tilespmem:s11], [sflag:$0x1], $0x80, s10, s15, $0xb8;
	[tilespmem:$0x19400] =	vst v63  }
0xd4: {  	_ = 	snop  }
0xd5: {  	[spmem:s1] =	stream.indirect.scatter.add.f32 [tilespmem:s11], [sflag:$0x1], $0x80, s12, s15, $0xb8;
	[tilespmem:$0x19400] =	vst v63  }
0xd6: {  	_ = 	snop  }
0xd7: {  	[spmem:s1] =	stream.indirect.scatter.add.f32 [tilespmem:s11], [sflag:$0x1], $0x80, s2, s15, $0xb8;
	[tilespmem:$0x19400] =	vst v63  }
0xd8: {  	_ = 	snop  }
0xd9: {  	[spmem:s1] =	stream.indirect.scatter.add.f32 [tilespmem:s11], [sflag:$0x1], $0x80, s16, s15, $0xb8;
	[tilespmem:$0x19400] =	vst v63  }
0xda: {  	_ =	swait.ge [sflag:s22], $0x4000  }
0xdb: {  	[sflag:s22] =	ssyncset.done $0x0  }
0xdc: {  	[sflag:s22] =	ssyncadd.s32 $0xFFFFC000  }
0xdd: {  	_ =	swait.ge [sflag:s22], $0x4000  }
0xde: {  	[sflag:s22] =	ssyncset.done $0x0  }
0xdf: {  	[sflag:s22] =	ssyncadd.s32 $0xFFFFC000  }
0xe0: {  	_ =	swait.ge [sflag:s22], $0x4000  }
0xe1: {  	[sflag:s22] =	ssyncset.done $0x0  }
0xe2: {  	[sflag:s22] =	ssyncadd.s32 $0xFFFFC000  }
0xe3: {  	_ =	swait.ge [sflag:s22], $0x4000  }
0xe4: {  	[sflag:s22] =	ssyncset.done $0x0  }
0xe5: {  	[sflag:s22] =	ssyncadd.s32 $0xFFFFC000  }
0xe6: {  	_ =	swait.ge [sflag:s22], $0x4000  }
0xe7: {  	[sflag:s22] =	ssyncset.done $0x0  }
0xe8: {  	[sflag:s22] =	ssyncadd.s32 $0xFFFFC000  }
0xe9: {  	_ =	swait.ge [sflag:s22], $0x4000  }
0xea: {  	[sflag:s22] =	ssyncset.done $0x0  }
0xeb: {  	[sflag:s22] =	ssyncadd.s32 $0xFFFFC000  }
0xec: {  	p2 =	por p0, p0;
	_ =	swait.ge [sflag:s22], $0x4000  }
.Ltmp0:
0xed: {  	[sflag:s22] =	ssyncset.done $0x0;
	(pc) =	sbr.rel @p2 .LBB2_2-.Ltmp0, $4  }
0xee: {  	[sflag:s22] =	ssyncadd.s32 $0xFFFFC000  }
0xef: {  	_ =	swait.ge [sflag:s22], $0x4000  }
0xf0: {  	[sflag:s22] =	ssyncset.done $0x0  }
0xf1: {  	p0 =	por $0x0, $0x0;
	p1 =	por $0x1, $0x1;
	[sflag:s22] =	ssyncadd.s32 $0xFFFFC000  }
0xf2: {  	[bflag:$0x0] =	sbarrier.arrive $0xFFFF  }
0xf3: {  	s0 =	rddreg [dreg:$0x6]  }
0xf4: {  	s2 =	rddreg [dreg:$0xa]  }
0xf5: {  	s4 =	simm.s32 $0x3;
	s3 =	rddreg [dreg:$0xb];
	s31 =	sor.u32 $0x1C03, s0  }
0xf6: {  	[hbm:s3], [sflag:s31] =	dma.local [spmem:s2], $0x2800  }
0xf7: {  	_ =	swait.ge [sflag:s4], $0x2800  }
0xf8: {  	s31 =	smov.u32 s2;
	s2 =	rddreg [dreg:$0xc]  }
0xf9: {  	s9 =	rddreg [dreg:$0x9];
	s2 =	sadd.s32 $0x1, s2  }
0xfa: {  	p0 =	sne.s32 s2, s9  }
.Ltmp1:
0xfb: {  	_ = 	snop;
	(pc) =	sbr.rel @p0 .LBB2_1-.Ltmp1, $3  }
0xfc: {  	_ =	sdelay $0x1  }
0xfd: {  	[sflag:s4] =	ssyncset.done $0x0  }
0xfe: {  	[sflag:s4] =	ssyncadd.s32 $0xFFFFD800;
	s4 =	simm.s32 $0x3;
	s9 =	simm.s32 $0x0  }
0xff: {  	_ =	sfence.sel $0x180000  }
0x100: {  	[bflag:$0x0] =	sbarrier.arrive $0xFFFF  }
0x101: {  	_ =	strace $0x90000047  }
0x102: {  	s0 =	stileid.u32;
	[bflag:$0x2] =	sbarrier.arrive $0xFFFF  }
0x103: {  	p0 =	sne.s32 s0, $0x0;
	s0 =	rddreg [dreg:$0x3]  }
0x104: {  	s0 =	sadd.s32 @!p0 $0x100000, s0  }
0x105: {  	[sflag:s0] =	ssyncadd.tile.s32 @!p0 $0x1;
	_ =	shalt  }
.Lfunc_end2:
_tile_overlayer_lowered:
.L_overlay_start_2:
0x106: {  	(tag) =	ssettag $0x2  }
0x107: {  	s0 =	rddreg [dreg:$0x0];
	s2 =	stileid.u32  }
0x108: {  	s1 =	rddreg [dreg:$0x1];
	p0 =	sne.s32 s2, $0x0  }
0x109: {  	s3 =	rddreg [dreg:$0x2];
	[bflag:$0x3] =	sbarrier.arrive $0xFFFF;
	s2 =	simm.s32 @!p0 $0x1C03  }
0x10a: {  	[timem:s3], [sflag:s2] =	dma.local @!p0 [hbm:s0], s1  }
0x10b: {  	s0 =	simm.s32 @!p0 $0x3  }
0x10c: {  	_ =	swait.ge @!p0 [sflag:s0], s1  }
0x10d: {  	s1 =	ssub.s32 @!p0 $0x0, s1;
	[sflag:s0] =	ssyncset.done @!p0 $0x0  }
0x10e: {  	[sflag:s0] =	ssyncadd.s32 @!p0 s1  }
0x10f: {  	[bflag:$0x3] =	sbarrier.arrive $0xFFFF  }
0x110: {  	_ =	shalt  }

// kernel: kernel.14.cloned.1.call-start
scs
__scs_entry_jumppad:
0x0: {  	(pc) =	sbr.rel $0x88, $3  }
0x1: {  	(tag) =	ssettag $0x0;
	lr =	simm.s32 $0x1  }
0x2: {  	[smem:$0x3F95] =	sst lr;
	_ =	strace $0xD0000000  }
0x3: {  	_ = 	snop  }
0x4: {  	_ = 	snop  }
0x5: {  	_ = 	snop  }
0x6: {  	_ = 	snop  }
0x7: {  	_ = 	snop  }
__scs_overlays_trampoline_lowered:
0x8: {  	[smem:$0x3FA4] =	sst s0  }
0x9: {  	[smem:$0x3FA5] =	sst s1  }
0xa: {  	[smem:$0x3FA6] =	sst s2  }
0xb: {  	[smem:$0x3FA7] =	sst s3  }
0xc: {  	[smem:$0x3FA8] =	sst s4  }
0xd: {  	[smem:$0x3FA9] =	sst s5  }
0xe: {  	[smem:$0x3FAA] =	sst s6  }
0xf: {  	[smem:$0x3FAB] =	sst s7  }
0x10: {  	[smem:$0x3FAC] =	sst s8  }
0x11: {  	[smem:$0x3FAD] =	sst s9;
	s0 =	simm.s32 @!p0 $0x0  }
0x12: {  	s1 =	sld [smem:$0x3F93];
	s0 =	simm.s32 @p0 $0x1  }
0x13: {  	[smem:$0x3FAE] =	sst s0;
	s0 =	simm.s32 @!p1 $0x0  }
0x14: {  	s2 =	sld [smem:$0x3F92];
	s0 =	simm.s32 @p1 $0x1  }
0x15: {  	[smem:$0x3FAF] =	sst s0;
	s0 =	simm.s32 @!p2 $0x0  }
0x16: {  	s3 =	sld [smem:$0x3FDB];
	s0 =	simm.s32 @p2 $0x1  }
0x17: {  	s4 =	simm.s32 $0x1BF5;
	[smem:$0x3FB1] =	sst s0  }
0x18: {  	s0 =	sld [smem:$0x3F94];
	_ =	swait.ge [sflag:s4], $0x0  }
0x19: {  	s7 =	sld [smem:$0x3F95]  }
0x1a: {  	s8 =	sadd.s32 $0xFFFFE003, lr  }
0x1b: {  	s9 =	sadd.s32 $0xFFFFFEF7, lr;
	s5 =	simm.s32 $0xFFFFFFFF;
	p2 =	slt.u32 s8, $0xFFFFF086  }
0x1c: {  	p1 =	slt.u32 s9, $0xF7A;
	s5 =	simm.s32 @!p2 $0x0  }
0x1d: {  	s5 =	simm.s32 @p1 $0x1;
	p0 =	seq.s32 s7, s2  }
0x1e: {  	s7 =	smul.u32 @!p0 $0xF7A, s2;
	p2 =	seq.s32 @!p0 s5, $0x0  }
0x1f: {  	s9 =	smul.u32 $0xF7A, s1;
	s8 =	simm.s32 @!p0 $0x1BF5;
	p2 =	por !p2, p0  }
0x20: {  	[sflag:s8] =	ssyncset.s32 @!p0 $0xFFFFF086;
	s6 =	sadd.s32 @!p0 s3, s7;
	s7 =	simm.s32 @!p0 $0x108  }
0x21: {  	s3 =	sadd.s32 s3, s9;
	s6 =	sadd.s32 @!p0 $0x88, s6;
	s7 =	simm.s32 @p2 $0x1082  }
0x22: {  	[simem:s7], [sflag:s8] =	dma.local @!p0 [hbm:s6], $0xF7A  }
0x23: {  	s9 =	sor.u32 $0xD0000000, s2;
	s6 =	simm.s32 $0x108;
	_ =	swait.ge @!p0 [sflag:s8], $0x0  }
0x24: {  	s3 =	sadd.s32 $0x88, s3;
	s6 =	simm.s32 @!p1 $0x1082;
	[sflag:s4] =	ssyncset.s32 $0xFFFFF086  }
0x25: {  	[simem:s6], [sflag:s4] =	dma.local [hbm:s3], $0xF7A  }
0x26: {  	[smem:$0x3F95] =	sst s1;
	(tag) =	ssettag s2;
	_ =	strace s9  }
0x27: {  	s1 =	sld [smem:$0x3FA5]  }
0x28: {  	s2 =	sld [smem:$0x3FA6]  }
0x29: {  	s4 =	sld [smem:$0x3FA8]  }
0x2a: {  	p0 =	seq.s32 s5, $0x0;
	s5 =	sld [smem:$0x3FA9]  }
0x2b: {  	s6 =	sld [smem:$0x3FAA]  }
0x2c: {  	s7 =	sld [smem:$0x3FAB]  }
0x2d: {  	s3 =	simm.s32 $0x108;
	s8 =	sld [smem:$0x3FAC]  }
0x2e: {  	s3 =	simm.s32 @!p0 $0x1082;
	s9 =	sld [smem:$0x3FAD]  }
0x2f: {  	lr =	sadd.s32 s0, s3;
	s0 =	sld [smem:$0x3FA4]  }
0x30: {  	s3 =	sld [smem:$0x3FA7]  }
0x31: {  	[smem:$0x3FB0] =	sst s10  }
0x32: {  	s10 =	sld [smem:$0x3FAE];
	_ =	sdelay $0x3  }
0x33: {  	p0 =	seq.s32 s10, $0x1;
	s10 =	sld [smem:$0x3FB0];
	_ =	sdelay $0x3  }
0x34: {  	[smem:$0x3FB0] =	sst s10  }
0x35: {  	s10 =	sld [smem:$0x3FAF];
	_ =	sdelay $0x3  }
0x36: {  	p1 =	seq.s32 s10, $0x1;
	s10 =	sld [smem:$0x3FB0];
	_ =	sdelay $0x3  }
0x37: {  	[smem:$0x3FB0] =	sst s10  }
0x38: {  	s10 =	sld [smem:$0x3FB1]  }
0x39: {  	_ = 	snop;
	(pc) =	sbr.ind lr, $3  }
0x3a: {  	_ = 	snop  }
0x3b: {  	_ = 	snop  }
0x3c: {  	p2 =	seq.s32 s10, $0x1;
	s10 =	sld [smem:$0x3FB0]  }
0x3d: {  	_ =	shalt  }
0x3e: {  	_ =	shalt  }
0x3f: {  	_ =	shalt  }
0x40: {  	_ =	shalt  }
0x41: {  	_ =	shalt  }
0x42: {  	_ =	shalt  }
0x43: {  	_ =	shalt  }
0x44: {  	_ =	shalt  }
0x45: {  	_ =	shalt  }
0x46: {  	_ =	shalt  }
0x47: {  	_ =	shalt  }
0x48: {  	_ =	shalt  }
0x49: {  	_ =	shalt  }
0x4a: {  	_ =	shalt  }
0x4b: {  	_ =	shalt  }
0x4c: {  	_ =	shalt  }
0x4d: {  	_ =	shalt  }
0x4e: {  	_ =	shalt  }
0x4f: {  	_ =	shalt  }
0x50: {  	_ =	shalt  }
0x51: {  	_ =	shalt  }
0x52: {  	_ =	shalt  }
0x53: {  	_ =	shalt  }
0x54: {  	_ =	shalt  }
0x55: {  	_ =	shalt  }
0x56: {  	_ =	shalt  }
0x57: {  	_ =	shalt  }
0x58: {  	_ =	shalt  }
0x59: {  	_ =	shalt  }
0x5a: {  	_ =	shalt  }
0x5b: {  	_ =	shalt  }
0x5c: {  	_ =	shalt  }
0x5d: {  	_ =	shalt  }
0x5e: {  	_ =	shalt  }
0x5f: {  	_ =	shalt  }
0x60: {  	_ =	shalt  }
0x61: {  	_ =	shalt  }
0x62: {  	_ =	shalt  }
0x63: {  	_ =	shalt  }
0x64: {  	_ =	shalt  }
0x65: {  	_ =	shalt  }
0x66: {  	_ =	shalt  }
0x67: {  	_ =	shalt  }
0x68: {  	_ =	shalt  }
0x69: {  	_ =	shalt  }
0x6a: {  	_ =	shalt  }
0x6b: {  	_ =	shalt  }
0x6c: {  	_ =	shalt  }
0x6d: {  	_ =	shalt  }
0x6e: {  	_ =	shalt  }
0x6f: {  	_ =	shalt  }
0x70: {  	_ =	shalt  }
0x71: {  	_ =	shalt  }
0x72: {  	_ =	shalt  }
0x73: {  	_ =	shalt  }
0x74: {  	_ =	shalt  }
0x75: {  	_ =	shalt  }
0x76: {  	_ =	shalt  }
0x77: {  	_ =	shalt  }
0x78: {  	_ =	shalt  }
0x79: {  	_ =	shalt  }
0x7a: {  	_ =	shalt  }
0x7b: {  	_ =	shalt  }
0x7c: {  	_ =	shalt  }
0x7d: {  	_ =	shalt  }
0x7e: {  	_ =	shalt  }
0x7f: {  	_ =	shalt  }
0x80: {  	_ =	shalt  }
0x81: {  	_ =	shalt  }
0x82: {  	_ =	shalt  }
0x83: {  	_ =	shalt  }
0x84: {  	_ =	shalt  }
0x85: {  	_ =	shalt  }
0x86: {  	_ =	shalt  }
0x87: {  	_ =	shalt  }
.Lfunc_end0:
.L_simem_size_0:
called_computation.1_lowered:
.L_overlay_start_0:
0x88: {  	s2 =	sld [smem:$0x3FD9]  }
0x89: {  	s3 =	sld [smem:$0x3FFE];
	_ =	sdelay $0x1  }
0x8a: {  	s1 =	srdreg.scid  }
0x8b: {  	s0 =	sand.u32 $0x1, s1  }
0x8c: {  	s17 =	sshll.u32 s0, $0xA;
	s2 =	sadd.s32 s3, s2  }
0x8d: {  	s2 =	sadd.s32 s2, s17  }
0x8e: {  	[smem:$0x3FBC] =	sst s2  }
0x8f: {  	_ = 	snop  }
0x90: {  	s2 =	sld [smem:$0x3FD0];
	(tm) =	ssettm $0x1  }
0x91: {  	s18 =	sld [smem:$0x3FFB];
	_ =	sdelay $0x3  }
0x92: {  	_ =	strace s18  }
0x93: {  	s3 =	sld [smem:$0x3FFC];
	_ =	sdelay $0x3  }
0x94: {  	_ =	strace s3  }
0x95: {  	s3 =	sld [smem:$0x3FFD];
	_ =	sdelay $0x3  }
0x96: {  	_ =	strace s3  }
0x97: {  	_ =	strace $0x8FFFFFFF  }
0x98: {  	s19 =	sld [smem:$0x3FDB];
	_ =	sdelay $0x1  }
0x99: {  	s4 =	simm.s32 $_scs_section_size  }
0x9a: {  	s5 =	simm.s32 $_size__tile_overlayer_lowered;
	s6 =	simm.s32 $_tile_overlayer_lowered  }
0x9b: {  	s22 =	simm.s32 $0x1BFF;
	s21 =	sshll.u32 s6, $0x1;
	s3 =	sadd.s32 s4, s19  }
0x9c: {  	s7 =	simm.s32 $0x0;
	s20 =	sshll.u32 s5, $0x1;
	s5 =	sadd.s32 s21, s3  }
0x9d: {  	[timem:s7], [sflag:s22] =	dma.local [hbm:s5], s20  }
0x9e: {  	_ =	swait.ge [sflag:s22], s20  }
0x9f: {  	s4 =	ssub.s32 $0x0, s20;
	[sflag:s22] =	ssyncset.done $0x0  }
0xa0: {  	[sflag:s22] =	ssyncadd.s32 s4;
	_ =	sdelay $0x1  }
0xa1: {  	s23 =	simm.s32 $0x1B8B  }
0xa2: {  	_ =	swait.ge [sflag:s23], $0x1  }
0xa3: {  	[sflag:s23] =	ssyncset.done $0x0  }
0xa4: {  	s25 =	simm.s32 $0x1B8E;
	s24 =	sld [smem:$0x3FFE];
	[sflag:s23] =	ssyncadd.s32 $0xFFFFFFFF  }
0xa5: {  	s26 =	simm.s32 $execute0_lowered;
	[smem:$0x3FD2] =	sst s25  }
0xa6: {  	s5 =	sshll.u32 s26, $0x1;
	_ =	strace $0x80000049;
	[dreg:$0x1] =	wrdreg $0xFFFFFFFF  }
0xa7: {  	s28 =	simm.s32 $_size_execute0_lowered;
	s3 =	sadd.s32 s3, s5;
	[dreg:$0x0] =	wrdreg $0x0  }
0xa8: {  	s5 =	sshll.u32 s28, $0x1;
	[dreg:$0x2] =	wrdreg s3  }
0xa9: {  	[dreg:$0x3] =	wrdreg s5  }
0xaa: {  	[dreg:$0x4] =	wrdreg $0xC0  }
0xab: {  	_ =	task [dreg:s7], $0x5FFFF  }
0xac: {  	[dreg:$0x1] =	wrdreg $0xFFFFFFFF  }
0xad: {  	[dreg:$0x0] =	wrdreg $0x60  }
0xae: {  	[dreg:$0x2] =	wrdreg s24  }
0xaf: {  	[dreg:$0x3] =	wrdreg s2  }
0xb0: {  	[dreg:$0x4] =	wrdreg $0xA8000  }
0xb1: {  	[dreg:$0x5] =	wrdreg $0x9  }
0xb2: {  	_ =	task.clear_ibuf [dreg:s7], $0x6FFFF;
	_ =	strace $0x90000049  }
0xb3: {  	s29 =	simm.s32 $0x9;
	_ =	strace $0x8000004B  }
0xb4: {  	_ =	swait.ge [sflag:s29], $0x1  }
0xb5: {  	[sflag:s29] =	ssyncadd.s32 $0xFFFFFFFF  }
0xb6: {  	_ =	strace $0x9000004B  }
0xb7: {  	_ =	sfence  }
0xb8: {  	s30 =	sld [smem:$0x0];
	_ =	sdelay $0x2  }
0xb9: {  	s31 =	sshll.u32 s1, $0xD;
	s1 =	sshrl.u32 s1, $0x2  }
0xba: {  	s3 =	sand.u32 $0x4000, s31;
	s1 =	sadd.s32 s1, s30  }
0xbb: {  	s0 =	sor.u32 s3, s0;
	s1 =	sshll.u32 s1, $0x11  }
0xbc: {  	s0 =	sor.u32 s1, s0  }
0xbd: {  	s0 =	sadd.s32 $0x8F2B, s0  }
0xbe: {  	[sflag:s0] =	ssyncadd.remote.s32 $0x1  }
0xbf: {  	_ =	sfence.sel $0xFFFF  }
0xc0: {  	[dreg:$0x0] =	wrdreg $0xFFFFFFFF;
	(pc) =	sbr.abs _section_cstart, $3  }
0xc1: {  	[dreg:$0x1] =	wrdreg $0xFFFFFFFF  }
0xc2: {  	_ =	task.clear_ibuf [dreg:s7], $0x2FFFF;
	_ =	strace $0x9FFFFFFF  }
0xc3: {  	(tm) =	ssettm $0x7FFFFFFF  }
tec
execute0_lowered:
.L_overlay_start_1:
0x0: {  	(tag) =	ssettag $0x1  }
0x1: {  	s5 =	rddreg [dreg:$0x0]  }
0x2: {  	s9 =	rddreg [dreg:$0x1]  }
0x3: {  	s0 =	srdreg.scid;
	s2 =	rddreg [dreg:$0x2]  }
0x4: {  	s3 =	simm.s32 $0x0;
	s17 =	simm.s32 $0x80;
	s18 =	simm.s32 $0x2800  }
0x5: {  	s19 =	simm.s32 $0x6800;
	s20 =	simm.s32 $0x1;
	s21 =	simm.s32 $0x2  }
0x6: {  	s22 =	simm.s32 $0x3;
	s6 =	sand.u32 $0x1, s0;
	s0 =	stileid.u32  }
0x7: {  	s23 =	simm.s32 $0x4;
	[smem:$0x7FF] =	sst s3;
	s7 =	smul.u32 $0x28000, s6  }
0x8: {  	s1 =	sshll.u32 s6, $0x4;
	s8 =	smul.u32 $0x50000, s0;
	s30 =	ssub.s32 $0x2, s6  }
0x9: {  	s24 =	smul.u32 $0x2800, s0;
	s4 =	sor.u32 s0, s1;
	s1 =	rddreg [dreg:$0x3]  }
0xa: {  	_ =	strace $0x8000004A;
	s6 =	sshrl.u32 s30, $0x1;
	s10 =	smul.u32 $0x500, s4  }
0xb: {  	s4 =	sadd.s32 $0xE200, s5;
	s12 =	sadd.s32 s7, s5;
	s31 =	sshrl.u32 s8, $0x2  }
0xc: {  	s13 =	ssub.s32 s30, s6;
	s14 =	sadd.s32 s31, s2;
	s6 =	sadd.s32 s4, s24  }
0xd: {  	s25 =	sadd.s32 $0x36200, s12;
	s12 =	simm.s32 $0x6;
	s11 =	sadd.s32 s10, s5  }
0xe: {  	s5 =	sshll.u32 s0, $0x6;
	s9 =	sadd.s32 s9, s10;
	s10 =	smax.u32 s13, $0x1  }
0xf: {  	s13 =	simm.s32 $0x1400;
	s24 =	sadd.s32 s24, s25;
	s25 =	simm.s32 $0x0  }
0x10: {  	s7 =	sor.u32 $0x1C05, s5;
	s8 =	sadd.s32 $0x4200, s11;
	s11 =	sshrl.u32 s14, $0x3  }
0x11: {  	s14 =	simm.s32 $0x5;
	s16 =	sadd.s32 $0x280, s9;
	s15 =	sadd.s32 $0x280, s8  }
.LBB2_1:
0x12: {  	[spmem:s11], [sflag:s7] =	dma.local [hbm:s6], $0x2800  }
0x13: {  	[tilespmem:s3], [sflag:$0x6] =	stream.linear.gather [hbm4b:s8+s3], $0x1400, $0x38;
	[tilespmem:$0x1E800] =	vst v63  }
0x14: {  	_ =	swait.ge [sflag:s12], $0x1400  }
0x15: {  	[sflag:s12] =	ssyncset.done $0x0  }
0x16: {  	[sflag:s12] =	ssyncadd.s32 $0xFFFFEC00  }
0x17: {  	[tilespmem:s13], [sflag:$0x6] =	stream.linear.gather [hbm4b:s9+s3], $0x1400, $0x38;
	[tilespmem:$0x1E800] =	vst v63  }
0x18: {  	_ =	swait.ge [sflag:s12], $0x1400  }
0x19: {  	[sflag:s12] =	ssyncset.done $0x0  }
0x1a: {  	[sflag:s12] =	ssyncadd.s32 $0xFFFFEC00  }
0x1b: {  	_ =	swait.ge [sflag:s14], $0x2800  }
0x1c: {  	[sflag:s14] =	ssyncset.done $0x0  }
0x1d: {  	[sflag:s14] =	ssyncadd.s32 $0xFFFFD800  }
0x1e: {  	s26 =	simm.s32 $0x0;
	[bflag:$0x0] =	sbarrier.arrive $0xFFFF  }
0x1f: {  	[tilespmem:s18], [sflag:$0x1] =	stream.indirect.gather [hbm4b:s4+s17], $0x80, s26, s17, $0xb8;
	[tilespmem:$0x1E800] =	vst v63  }
0x20: {  	s29 =	simm.s32 $0x80  }
0x21: {  	[tilespmem:s19], [sflag:$0x2] =	stream.indirect.gather [hbm4b:s4+s17], $0x80, s29, s17, $0xb8;
	[tilespmem:$0x1E800] =	vst v63  }
0x22: {  	_ =	swait.ge [sflag:s20], $0x4000  }
0x23: {  	[sflag:s20] =	ssyncset.done $0x0  }
0x24: {  	s30 =	simm.s32 $0x1400;
	[sflag:s20] =	ssyncadd.s32 $0xFFFFC000  }
0x25: {  	[spmem:s2] =	stream.indirect.scatter.add.f32 [tilespmem:s18], [sflag:$0x3], $0x80, s30, s17, $0xb8;
	[tilespmem:$0x1E800] =	vst v63  }
0x26: {  	_ =	swait.ge [sflag:s21], $0x4000  }
0x27: {  	[sflag:s21] =	ssyncset.done $0x0  }
0x28: {  	s31 =	simm.s32 $0x1480;
	[sflag:s21] =	ssyncadd.s32 $0xFFFFC000  }
0x29: {  	[spmem:s2] =	stream.indirect.scatter.add.f32 [tilespmem:s19], [sflag:$0x4], $0x80, s31, s17, $0xb8;
	[tilespmem:$0x1E800] =	vst v63  }
0x2a: {  	_ =	swait.ge [sflag:s22], $0x4000  }
0x2b: {  	[sflag:s22] =	ssyncset.done $0x0  }
0x2c: {  	[sflag:s22] =	ssyncadd.s32 $0xFFFFC000  }
0x2d: {  	_ =	swait.ge [sflag:s23], $0x4000  }
0x2e: {  	s28 =	simm.s32 $0x800;
	s26 =	simm.s32 $0x400;
	[sflag:s23] =	ssyncset.done $0x0  }
.LBB2_2:
0x2f: {  	s29 =	sshra.s32 s26, $0x2  }
0x30: {  	[sflag:s23] =	ssyncadd.s32 $0xFFFFC000;
	s26 =	smov.u32 s28;
	s30 =	sadd.s32 $0x400, s28  }
0x31: {  	[tilespmem:s18], [sflag:$0x1] =	stream.indirect.gather [hbm4b:s4+s17], $0x80, s29, s17, $0xb8;
	[tilespmem:$0x1E800] =	vst v63  }
0x32: {  	p0 =	sne.s32 s28, $0x4C00;
	s28 =	sadd.s32 $0x80, s29  }
0x33: {  	[tilespmem:s19], [sflag:$0x2] =	stream.indirect.gather [hbm4b:s4+s17], $0x80, s28, s17, $0xb8;
	[tilespmem:$0x1E800] =	vst v63  }
0x34: {  	_ =	swait.ge [sflag:s20], $0x4000  }
0x35: {  	[sflag:s20] =	ssyncset.done $0x0  }
0x36: {  	s28 =	sadd.s32 $0x1400, s29;
	[sflag:s20] =	ssyncadd.s32 $0xFFFFC000  }
0x37: {  	[spmem:s2] =	stream.indirect.scatter.add.f32 [tilespmem:s18], [sflag:$0x3], $0x80, s28, s17, $0xb8;
	[tilespmem:$0x1E800] =	vst v63  }
0x38: {  	_ =	swait.ge [sflag:s21], $0x4000  }
0x39: {  	[sflag:s21] =	ssyncset.done $0x0  }
0x3a: {  	s28 =	sadd.s32 $0x1480, s29;
	[sflag:s21] =	ssyncadd.s32 $0xFFFFC000  }
0x3b: {  	[spmem:s2] =	stream.indirect.scatter.add.f32 [tilespmem:s19], [sflag:$0x4], $0x80, s28, s17, $0xb8;
	[tilespmem:$0x1E800] =	vst v63  }
.Ltmp0:
0x3c: {  	_ =	swait.ge [sflag:s22], $0x4000;
	(pc) =	sbr.rel @p0 .LBB2_2-.Ltmp0, $4  }
0x3d: {  	[sflag:s22] =	ssyncset.done $0x0  }
0x3e: {  	[sflag:s22] =	ssyncadd.s32 $0xFFFFC000  }
0x3f: {  	_ =	swait.ge [sflag:s23], $0x4000  }
0x40: {  	s28 =	smov.u32 s30;
	[sflag:s23] =	ssyncset.done $0x0  }
0x41: {  	s26 =	sshra.s32 s26, $0x2;
	[sflag:s23] =	ssyncadd.s32 $0xFFFFC000  }
0x42: {  	[tilespmem:s18], [sflag:$0x1] =	stream.indirect.gather [hbm4b:s4+s17], $0x80, s26, s17, $0xb8;
	[tilespmem:$0x1E800] =	vst v63  }
0x43: {  	s28 =	sadd.s32 $0x80, s26  }
0x44: {  	[tilespmem:s19], [sflag:$0x2] =	stream.indirect.gather [hbm4b:s4+s17], $0x80, s28, s17, $0xb8;
	[tilespmem:$0x1E800] =	vst v63  }
0x45: {  	_ =	swait.ge [sflag:s20], $0x4000  }
0x46: {  	[sflag:s20] =	ssyncset.done $0x0  }
0x47: {  	s28 =	sadd.s32 $0x1400, s26;
	[sflag:s20] =	ssyncadd.s32 $0xFFFFC000  }
0x48: {  	[spmem:s2] =	stream.indirect.scatter.add.f32 [tilespmem:s18], [sflag:$0x3], $0x80, s28, s17, $0xb8;
	[tilespmem:$0x1E800] =	vst v63  }
0x49: {  	_ =	swait.ge [sflag:s21], $0x4000  }
0x4a: {  	[sflag:s21] =	ssyncset.done $0x0  }
0x4b: {  	s26 =	sadd.s32 $0x1480, s26;
	[sflag:s21] =	ssyncadd.s32 $0xFFFFC000  }
0x4c: {  	[spmem:s2] =	stream.indirect.scatter.add.f32 [tilespmem:s19], [sflag:$0x4], $0x80, s26, s17, $0xb8;
	[tilespmem:$0x1E800] =	vst v63  }
0x4d: {  	_ =	swait.ge [sflag:s22], $0x4000  }
0x4e: {  	[sflag:s22] =	ssyncset.done $0x0  }
0x4f: {  	[sflag:s22] =	ssyncadd.s32 $0xFFFFC000  }
0x50: {  	_ =	swait.ge [sflag:s23], $0x4000  }
0x51: {  	[sflag:s23] =	ssyncset.done $0x0  }
0x52: {  	s30 =	simm.s32 $0x0;
	[sflag:s23] =	ssyncadd.s32 $0xFFFFC000  }
0x53: {  	[tilespmem:s30], [sflag:$0x6] =	stream.linear.gather [hbm4b:s15+s30], $0x1400, $0x38;
	[tilespmem:$0x1E800] =	vst v63  }
0x54: {  	_ =	swait.ge [sflag:s12], $0x1400  }
0x55: {  	[sflag:s12] =	ssyncset.done $0x0  }
0x56: {  	[sflag:s12] =	ssyncadd.s32 $0xFFFFEC00  }
0x57: {  	[tilespmem:s13], [sflag:$0x6] =	stream.linear.gather [hbm4b:s16+s30], $0x1400, $0x38;
	[tilespmem:$0x1E800] =	vst v63  }
0x58: {  	_ =	swait.ge [sflag:s12], $0x1400  }
0x59: {  	[sflag:s12] =	ssyncset.done $0x0  }
0x5a: {  	s31 =	simm.s32 $0x0;
	[sflag:s12] =	ssyncadd.s32 $0xFFFFEC00  }
0x5b: {  	[tilespmem:s18], [sflag:$0x1] =	stream.indirect.gather [hbm4b:s4+s17], $0x80, s31, s17, $0xb8;
	[tilespmem:$0x1E800] =	vst v63  }
0x5c: {  	s29 =	simm.s32 $0x80  }
0x5d: {  	[tilespmem:s19], [sflag:$0x2] =	stream.indirect.gather [hbm4b:s4+s17], $0x80, s29, s17, $0xb8;
	[tilespmem:$0x1E800] =	vst v63  }
0x5e: {  	_ =	swait.ge [sflag:s20], $0x4000  }
0x5f: {  	[sflag:s20] =	ssyncset.done $0x0  }
0x60: {  	s30 =	simm.s32 $0x1400;
	[sflag:s20] =	ssyncadd.s32 $0xFFFFC000  }
0x61: {  	[spmem:s2] =	stream.indirect.scatter.add.f32 [tilespmem:s18], [sflag:$0x3], $0x80, s30, s17, $0xb8;
	[tilespmem:$0x1E800] =	vst v63  }
0x62: {  	_ =	swait.ge [sflag:s21], $0x4000  }
0x63: {  	[sflag:s21] =	ssyncset.done $0x0  }
0x64: {  	s31 =	simm.s32 $0x1480;
	[sflag:s21] =	ssyncadd.s32 $0xFFFFC000  }
0x65: {  	[spmem:s2] =	stream.indirect.scatter.add.f32 [tilespmem:s19], [sflag:$0x4], $0x80, s31, s17, $0xb8;
	[tilespmem:$0x1E800] =	vst v63  }
0x66: {  	_ =	swait.ge [sflag:s22], $0x4000  }
0x67: {  	[sflag:s22] =	ssyncset.done $0x0  }
0x68: {  	[sflag:s22] =	ssyncadd.s32 $0xFFFFC000  }
0x69: {  	_ =	swait.ge [sflag:s23], $0x4000  }
0x6a: {  	s28 =	simm.s32 $0x800;
	s26 =	simm.s32 $0x400;
	[sflag:s23] =	ssyncset.done $0x0  }
.LBB2_4:
0x6b: {  	s29 =	sshra.s32 s26, $0x2  }
0x6c: {  	[sflag:s23] =	ssyncadd.s32 $0xFFFFC000;
	s26 =	smov.u32 s28;
	s30 =	sadd.s32 $0x400, s28  }
0x6d: {  	[tilespmem:s18], [sflag:$0x1] =	stream.indirect.gather [hbm4b:s4+s17], $0x80, s29, s17, $0xb8;
	[tilespmem:$0x1E800] =	vst v63  }
0x6e: {  	p0 =	sne.s32 s28, $0x4C00;
	s28 =	sadd.s32 $0x80, s29  }
0x6f: {  	[tilespmem:s19], [sflag:$0x2] =	stream.indirect.gather [hbm4b:s4+s17], $0x80, s28, s17, $0xb8;
	[tilespmem:$0x1E800] =	vst v63  }
0x70: {  	_ =	swait.ge [sflag:s20], $0x4000  }
0x71: {  	[sflag:s20] =	ssyncset.done $0x0  }
0x72: {  	s28 =	sadd.s32 $0x1400, s29;
	[sflag:s20] =	ssyncadd.s32 $0xFFFFC000  }
0x73: {  	[spmem:s2] =	stream.indirect.scatter.add.f32 [tilespmem:s18], [sflag:$0x3], $0x80, s28, s17, $0xb8;
	[tilespmem:$0x1E800] =	vst v63  }
0x74: {  	_ =	swait.ge [sflag:s21], $0x4000  }
0x75: {  	[sflag:s21] =	ssyncset.done $0x0  }
0x76: {  	s28 =	sadd.s32 $0x1480, s29;
	[sflag:s21] =	ssyncadd.s32 $0xFFFFC000  }
0x77: {  	[spmem:s2] =	stream.indirect.scatter.add.f32 [tilespmem:s19], [sflag:$0x4], $0x80, s28, s17, $0xb8;
	[tilespmem:$0x1E800] =	vst v63  }
.Ltmp1:
0x78: {  	_ =	swait.ge [sflag:s22], $0x4000;
	(pc) =	sbr.rel @p0 .LBB2_4-.Ltmp1, $4  }
0x79: {  	[sflag:s22] =	ssyncset.done $0x0  }
0x7a: {  	[sflag:s22] =	ssyncadd.s32 $0xFFFFC000  }
0x7b: {  	_ =	swait.ge [sflag:s23], $0x4000  }
0x7c: {  	s28 =	smov.u32 s30;
	[sflag:s23] =	ssyncset.done $0x0  }
0x7d: {  	s26 =	sshra.s32 s26, $0x2;
	[sflag:s23] =	ssyncadd.s32 $0xFFFFC000  }
0x7e: {  	[tilespmem:s18], [sflag:$0x1] =	stream.indirect.gather [hbm4b:s4+s17], $0x80, s26, s17, $0xb8;
	[tilespmem:$0x1E800] =	vst v63  }
0x7f: {  	s28 =	sadd.s32 $0x80, s26  }
0x80: {  	[tilespmem:s19], [sflag:$0x2] =	stream.indirect.gather [hbm4b:s4+s17], $0x80, s28, s17, $0xb8;
	[tilespmem:$0x1E800] =	vst v63  }
0x81: {  	_ =	swait.ge [sflag:s20], $0x4000  }
0x82: {  	[sflag:s20] =	ssyncset.done $0x0  }
0x83: {  	s30 =	sadd.s32 $0x1400, s26;
	[sflag:s20] =	ssyncadd.s32 $0xFFFFC000  }
0x84: {  	[spmem:s2] =	stream.indirect.scatter.add.f32 [tilespmem:s18], [sflag:$0x3], $0x80, s30, s17, $0xb8;
	[tilespmem:$0x1E800] =	vst v63  }
0x85: {  	_ =	swait.ge [sflag:s21], $0x4000  }
0x86: {  	[sflag:s21] =	ssyncset.done $0x0  }
0x87: {  	s26 =	sadd.s32 $0x1480, s26;
	[sflag:s21] =	ssyncadd.s32 $0xFFFFC000  }
0x88: {  	[spmem:s2] =	stream.indirect.scatter.add.f32 [tilespmem:s19], [sflag:$0x4], $0x80, s26, s17, $0xb8;
	[tilespmem:$0x1E800] =	vst v63  }
0x89: {  	_ =	swait.ge [sflag:s22], $0x4000  }
0x8a: {  	[sflag:s22] =	ssyncset.done $0x0  }
0x8b: {  	[sflag:s22] =	ssyncadd.s32 $0xFFFFC000  }
0x8c: {  	_ =	swait.ge [sflag:s23], $0x4000  }
0x8d: {  	s25 =	sadd.s32 $0x1, s25;
	[sflag:s23] =	ssyncset.done $0x0  }
0x8e: {  	p0 =	sne.s32 s25, s10;
	[sflag:s23] =	ssyncadd.s32 $0xFFFFC000  }
.Ltmp2:
0x8f: {  	s31 =	sor.u32 $0x1C06, s5;
	[bflag:$0x0] =	sbarrier.arrive $0xFFFF;
	(pc) =	sbr.rel @p0 .LBB2_1-.Ltmp2, $4  }
0x90: {  	[hbm:s24], [sflag:s31] =	dma.local [spmem:s11], $0x2800  }
0x91: {  	_ =	swait.ge [sflag:s12], $0x2800  }
0x92: {  	[sflag:s12] =	ssyncset.done $0x0  }
0x93: {  	[sflag:s12] =	ssyncadd.s32 $0xFFFFD800  }
0x94: {  	_ =	sfence.sel $0x180000  }
0x95: {  	[bflag:$0x0] =	sbarrier.arrive $0xFFFF  }
0x96: {  	p0 =	sne.s32 s0, $0x0;
	_ =	strace $0x9000004A  }
0x97: {  	s0 =	sadd.s32 @!p0 $0x100000, s1;
	[bflag:$0x2] =	sbarrier.arrive $0xFFFF  }
0x98: {  	[sflag:s0] =	ssyncadd.tile.s32 @!p0 $0x1;
	_ =	shalt  }
.Lfunc_end2:
_tile_overlayer_lowered:
.L_overlay_start_2:
0x99: {  	(tag) =	ssettag $0x2  }
0x9a: {  	s0 =	rddreg [dreg:$0x0];
	s2 =	stileid.u32  }
0x9b: {  	s1 =	rddreg [dreg:$0x1];
	p0 =	sne.s32 s2, $0x0  }
0x9c: {  	s3 =	rddreg [dreg:$0x2];
	[bflag:$0x3] =	sbarrier.arrive $0xFFFF;
	s2 =	simm.s32 @!p0 $0x1C06  }
0x9d: {  	[timem:s3], [sflag:s2] =	dma.local @!p0 [hbm:s0], s1  }
0x9e: {  	s0 =	simm.s32 @!p0 $0x6  }
0x9f: {  	_ =	swait.ge @!p0 [sflag:s0], s1  }
0xa0: {  	s1 =	ssub.s32 @!p0 $0x0, s1;
	[sflag:s0] =	ssyncset.done @!p0 $0x0  }
0xa1: {  	[sflag:s0] =	ssyncadd.s32 @!p0 s1  }
0xa2: {  	[bflag:$0x3] =	sbarrier.arrive $0xFFFF  }
0xa3: {  	_ =	shalt  }

// kernel: kernel.17.cloned.1.call-start
scs
__scs_entry_jumppad:
0x0: {  	(pc) =	sbr.rel $0x88, $3  }
0x1: {  	(tag) =	ssettag $0x0;
	lr =	simm.s32 $0x1  }
0x2: {  	[smem:$0x3F95] =	sst lr;
	_ =	strace $0xD0000000  }
0x3: {  	_ = 	snop  }
0x4: {  	_ = 	snop  }
0x5: {  	_ = 	snop  }
0x6: {  	_ = 	snop  }
0x7: {  	_ = 	snop  }
__scs_overlays_trampoline_lowered:
0x8: {  	[smem:$0x3FA4] =	sst s0  }
0x9: {  	[smem:$0x3FA5] =	sst s1  }
0xa: {  	[smem:$0x3FA6] =	sst s2  }
0xb: {  	[smem:$0x3FA7] =	sst s3  }
0xc: {  	[smem:$0x3FA8] =	sst s4  }
0xd: {  	[smem:$0x3FA9] =	sst s5  }
0xe: {  	[smem:$0x3FAA] =	sst s6  }
0xf: {  	[smem:$0x3FAB] =	sst s7  }
0x10: {  	[smem:$0x3FAC] =	sst s8  }
0x11: {  	[smem:$0x3FAD] =	sst s9;
	s0 =	simm.s32 @!p0 $0x0  }
0x12: {  	s1 =	sld [smem:$0x3F93];
	s0 =	simm.s32 @p0 $0x1  }
0x13: {  	[smem:$0x3FAE] =	sst s0;
	s0 =	simm.s32 @!p1 $0x0  }
0x14: {  	s2 =	sld [smem:$0x3F92];
	s0 =	simm.s32 @p1 $0x1  }
0x15: {  	[smem:$0x3FAF] =	sst s0;
	s0 =	simm.s32 @!p2 $0x0  }
0x16: {  	s3 =	sld [smem:$0x3FDB];
	s0 =	simm.s32 @p2 $0x1  }
0x17: {  	s4 =	simm.s32 $0x1BF5;
	[smem:$0x3FB1] =	sst s0  }
0x18: {  	s0 =	sld [smem:$0x3F94];
	_ =	swait.ge [sflag:s4], $0x0  }
0x19: {  	s7 =	sld [smem:$0x3F95]  }
0x1a: {  	s8 =	sadd.s32 $0xFFFFE003, lr  }
0x1b: {  	s9 =	sadd.s32 $0xFFFFFEF7, lr;
	s5 =	simm.s32 $0xFFFFFFFF;
	p2 =	slt.u32 s8, $0xFFFFF086  }
0x1c: {  	p1 =	slt.u32 s9, $0xF7A;
	s5 =	simm.s32 @!p2 $0x0  }
0x1d: {  	s5 =	simm.s32 @p1 $0x1;
	p0 =	seq.s32 s7, s2  }
0x1e: {  	s7 =	smul.u32 @!p0 $0xF7A, s2;
	p2 =	seq.s32 @!p0 s5, $0x0  }
0x1f: {  	s9 =	smul.u32 $0xF7A, s1;
	s8 =	simm.s32 @!p0 $0x1BF5;
	p2 =	por !p2, p0  }
0x20: {  	[sflag:s8] =	ssyncset.s32 @!p0 $0xFFFFF086;
	s6 =	sadd.s32 @!p0 s3, s7;
	s7 =	simm.s32 @!p0 $0x108  }
0x21: {  	s3 =	sadd.s32 s3, s9;
	s6 =	sadd.s32 @!p0 $0x88, s6;
	s7 =	simm.s32 @p2 $0x1082  }
0x22: {  	[simem:s7], [sflag:s8] =	dma.local @!p0 [hbm:s6], $0xF7A  }
0x23: {  	s9 =	sor.u32 $0xD0000000, s2;
	s6 =	simm.s32 $0x108;
	_ =	swait.ge @!p0 [sflag:s8], $0x0  }
0x24: {  	s3 =	sadd.s32 $0x88, s3;
	s6 =	simm.s32 @!p1 $0x1082;
	[sflag:s4] =	ssyncset.s32 $0xFFFFF086  }
0x25: {  	[simem:s6], [sflag:s4] =	dma.local [hbm:s3], $0xF7A  }
0x26: {  	[smem:$0x3F95] =	sst s1;
	(tag) =	ssettag s2;
	_ =	strace s9  }
0x27: {  	s1 =	sld [smem:$0x3FA5]  }
0x28: {  	s2 =	sld [smem:$0x3FA6]  }
0x29: {  	s4 =	sld [smem:$0x3FA8]  }
0x2a: {  	p0 =	seq.s32 s5, $0x0;
	s5 =	sld [smem:$0x3FA9]  }
0x2b: {  	s6 =	sld [smem:$0x3FAA]  }
0x2c: {  	s7 =	sld [smem:$0x3FAB]  }
0x2d: {  	s3 =	simm.s32 $0x108;
	s8 =	sld [smem:$0x3FAC]  }
0x2e: {  	s3 =	simm.s32 @!p0 $0x1082;
	s9 =	sld [smem:$0x3FAD]  }
0x2f: {  	lr =	sadd.s32 s0, s3;
	s0 =	sld [smem:$0x3FA4]  }
0x30: {  	s3 =	sld [smem:$0x3FA7]  }
0x31: {  	[smem:$0x3FB0] =	sst s10  }
0x32: {  	s10 =	sld [smem:$0x3FAE];
	_ =	sdelay $0x3  }
0x33: {  	p0 =	seq.s32 s10, $0x1;
	s10 =	sld [smem:$0x3FB0];
	_ =	sdelay $0x3  }
0x34: {  	[smem:$0x3FB0] =	sst s10  }
0x35: {  	s10 =	sld [smem:$0x3FAF];
	_ =	sdelay $0x3  }
0x36: {  	p1 =	seq.s32 s10, $0x1;
	s10 =	sld [smem:$0x3FB0];
	_ =	sdelay $0x3  }
0x37: {  	[smem:$0x3FB0] =	sst s10  }
0x38: {  	s10 =	sld [smem:$0x3FB1]  }
0x39: {  	_ = 	snop;
	(pc) =	sbr.ind lr, $3  }
0x3a: {  	_ = 	snop  }
0x3b: {  	_ = 	snop  }
0x3c: {  	p2 =	seq.s32 s10, $0x1;
	s10 =	sld [smem:$0x3FB0]  }
0x3d: {  	_ =	shalt  }
0x3e: {  	_ =	shalt  }
0x3f: {  	_ =	shalt  }
0x40: {  	_ =	shalt  }
0x41: {  	_ =	shalt  }
0x42: {  	_ =	shalt  }
0x43: {  	_ =	shalt  }
0x44: {  	_ =	shalt  }
0x45: {  	_ =	shalt  }
0x46: {  	_ =	shalt  }
0x47: {  	_ =	shalt  }
0x48: {  	_ =	shalt  }
0x49: {  	_ =	shalt  }
0x4a: {  	_ =	shalt  }
0x4b: {  	_ =	shalt  }
0x4c: {  	_ =	shalt  }
0x4d: {  	_ =	shalt  }
0x4e: {  	_ =	shalt  }
0x4f: {  	_ =	shalt  }
0x50: {  	_ =	shalt  }
0x51: {  	_ =	shalt  }
0x52: {  	_ =	shalt  }
0x53: {  	_ =	shalt  }
0x54: {  	_ =	shalt  }
0x55: {  	_ =	shalt  }
0x56: {  	_ =	shalt  }
0x57: {  	_ =	shalt  }
0x58: {  	_ =	shalt  }
0x59: {  	_ =	shalt  }
0x5a: {  	_ =	shalt  }
0x5b: {  	_ =	shalt  }
0x5c: {  	_ =	shalt  }
0x5d: {  	_ =	shalt  }
0x5e: {  	_ =	shalt  }
0x5f: {  	_ =	shalt  }
0x60: {  	_ =	shalt  }
0x61: {  	_ =	shalt  }
0x62: {  	_ =	shalt  }
0x63: {  	_ =	shalt  }
0x64: {  	_ =	shalt  }
0x65: {  	_ =	shalt  }
0x66: {  	_ =	shalt  }
0x67: {  	_ =	shalt  }
0x68: {  	_ =	shalt  }
0x69: {  	_ =	shalt  }
0x6a: {  	_ =	shalt  }
0x6b: {  	_ =	shalt  }
0x6c: {  	_ =	shalt  }
0x6d: {  	_ =	shalt  }
0x6e: {  	_ =	shalt  }
0x6f: {  	_ =	shalt  }
0x70: {  	_ =	shalt  }
0x71: {  	_ =	shalt  }
0x72: {  	_ =	shalt  }
0x73: {  	_ =	shalt  }
0x74: {  	_ =	shalt  }
0x75: {  	_ =	shalt  }
0x76: {  	_ =	shalt  }
0x77: {  	_ =	shalt  }
0x78: {  	_ =	shalt  }
0x79: {  	_ =	shalt  }
0x7a: {  	_ =	shalt  }
0x7b: {  	_ =	shalt  }
0x7c: {  	_ =	shalt  }
0x7d: {  	_ =	shalt  }
0x7e: {  	_ =	shalt  }
0x7f: {  	_ =	shalt  }
0x80: {  	_ =	shalt  }
0x81: {  	_ =	shalt  }
0x82: {  	_ =	shalt  }
0x83: {  	_ =	shalt  }
0x84: {  	_ =	shalt  }
0x85: {  	_ =	shalt  }
0x86: {  	_ =	shalt  }
0x87: {  	_ =	shalt  }
.Lfunc_end0:
.L_simem_size_0:
called_computation.2_lowered:
.L_overlay_start_0:
0x88: {  	s2 =	sld [smem:$0x3FD9]  }
0x89: {  	s3 =	sld [smem:$0x3FFE];
	_ =	sdelay $0x1  }
0x8a: {  	s1 =	srdreg.scid  }
0x8b: {  	s0 =	sand.u32 $0x1, s1  }
0x8c: {  	s17 =	sshll.u32 s0, $0xA;
	s2 =	sadd.s32 s3, s2  }
0x8d: {  	s2 =	sadd.s32 s2, s17  }
0x8e: {  	[smem:$0x3FBC] =	sst s2  }
0x8f: {  	_ = 	snop  }
0x90: {  	s2 =	sld [smem:$0x3FD0];
	(tm) =	ssettm $0x1  }
0x91: {  	s18 =	sld [smem:$0x3FFB];
	_ =	sdelay $0x3  }
0x92: {  	_ =	strace s18  }
0x93: {  	s3 =	sld [smem:$0x3FFC];
	_ =	sdelay $0x3  }
0x94: {  	_ =	strace s3  }
0x95: {  	s3 =	sld [smem:$0x3FFD];
	_ =	sdelay $0x3  }
0x96: {  	_ =	strace s3  }
0x97: {  	_ =	strace $0x8FFFFFFF  }
0x98: {  	s19 =	sld [smem:$0x3FDB];
	_ =	sdelay $0x1  }
0x99: {  	s4 =	simm.s32 $_scs_section_size  }
0x9a: {  	s5 =	simm.s32 $_size__tile_overlayer_lowered;
	s6 =	simm.s32 $_tile_overlayer_lowered  }
0x9b: {  	s22 =	simm.s32 $0x1BFF;
	s21 =	sshll.u32 s6, $0x1;
	s3 =	sadd.s32 s4, s19  }
0x9c: {  	s7 =	simm.s32 $0x0;
	s20 =	sshll.u32 s5, $0x1;
	s5 =	sadd.s32 s21, s3  }
0x9d: {  	[timem:s7], [sflag:s22] =	dma.local [hbm:s5], s20  }
0x9e: {  	_ =	swait.ge [sflag:s22], s20  }
0x9f: {  	s4 =	ssub.s32 $0x0, s20;
	[sflag:s22] =	ssyncset.done $0x0  }
0xa0: {  	[sflag:s22] =	ssyncadd.s32 s4;
	_ =	sdelay $0x1  }
0xa1: {  	s23 =	simm.s32 $0x1B8B  }
0xa2: {  	_ =	swait.ge [sflag:s23], $0x1  }
0xa3: {  	[sflag:s23] =	ssyncset.done $0x0  }
0xa4: {  	s25 =	simm.s32 $0x1B8E;
	s24 =	sld [smem:$0x3FFE];
	[sflag:s23] =	ssyncadd.s32 $0xFFFFFFFF  }
0xa5: {  	s26 =	simm.s32 $execute0_lowered;
	[smem:$0x3FD2] =	sst s25  }
0xa6: {  	s5 =	sshll.u32 s26, $0x1;
	_ =	strace $0x8000004C;
	[dreg:$0x1] =	wrdreg $0xFFFFFFFF  }
0xa7: {  	s28 =	simm.s32 $_size_execute0_lowered;
	s3 =	sadd.s32 s3, s5;
	[dreg:$0x0] =	wrdreg $0x0  }
0xa8: {  	s5 =	sshll.u32 s28, $0x1;
	[dreg:$0x2] =	wrdreg s3  }
0xa9: {  	[dreg:$0x3] =	wrdreg s5  }
0xaa: {  	[dreg:$0x4] =	wrdreg $0xC0  }
0xab: {  	_ =	task [dreg:s7], $0x5FFFF  }
0xac: {  	[dreg:$0x1] =	wrdreg $0xFFFFFFFF  }
0xad: {  	[dreg:$0x0] =	wrdreg $0x60  }
0xae: {  	[dreg:$0x2] =	wrdreg s24  }
0xaf: {  	[dreg:$0x3] =	wrdreg s2  }
0xb0: {  	[dreg:$0x4] =	wrdreg $0xA8000  }
0xb1: {  	[dreg:$0x5] =	wrdreg $0x9  }
0xb2: {  	_ =	task.clear_ibuf [dreg:s7], $0x6FFFF;
	_ =	strace $0x9000004C  }
0xb3: {  	s29 =	simm.s32 $0x9;
	_ =	strace $0x8000004E  }
0xb4: {  	_ =	swait.ge [sflag:s29], $0x1  }
0xb5: {  	[sflag:s29] =	ssyncadd.s32 $0xFFFFFFFF  }
0xb6: {  	_ =	strace $0x9000004E  }
0xb7: {  	_ =	sfence  }
0xb8: {  	s30 =	sld [smem:$0x0];
	_ =	sdelay $0x2  }
0xb9: {  	s31 =	sshll.u32 s1, $0xD;
	s1 =	sshrl.u32 s1, $0x2  }
0xba: {  	s3 =	sand.u32 $0x4000, s31;
	s1 =	sadd.s32 s1, s30  }
0xbb: {  	s0 =	sor.u32 s3, s0;
	s1 =	sshll.u32 s1, $0x11  }
0xbc: {  	s0 =	sor.u32 s1, s0  }
0xbd: {  	s0 =	sadd.s32 $0x8F2B, s0  }
0xbe: {  	[sflag:s0] =	ssyncadd.remote.s32 $0x1  }
0xbf: {  	_ =	sfence.sel $0xFFFF  }
0xc0: {  	[dreg:$0x0] =	wrdreg $0xFFFFFFFF;
	(pc) =	sbr.abs _section_cstart, $3  }
0xc1: {  	[dreg:$0x1] =	wrdreg $0xFFFFFFFF  }
0xc2: {  	_ =	task.clear_ibuf [dreg:s7], $0x2FFFF;
	_ =	strace $0x9FFFFFFF  }
0xc3: {  	(tm) =	ssettm $0x7FFFFFFF  }
tec
execute0_lowered:
.L_overlay_start_1:
0x0: {  	(tag) =	ssettag $0x1  }
0x1: {  	s5 =	rddreg [dreg:$0x0]  }
0x2: {  	s9 =	rddreg [dreg:$0x1]  }
0x3: {  	s0 =	srdreg.scid;
	s2 =	rddreg [dreg:$0x2]  }
0x4: {  	s3 =	simm.s32 $0x0;
	s17 =	simm.s32 $0x80;
	s18 =	simm.s32 $0x2800  }
0x5: {  	s19 =	simm.s32 $0x6800;
	s20 =	simm.s32 $0x1;
	s21 =	simm.s32 $0x2  }
0x6: {  	s22 =	simm.s32 $0x3;
	s6 =	sand.u32 $0x1, s0;
	s0 =	stileid.u32  }
0x7: {  	s23 =	simm.s32 $0x4;
	[smem:$0x7FF] =	sst s3;
	s7 =	smul.u32 $0x28000, s6  }
0x8: {  	s1 =	sshll.u32 s6, $0x4;
	s8 =	smul.u32 $0x50000, s0;
	s30 =	ssub.s32 $0x2, s6  }
0x9: {  	s24 =	smul.u32 $0x2800, s0;
	s4 =	sor.u32 s0, s1;
	s1 =	rddreg [dreg:$0x3]  }
0xa: {  	_ =	strace $0x8000004D;
	s6 =	sshrl.u32 s30, $0x1;
	s10 =	smul.u32 $0x500, s4  }
0xb: {  	s4 =	sadd.s32 $0xE200, s5;
	s12 =	sadd.s32 s7, s5;
	s31 =	sshrl.u32 s8, $0x2  }
0xc: {  	s13 =	ssub.s32 s30, s6;
	s14 =	sadd.s32 s31, s2;
	s6 =	sadd.s32 s4, s24  }
0xd: {  	s25 =	sadd.s32 $0x36200, s12;
	s12 =	simm.s32 $0x6;
	s11 =	sadd.s32 s10, s5  }
0xe: {  	s5 =	sshll.u32 s0, $0x6;
	s9 =	sadd.s32 s9, s10;
	s10 =	smax.u32 s13, $0x1  }
0xf: {  	s13 =	simm.s32 $0x1400;
	s24 =	sadd.s32 s24, s25;
	s25 =	simm.s32 $0x0  }
0x10: {  	s7 =	sor.u32 $0x1C05, s5;
	s8 =	sadd.s32 $0x4200, s11;
	s11 =	sshrl.u32 s14, $0x3  }
0x11: {  	s14 =	simm.s32 $0x5;
	s16 =	sadd.s32 $0x280, s9;
	s15 =	sadd.s32 $0x280, s8  }
.LBB2_1:
0x12: {  	[spmem:s11], [sflag:s7] =	dma.local [hbm:s6], $0x2800  }
0x13: {  	[tilespmem:s3], [sflag:$0x6] =	stream.linear.gather [hbm4b:s8+s3], $0x1400, $0x38;
	[tilespmem:$0x1E800] =	vst v63  }
0x14: {  	_ =	swait.ge [sflag:s12], $0x1400  }
0x15: {  	[sflag:s12] =	ssyncset.done $0x0  }
0x16: {  	[sflag:s12] =	ssyncadd.s32 $0xFFFFEC00  }
0x17: {  	[tilespmem:s13], [sflag:$0x6] =	stream.linear.gather [hbm4b:s9+s3], $0x1400, $0x38;
	[tilespmem:$0x1E800] =	vst v63  }
0x18: {  	_ =	swait.ge [sflag:s12], $0x1400  }
0x19: {  	[sflag:s12] =	ssyncset.done $0x0  }
0x1a: {  	[sflag:s12] =	ssyncadd.s32 $0xFFFFEC00  }
0x1b: {  	_ =	swait.ge [sflag:s14], $0x2800  }
0x1c: {  	[sflag:s14] =	ssyncset.done $0x0  }
0x1d: {  	[sflag:s14] =	ssyncadd.s32 $0xFFFFD800  }
0x1e: {  	s26 =	simm.s32 $0x0;
	[bflag:$0x0] =	sbarrier.arrive $0xFFFF  }
0x1f: {  	[tilespmem:s18], [sflag:$0x1] =	stream.indirect.gather [hbm4b:s4+s17], $0x80, s26, s17, $0xb8;
	[tilespmem:$0x1E800] =	vst v63  }
0x20: {  	s29 =	simm.s32 $0x80  }
0x21: {  	[tilespmem:s19], [sflag:$0x2] =	stream.indirect.gather [hbm4b:s4+s17], $0x80, s29, s17, $0xb8;
	[tilespmem:$0x1E800] =	vst v63  }
0x22: {  	_ =	swait.ge [sflag:s20], $0x4000  }
0x23: {  	[sflag:s20] =	ssyncset.done $0x0  }
0x24: {  	s30 =	simm.s32 $0x1400;
	[sflag:s20] =	ssyncadd.s32 $0xFFFFC000  }
0x25: {  	[spmem:s2] =	stream.indirect.scatter.add.f32 [tilespmem:s18], [sflag:$0x3], $0x80, s30, s17, $0xb8;
	[tilespmem:$0x1E800] =	vst v63  }
0x26: {  	_ =	swait.ge [sflag:s21], $0x4000  }
0x27: {  	[sflag:s21] =	ssyncset.done $0x0  }
0x28: {  	s31 =	simm.s32 $0x1480;
	[sflag:s21] =	ssyncadd.s32 $0xFFFFC000  }
0x29: {  	[spmem:s2] =	stream.indirect.scatter.add.f32 [tilespmem:s19], [sflag:$0x4], $0x80, s31, s17, $0xb8;
	[tilespmem:$0x1E800] =	vst v63  }
0x2a: {  	_ =	swait.ge [sflag:s22], $0x4000  }
0x2b: {  	[sflag:s22] =	ssyncset.done $0x0  }
0x2c: {  	[sflag:s22] =	ssyncadd.s32 $0xFFFFC000  }
0x2d: {  	_ =	swait.ge [sflag:s23], $0x4000  }
0x2e: {  	s28 =	simm.s32 $0x800;
	s26 =	simm.s32 $0x400;
	[sflag:s23] =	ssyncset.done $0x0  }
.LBB2_2:
0x2f: {  	s29 =	sshra.s32 s26, $0x2  }
0x30: {  	[sflag:s23] =	ssyncadd.s32 $0xFFFFC000;
	s26 =	smov.u32 s28;
	s30 =	sadd.s32 $0x400, s28  }
0x31: {  	[tilespmem:s18], [sflag:$0x1] =	stream.indirect.gather [hbm4b:s4+s17], $0x80, s29, s17, $0xb8;
	[tilespmem:$0x1E800] =	vst v63  }
0x32: {  	p0 =	sne.s32 s28, $0x4C00;
	s28 =	sadd.s32 $0x80, s29  }
0x33: {  	[tilespmem:s19], [sflag:$0x2] =	stream.indirect.gather [hbm4b:s4+s17], $0x80, s28, s17, $0xb8;
	[tilespmem:$0x1E800] =	vst v63  }
0x34: {  	_ =	swait.ge [sflag:s20], $0x4000  }
0x35: {  	[sflag:s20] =	ssyncset.done $0x0  }
0x36: {  	s28 =	sadd.s32 $0x1400, s29;
	[sflag:s20] =	ssyncadd.s32 $0xFFFFC000  }
0x37: {  	[spmem:s2] =	stream.indirect.scatter.add.f32 [tilespmem:s18], [sflag:$0x3], $0x80, s28, s17, $0xb8;
	[tilespmem:$0x1E800] =	vst v63  }
0x38: {  	_ =	swait.ge [sflag:s21], $0x4000  }
0x39: {  	[sflag:s21] =	ssyncset.done $0x0  }
0x3a: {  	s28 =	sadd.s32 $0x1480, s29;
	[sflag:s21] =	ssyncadd.s32 $0xFFFFC000  }
0x3b: {  	[spmem:s2] =	stream.indirect.scatter.add.f32 [tilespmem:s19], [sflag:$0x4], $0x80, s28, s17, $0xb8;
	[tilespmem:$0x1E800] =	vst v63  }
.Ltmp0:
0x3c: {  	_ =	swait.ge [sflag:s22], $0x4000;
	(pc) =	sbr.rel @p0 .LBB2_2-.Ltmp0, $4  }
0x3d: {  	[sflag:s22] =	ssyncset.done $0x0  }
0x3e: {  	[sflag:s22] =	ssyncadd.s32 $0xFFFFC000  }
0x3f: {  	_ =	swait.ge [sflag:s23], $0x4000  }
0x40: {  	s28 =	smov.u32 s30;
	[sflag:s23] =	ssyncset.done $0x0  }
0x41: {  	s26 =	sshra.s32 s26, $0x2;
	[sflag:s23] =	ssyncadd.s32 $0xFFFFC000  }
0x42: {  	[tilespmem:s18], [sflag:$0x1] =	stream.indirect.gather [hbm4b:s4+s17], $0x80, s26, s17, $0xb8;
	[tilespmem:$0x1E800] =	vst v63  }
0x43: {  	s28 =	sadd.s32 $0x80, s26  }
0x44: {  	[tilespmem:s19], [sflag:$0x2] =	stream.indirect.gather [hbm4b:s4+s17], $0x80, s28, s17, $0xb8;
	[tilespmem:$0x1E800] =	vst v63  }
0x45: {  	_ =	swait.ge [sflag:s20], $0x4000  }
0x46: {  	[sflag:s20] =	ssyncset.done $0x0  }
0x47: {  	s28 =	sadd.s32 $0x1400, s26;
	[sflag:s20] =	ssyncadd.s32 $0xFFFFC000  }
0x48: {  	[spmem:s2] =	stream.indirect.scatter.add.f32 [tilespmem:s18], [sflag:$0x3], $0x80, s28, s17, $0xb8;
	[tilespmem:$0x1E800] =	vst v63  }
0x49: {  	_ =	swait.ge [sflag:s21], $0x4000  }
0x4a: {  	[sflag:s21] =	ssyncset.done $0x0  }
0x4b: {  	s26 =	sadd.s32 $0x1480, s26;
	[sflag:s21] =	ssyncadd.s32 $0xFFFFC000  }
0x4c: {  	[spmem:s2] =	stream.indirect.scatter.add.f32 [tilespmem:s19], [sflag:$0x4], $0x80, s26, s17, $0xb8;
	[tilespmem:$0x1E800] =	vst v63  }
0x4d: {  	_ =	swait.ge [sflag:s22], $0x4000  }
0x4e: {  	[sflag:s22] =	ssyncset.done $0x0  }
0x4f: {  	[sflag:s22] =	ssyncadd.s32 $0xFFFFC000  }
0x50: {  	_ =	swait.ge [sflag:s23], $0x4000  }
0x51: {  	[sflag:s23] =	ssyncset.done $0x0  }
0x52: {  	s30 =	simm.s32 $0x0;
	[sflag:s23] =	ssyncadd.s32 $0xFFFFC000  }
0x53: {  	[tilespmem:s30], [sflag:$0x6] =	stream.linear.gather [hbm4b:s15+s30], $0x1400, $0x38;
	[tilespmem:$0x1E800] =	vst v63  }
0x54: {  	_ =	swait.ge [sflag:s12], $0x1400  }
0x55: {  	[sflag:s12] =	ssyncset.done $0x0  }
0x56: {  	[sflag:s12] =	ssyncadd.s32 $0xFFFFEC00  }
0x57: {  	[tilespmem:s13], [sflag:$0x6] =	stream.linear.gather [hbm4b:s16+s30], $0x1400, $0x38;
	[tilespmem:$0x1E800] =	vst v63  }
0x58: {  	_ =	swait.ge [sflag:s12], $0x1400  }
0x59: {  	[sflag:s12] =	ssyncset.done $0x0  }
0x5a: {  	s31 =	simm.s32 $0x0;
	[sflag:s12] =	ssyncadd.s32 $0xFFFFEC00  }
0x5b: {  	[tilespmem:s18], [sflag:$0x1] =	stream.indirect.gather [hbm4b:s4+s17], $0x80, s31, s17, $0xb8;
	[tilespmem:$0x1E800] =	vst v63  }
0x5c: {  	s29 =	simm.s32 $0x80  }
0x5d: {  	[tilespmem:s19], [sflag:$0x2] =	stream.indirect.gather [hbm4b:s4+s17], $0x80, s29, s17, $0xb8;
	[tilespmem:$0x1E800] =	vst v63  }
0x5e: {  	_ =	swait.ge [sflag:s20], $0x4000  }
0x5f: {  	[sflag:s20] =	ssyncset.done $0x0  }
0x60: {  	s30 =	simm.s32 $0x1400;
	[sflag:s20] =	ssyncadd.s32 $0xFFFFC000  }
0x61: {  	[spmem:s2] =	stream.indirect.scatter.add.f32 [tilespmem:s18], [sflag:$0x3], $0x80, s30, s17, $0xb8;
	[tilespmem:$0x1E800] =	vst v63  }
0x62: {  	_ =	swait.ge [sflag:s21], $0x4000  }
0x63: {  	[sflag:s21] =	ssyncset.done $0x0  }
0x64: {  	s31 =	simm.s32 $0x1480;
	[sflag:s21] =	ssyncadd.s32 $0xFFFFC000  }
0x65: {  	[spmem:s2] =	stream.indirect.scatter.add.f32 [tilespmem:s19], [sflag:$0x4], $0x80, s31, s17, $0xb8;
	[tilespmem:$0x1E800] =	vst v63  }
0x66: {  	_ =	swait.ge [sflag:s22], $0x4000  }
0x67: {  	[sflag:s22] =	ssyncset.done $0x0  }
0x68: {  	[sflag:s22] =	ssyncadd.s32 $0xFFFFC000  }
0x69: {  	_ =	swait.ge [sflag:s23], $0x4000  }
0x6a: {  	s28 =	simm.s32 $0x800;
	s26 =	simm.s32 $0x400;
	[sflag:s23] =	ssyncset.done $0x0  }
.LBB2_4:
0x6b: {  	s29 =	sshra.s32 s26, $0x2  }
0x6c: {  	[sflag:s23] =	ssyncadd.s32 $0xFFFFC000;
	s26 =	smov.u32 s28;
	s30 =	sadd.s32 $0x400, s28  }
0x6d: {  	[tilespmem:s18], [sflag:$0x1] =	stream.indirect.gather [hbm4b:s4+s17], $0x80, s29, s17, $0xb8;
	[tilespmem:$0x1E800] =	vst v63  }
0x6e: {  	p0 =	sne.s32 s28, $0x4C00;
	s28 =	sadd.s32 $0x80, s29  }
0x6f: {  	[tilespmem:s19], [sflag:$0x2] =	stream.indirect.gather [hbm4b:s4+s17], $0x80, s28, s17, $0xb8;
	[tilespmem:$0x1E800] =	vst v63  }
0x70: {  	_ =	swait.ge [sflag:s20], $0x4000  }
0x71: {  	[sflag:s20] =	ssyncset.done $0x0  }
0x72: {  	s28 =	sadd.s32 $0x1400, s29;
	[sflag:s20] =	ssyncadd.s32 $0xFFFFC000  }
0x73: {  	[spmem:s2] =	stream.indirect.scatter.add.f32 [tilespmem:s18], [sflag:$0x3], $0x80, s28, s17, $0xb8;
	[tilespmem:$0x1E800] =	vst v63  }
0x74: {  	_ =	swait.ge [sflag:s21], $0x4000  }
0x75: {  	[sflag:s21] =	ssyncset.done $0x0  }
0x76: {  	s28 =	sadd.s32 $0x1480, s29;
	[sflag:s21] =	ssyncadd.s32 $0xFFFFC000  }
0x77: {  	[spmem:s2] =	stream.indirect.scatter.add.f32 [tilespmem:s19], [sflag:$0x4], $0x80, s28, s17, $0xb8;
	[tilespmem:$0x1E800] =	vst v63  }
.Ltmp1:
0x78: {  	_ =	swait.ge [sflag:s22], $0x4000;
	(pc) =	sbr.rel @p0 .LBB2_4-.Ltmp1, $4  }
0x79: {  	[sflag:s22] =	ssyncset.done $0x0  }
0x7a: {  	[sflag:s22] =	ssyncadd.s32 $0xFFFFC000  }
0x7b: {  	_ =	swait.ge [sflag:s23], $0x4000  }
0x7c: {  	s28 =	smov.u32 s30;
	[sflag:s23] =	ssyncset.done $0x0  }
0x7d: {  	s26 =	sshra.s32 s26, $0x2;
	[sflag:s23] =	ssyncadd.s32 $0xFFFFC000  }
0x7e: {  	[tilespmem:s18], [sflag:$0x1] =	stream.indirect.gather [hbm4b:s4+s17], $0x80, s26, s17, $0xb8;
	[tilespmem:$0x1E800] =	vst v63  }
0x7f: {  	s28 =	sadd.s32 $0x80, s26  }
0x80: {  	[tilespmem:s19], [sflag:$0x2] =	stream.indirect.gather [hbm4b:s4+s17], $0x80, s28, s17, $0xb8;
	[tilespmem:$0x1E800] =	vst v63  }
0x81: {  	_ =	swait.ge [sflag:s20], $0x4000  }
0x82: {  	[sflag:s20] =	ssyncset.done $0x0  }
0x83: {  	s30 =	sadd.s32 $0x1400, s26;
	[sflag:s20] =	ssyncadd.s32 $0xFFFFC000  }
0x84: {  	[spmem:s2] =	stream.indirect.scatter.add.f32 [tilespmem:s18], [sflag:$0x3], $0x80, s30, s17, $0xb8;
	[tilespmem:$0x1E800] =	vst v63  }
0x85: {  	_ =	swait.ge [sflag:s21], $0x4000  }
0x86: {  	[sflag:s21] =	ssyncset.done $0x0  }
0x87: {  	s26 =	sadd.s32 $0x1480, s26;
	[sflag:s21] =	ssyncadd.s32 $0xFFFFC000  }
0x88: {  	[spmem:s2] =	stream.indirect.scatter.add.f32 [tilespmem:s19], [sflag:$0x4], $0x80, s26, s17, $0xb8;
	[tilespmem:$0x1E800] =	vst v63  }
0x89: {  	_ =	swait.ge [sflag:s22], $0x4000  }
0x8a: {  	[sflag:s22] =	ssyncset.done $0x0  }
0x8b: {  	[sflag:s22] =	ssyncadd.s32 $0xFFFFC000  }
0x8c: {  	_ =	swait.ge [sflag:s23], $0x4000  }
0x8d: {  	s25 =	sadd.s32 $0x1, s25;
	[sflag:s23] =	ssyncset.done $0x0  }
0x8e: {  	p0 =	sne.s32 s25, s10;
	[sflag:s23] =	ssyncadd.s32 $0xFFFFC000  }
.Ltmp2:
0x8f: {  	s31 =	sor.u32 $0x1C06, s5;
	[bflag:$0x0] =	sbarrier.arrive $0xFFFF;
	(pc) =	sbr.rel @p0 .LBB2_1-.Ltmp2, $4  }
0x90: {  	[hbm:s24], [sflag:s31] =	dma.local [spmem:s11], $0x2800  }
0x91: {  	_ =	swait.ge [sflag:s12], $0x2800  }
0x92: {  	[sflag:s12] =	ssyncset.done $0x0  }
0x93: {  	[sflag:s12] =	ssyncadd.s32 $0xFFFFD800  }
0x94: {  	_ =	sfence.sel $0x180000  }
0x95: {  	[bflag:$0x0] =	sbarrier.arrive $0xFFFF  }
0x96: {  	p0 =	sne.s32 s0, $0x0;
	_ =	strace $0x9000004D  }
0x97: {  	s0 =	sadd.s32 @!p0 $0x100000, s1;
	[bflag:$0x2] =	sbarrier.arrive $0xFFFF  }
0x98: {  	[sflag:s0] =	ssyncadd.tile.s32 @!p0 $0x1;
	_ =	shalt  }
.Lfunc_end2:
_tile_overlayer_lowered:
.L_overlay_start_2:
0x99: {  	(tag) =	ssettag $0x2  }
0x9a: {  	s0 =	rddreg [dreg:$0x0];
	s2 =	stileid.u32  }
0x9b: {  	s1 =	rddreg [dreg:$0x1];
	p0 =	sne.s32 s2, $0x0  }
0x9c: {  	s3 =	rddreg [dreg:$0x2];
	[bflag:$0x3] =	sbarrier.arrive $0xFFFF;
	s2 =	simm.s32 @!p0 $0x1C06  }
0x9d: {  	[timem:s3], [sflag:s2] =	dma.local @!p0 [hbm:s0], s1  }
0x9e: {  	s0 =	simm.s32 @!p0 $0x6  }
0x9f: {  	_ =	swait.ge @!p0 [sflag:s0], s1  }
0xa0: {  	s1 =	ssub.s32 @!p0 $0x0, s1;
	[sflag:s0] =	ssyncset.done @!p0 $0x0  }
0xa1: {  	[sflag:s0] =	ssyncadd.s32 @!p0 s1  }
0xa2: {  	[bflag:$0x3] =	sbarrier.arrive $0xFFFF  }
0xa3: {  	_ =	shalt  }

// kernel: kernel.20.cloned.1.call-start
scs
__scs_entry_jumppad:
0x0: {  	(pc) =	sbr.rel $0x88, $3  }
0x1: {  	(tag) =	ssettag $0x0;
	lr =	simm.s32 $0x1  }
0x2: {  	[smem:$0x3F95] =	sst lr;
	_ =	strace $0xD0000000  }
0x3: {  	_ = 	snop  }
0x4: {  	_ = 	snop  }
0x5: {  	_ = 	snop  }
0x6: {  	_ = 	snop  }
0x7: {  	_ = 	snop  }
__scs_overlays_trampoline_lowered:
0x8: {  	[smem:$0x3FA4] =	sst s0  }
0x9: {  	[smem:$0x3FA5] =	sst s1  }
0xa: {  	[smem:$0x3FA6] =	sst s2  }
0xb: {  	[smem:$0x3FA7] =	sst s3  }
0xc: {  	[smem:$0x3FA8] =	sst s4  }
0xd: {  	[smem:$0x3FA9] =	sst s5  }
0xe: {  	[smem:$0x3FAA] =	sst s6  }
0xf: {  	[smem:$0x3FAB] =	sst s7  }
0x10: {  	[smem:$0x3FAC] =	sst s8  }
0x11: {  	[smem:$0x3FAD] =	sst s9;
	s0 =	simm.s32 @!p0 $0x0  }
0x12: {  	s1 =	sld [smem:$0x3F93];
	s0 =	simm.s32 @p0 $0x1  }
0x13: {  	[smem:$0x3FAE] =	sst s0;
	s0 =	simm.s32 @!p1 $0x0  }
0x14: {  	s2 =	sld [smem:$0x3F92];
	s0 =	simm.s32 @p1 $0x1  }
0x15: {  	[smem:$0x3FAF] =	sst s0;
	s0 =	simm.s32 @!p2 $0x0  }
0x16: {  	s3 =	sld [smem:$0x3FDB];
	s0 =	simm.s32 @p2 $0x1  }
0x17: {  	s4 =	simm.s32 $0x1BF5;
	[smem:$0x3FB1] =	sst s0  }
0x18: {  	s0 =	sld [smem:$0x3F94];
	_ =	swait.ge [sflag:s4], $0x0  }
0x19: {  	s7 =	sld [smem:$0x3F95]  }
0x1a: {  	s8 =	sadd.s32 $0xFFFFE003, lr  }
0x1b: {  	s9 =	sadd.s32 $0xFFFFFEF7, lr;
	s5 =	simm.s32 $0xFFFFFFFF;
	p2 =	slt.u32 s8, $0xFFFFF086  }
0x1c: {  	p1 =	slt.u32 s9, $0xF7A;
	s5 =	simm.s32 @!p2 $0x0  }
0x1d: {  	s5 =	simm.s32 @p1 $0x1;
	p0 =	seq.s32 s7, s2  }
0x1e: {  	s7 =	smul.u32 @!p0 $0xF7A, s2;
	p2 =	seq.s32 @!p0 s5, $0x0  }
0x1f: {  	s9 =	smul.u32 $0xF7A, s1;
	s8 =	simm.s32 @!p0 $0x1BF5;
	p2 =	por !p2, p0  }
0x20: {  	[sflag:s8] =	ssyncset.s32 @!p0 $0xFFFFF086;
	s6 =	sadd.s32 @!p0 s3, s7;
	s7 =	simm.s32 @!p0 $0x108  }
0x21: {  	s3 =	sadd.s32 s3, s9;
	s6 =	sadd.s32 @!p0 $0x88, s6;
	s7 =	simm.s32 @p2 $0x1082  }
0x22: {  	[simem:s7], [sflag:s8] =	dma.local @!p0 [hbm:s6], $0xF7A  }
0x23: {  	s9 =	sor.u32 $0xD0000000, s2;
	s6 =	simm.s32 $0x108;
	_ =	swait.ge @!p0 [sflag:s8], $0x0  }
0x24: {  	s3 =	sadd.s32 $0x88, s3;
	s6 =	simm.s32 @!p1 $0x1082;
	[sflag:s4] =	ssyncset.s32 $0xFFFFF086  }
0x25: {  	[simem:s6], [sflag:s4] =	dma.local [hbm:s3], $0xF7A  }
0x26: {  	[smem:$0x3F95] =	sst s1;
	(tag) =	ssettag s2;
	_ =	strace s9  }
0x27: {  	s1 =	sld [smem:$0x3FA5]  }
0x28: {  	s2 =	sld [smem:$0x3FA6]  }
0x29: {  	s4 =	sld [smem:$0x3FA8]  }
0x2a: {  	p0 =	seq.s32 s5, $0x0;
	s5 =	sld [smem:$0x3FA9]  }
0x2b: {  	s6 =	sld [smem:$0x3FAA]  }
0x2c: {  	s7 =	sld [smem:$0x3FAB]  }
0x2d: {  	s3 =	simm.s32 $0x108;
	s8 =	sld [smem:$0x3FAC]  }
0x2e: {  	s3 =	simm.s32 @!p0 $0x1082;
	s9 =	sld [smem:$0x3FAD]  }
0x2f: {  	lr =	sadd.s32 s0, s3;
	s0 =	sld [smem:$0x3FA4]  }
0x30: {  	s3 =	sld [smem:$0x3FA7]  }
0x31: {  	[smem:$0x3FB0] =	sst s10  }
0x32: {  	s10 =	sld [smem:$0x3FAE];
	_ =	sdelay $0x3  }
0x33: {  	p0 =	seq.s32 s10, $0x1;
	s10 =	sld [smem:$0x3FB0];
	_ =	sdelay $0x3  }
0x34: {  	[smem:$0x3FB0] =	sst s10  }
0x35: {  	s10 =	sld [smem:$0x3FAF];
	_ =	sdelay $0x3  }
0x36: {  	p1 =	seq.s32 s10, $0x1;
	s10 =	sld [smem:$0x3FB0];
	_ =	sdelay $0x3  }
0x37: {  	[smem:$0x3FB0] =	sst s10  }
0x38: {  	s10 =	sld [smem:$0x3FB1]  }
0x39: {  	_ = 	snop;
	(pc) =	sbr.ind lr, $3  }
0x3a: {  	_ = 	snop  }
0x3b: {  	_ = 	snop  }
0x3c: {  	p2 =	seq.s32 s10, $0x1;
	s10 =	sld [smem:$0x3FB0]  }
0x3d: {  	_ =	shalt  }
0x3e: {  	_ =	shalt  }
0x3f: {  	_ =	shalt  }
0x40: {  	_ =	shalt  }
0x41: {  	_ =	shalt  }
0x42: {  	_ =	shalt  }
0x43: {  	_ =	shalt  }
0x44: {  	_ =	shalt  }
0x45: {  	_ =	shalt  }
0x46: {  	_ =	shalt  }
0x47: {  	_ =	shalt  }
0x48: {  	_ =	shalt  }
0x49: {  	_ =	shalt  }
0x4a: {  	_ =	shalt  }
0x4b: {  	_ =	shalt  }
0x4c: {  	_ =	shalt  }
0x4d: {  	_ =	shalt  }
0x4e: {  	_ =	shalt  }
0x4f: {  	_ =	shalt  }
0x50: {  	_ =	shalt  }
0x51: {  	_ =	shalt  }
0x52: {  	_ =	shalt  }
0x53: {  	_ =	shalt  }
0x54: {  	_ =	shalt  }
0x55: {  	_ =	shalt  }
0x56: {  	_ =	shalt  }
0x57: {  	_ =	shalt  }
0x58: {  	_ =	shalt  }
0x59: {  	_ =	shalt  }
0x5a: {  	_ =	shalt  }
0x5b: {  	_ =	shalt  }
0x5c: {  	_ =	shalt  }
0x5d: {  	_ =	shalt  }
0x5e: {  	_ =	shalt  }
0x5f: {  	_ =	shalt  }
0x60: {  	_ =	shalt  }
0x61: {  	_ =	shalt  }
0x62: {  	_ =	shalt  }
0x63: {  	_ =	shalt  }
0x64: {  	_ =	shalt  }
0x65: {  	_ =	shalt  }
0x66: {  	_ =	shalt  }
0x67: {  	_ =	shalt  }
0x68: {  	_ =	shalt  }
0x69: {  	_ =	shalt  }
0x6a: {  	_ =	shalt  }
0x6b: {  	_ =	shalt  }
0x6c: {  	_ =	shalt  }
0x6d: {  	_ =	shalt  }
0x6e: {  	_ =	shalt  }
0x6f: {  	_ =	shalt  }
0x70: {  	_ =	shalt  }
0x71: {  	_ =	shalt  }
0x72: {  	_ =	shalt  }
0x73: {  	_ =	shalt  }
0x74: {  	_ =	shalt  }
0x75: {  	_ =	shalt  }
0x76: {  	_ =	shalt  }
0x77: {  	_ =	shalt  }
0x78: {  	_ =	shalt  }
0x79: {  	_ =	shalt  }
0x7a: {  	_ =	shalt  }
0x7b: {  	_ =	shalt  }
0x7c: {  	_ =	shalt  }
0x7d: {  	_ =	shalt  }
0x7e: {  	_ =	shalt  }
0x7f: {  	_ =	shalt  }
0x80: {  	_ =	shalt  }
0x81: {  	_ =	shalt  }
0x82: {  	_ =	shalt  }
0x83: {  	_ =	shalt  }
0x84: {  	_ =	shalt  }
0x85: {  	_ =	shalt  }
0x86: {  	_ =	shalt  }
0x87: {  	_ =	shalt  }
.Lfunc_end0:
.L_simem_size_0:
called_computation.3_lowered:
.L_overlay_start_0:
0x88: {  	s2 =	sld [smem:$0x3FD9]  }
0x89: {  	s3 =	sld [smem:$0x3FFE];
	_ =	sdelay $0x1  }
0x8a: {  	s1 =	srdreg.scid  }
0x8b: {  	s0 =	sand.u32 $0x1, s1  }
0x8c: {  	s17 =	sshll.u32 s0, $0xA;
	s2 =	sadd.s32 s3, s2  }
0x8d: {  	s2 =	sadd.s32 s2, s17  }
0x8e: {  	[smem:$0x3FBC] =	sst s2  }
0x8f: {  	_ = 	snop  }
0x90: {  	s2 =	sld [smem:$0x3FD0];
	(tm) =	ssettm $0x1  }
0x91: {  	s18 =	sld [smem:$0x3FFB];
	_ =	sdelay $0x3  }
0x92: {  	_ =	strace s18  }
0x93: {  	s3 =	sld [smem:$0x3FFC];
	_ =	sdelay $0x3  }
0x94: {  	_ =	strace s3  }
0x95: {  	s3 =	sld [smem:$0x3FFD];
	_ =	sdelay $0x3  }
0x96: {  	_ =	strace s3  }
0x97: {  	_ =	strace $0x8FFFFFFF  }
0x98: {  	s19 =	sld [smem:$0x3FDB];
	_ =	sdelay $0x1  }
0x99: {  	s4 =	simm.s32 $_scs_section_size  }
0x9a: {  	s5 =	simm.s32 $_size__tile_overlayer_lowered;
	s6 =	simm.s32 $_tile_overlayer_lowered  }
0x9b: {  	s22 =	simm.s32 $0x1BFF;
	s21 =	sshll.u32 s6, $0x1;
	s3 =	sadd.s32 s4, s19  }
0x9c: {  	s7 =	simm.s32 $0x0;
	s20 =	sshll.u32 s5, $0x1;
	s5 =	sadd.s32 s21, s3  }
0x9d: {  	[timem:s7], [sflag:s22] =	dma.local [hbm:s5], s20  }
0x9e: {  	_ =	swait.ge [sflag:s22], s20  }
0x9f: {  	s4 =	ssub.s32 $0x0, s20;
	[sflag:s22] =	ssyncset.done $0x0  }
0xa0: {  	[sflag:s22] =	ssyncadd.s32 s4;
	_ =	sdelay $0x1  }
0xa1: {  	s23 =	simm.s32 $0x1B8B  }
0xa2: {  	_ =	swait.ge [sflag:s23], $0x1  }
0xa3: {  	[sflag:s23] =	ssyncset.done $0x0  }
0xa4: {  	s25 =	simm.s32 $0x1B8E;
	s24 =	sld [smem:$0x3FFE];
	[sflag:s23] =	ssyncadd.s32 $0xFFFFFFFF  }
0xa5: {  	s26 =	simm.s32 $execute0_lowered;
	[smem:$0x3FD2] =	sst s25  }
0xa6: {  	s5 =	sshll.u32 s26, $0x1;
	_ =	strace $0x8000004F;
	[dreg:$0x1] =	wrdreg $0xFFFFFFFF  }
0xa7: {  	s28 =	simm.s32 $_size_execute0_lowered;
	s3 =	sadd.s32 s3, s5;
	[dreg:$0x0] =	wrdreg $0x0  }
0xa8: {  	s5 =	sshll.u32 s28, $0x1;
	[dreg:$0x2] =	wrdreg s3  }
0xa9: {  	[dreg:$0x3] =	wrdreg s5  }
0xaa: {  	[dreg:$0x4] =	wrdreg $0xC0  }
0xab: {  	_ =	task [dreg:s7], $0x5FFFF  }
0xac: {  	[dreg:$0x1] =	wrdreg $0xFFFFFFFF  }
0xad: {  	[dreg:$0x0] =	wrdreg $0x60  }
0xae: {  	[dreg:$0x2] =	wrdreg s24  }
0xaf: {  	[dreg:$0x3] =	wrdreg s2  }
0xb0: {  	[dreg:$0x4] =	wrdreg $0xA8000  }
0xb1: {  	[dreg:$0x5] =	wrdreg $0x9  }
0xb2: {  	_ =	task.clear_ibuf [dreg:s7], $0x6FFFF;
	_ =	strace $0x9000004F  }
0xb3: {  	s29 =	simm.s32 $0x9;
	_ =	strace $0x80000051  }
0xb4: {  	_ =	swait.ge [sflag:s29], $0x1  }
0xb5: {  	[sflag:s29] =	ssyncadd.s32 $0xFFFFFFFF  }
0xb6: {  	_ =	strace $0x90000051  }
0xb7: {  	_ =	sfence  }
0xb8: {  	s30 =	sld [smem:$0x0];
	_ =	sdelay $0x2  }
0xb9: {  	s31 =	sshll.u32 s1, $0xD;
	s1 =	sshrl.u32 s1, $0x2  }
0xba: {  	s3 =	sand.u32 $0x4000, s31;
	s1 =	sadd.s32 s1, s30  }
0xbb: {  	s0 =	sor.u32 s3, s0;
	s1 =	sshll.u32 s1, $0x11  }
0xbc: {  	s0 =	sor.u32 s1, s0  }
0xbd: {  	s0 =	sadd.s32 $0x8F2B, s0  }
0xbe: {  	[sflag:s0] =	ssyncadd.remote.s32 $0x1  }
0xbf: {  	_ =	sfence.sel $0xFFFF  }
0xc0: {  	[dreg:$0x0] =	wrdreg $0xFFFFFFFF;
	(pc) =	sbr.abs _section_cstart, $3  }
0xc1: {  	[dreg:$0x1] =	wrdreg $0xFFFFFFFF  }
0xc2: {  	_ =	task.clear_ibuf [dreg:s7], $0x2FFFF;
	_ =	strace $0x9FFFFFFF  }
0xc3: {  	(tm) =	ssettm $0x7FFFFFFF  }
tec
execute0_lowered:
.L_overlay_start_1:
0x0: {  	(tag) =	ssettag $0x1  }
0x1: {  	s5 =	rddreg [dreg:$0x0]  }
0x2: {  	s9 =	rddreg [dreg:$0x1]  }
0x3: {  	s0 =	srdreg.scid;
	s2 =	rddreg [dreg:$0x2]  }
0x4: {  	s3 =	simm.s32 $0x0;
	s17 =	simm.s32 $0x80;
	s18 =	simm.s32 $0x2800  }
0x5: {  	s19 =	simm.s32 $0x6800;
	s20 =	simm.s32 $0x1;
	s21 =	simm.s32 $0x2  }
0x6: {  	s22 =	simm.s32 $0x3;
	s6 =	sand.u32 $0x1, s0;
	s0 =	stileid.u32  }
0x7: {  	s23 =	simm.s32 $0x4;
	[smem:$0x7FF] =	sst s3;
	s7 =	smul.u32 $0x28000, s6  }
0x8: {  	s1 =	sshll.u32 s6, $0x4;
	s8 =	smul.u32 $0x50000, s0;
	s30 =	ssub.s32 $0x2, s6  }
0x9: {  	s24 =	smul.u32 $0x2800, s0;
	s4 =	sor.u32 s0, s1;
	s1 =	rddreg [dreg:$0x3]  }
0xa: {  	_ =	strace $0x80000050;
	s6 =	sshrl.u32 s30, $0x1;
	s10 =	smul.u32 $0x500, s4  }
0xb: {  	s4 =	sadd.s32 $0xE200, s5;
	s12 =	sadd.s32 s7, s5;
	s31 =	sshrl.u32 s8, $0x2  }
0xc: {  	s13 =	ssub.s32 s30, s6;
	s14 =	sadd.s32 s31, s2;
	s6 =	sadd.s32 s4, s24  }
0xd: {  	s25 =	sadd.s32 $0x36200, s12;
	s12 =	simm.s32 $0x6;
	s11 =	sadd.s32 s10, s5  }
0xe: {  	s5 =	sshll.u32 s0, $0x6;
	s9 =	sadd.s32 s9, s10;
	s10 =	smax.u32 s13, $0x1  }
0xf: {  	s13 =	simm.s32 $0x1400;
	s24 =	sadd.s32 s24, s25;
	s25 =	simm.s32 $0x0  }
0x10: {  	s7 =	sor.u32 $0x1C05, s5;
	s8 =	sadd.s32 $0x4200, s11;
	s11 =	sshrl.u32 s14, $0x3  }
0x11: {  	s14 =	simm.s32 $0x5;
	s16 =	sadd.s32 $0x280, s9;
	s15 =	sadd.s32 $0x280, s8  }
.LBB2_1:
0x12: {  	[spmem:s11], [sflag:s7] =	dma.local [hbm:s6], $0x2800  }
0x13: {  	[tilespmem:s3], [sflag:$0x6] =	stream.linear.gather [hbm4b:s8+s3], $0x1400, $0x38;
	[tilespmem:$0x1E800] =	vst v63  }
0x14: {  	_ =	swait.ge [sflag:s12], $0x1400  }
0x15: {  	[sflag:s12] =	ssyncset.done $0x0  }
0x16: {  	[sflag:s12] =	ssyncadd.s32 $0xFFFFEC00  }
0x17: {  	[tilespmem:s13], [sflag:$0x6] =	stream.linear.gather [hbm4b:s9+s3], $0x1400, $0x38;
	[tilespmem:$0x1E800] =	vst v63  }
0x18: {  	_ =	swait.ge [sflag:s12], $0x1400  }
0x19: {  	[sflag:s12] =	ssyncset.done $0x0  }
0x1a: {  	[sflag:s12] =	ssyncadd.s32 $0xFFFFEC00  }
0x1b: {  	_ =	swait.ge [sflag:s14], $0x2800  }
0x1c: {  	[sflag:s14] =	ssyncset.done $0x0  }
0x1d: {  	[sflag:s14] =	ssyncadd.s32 $0xFFFFD800  }
0x1e: {  	s26 =	simm.s32 $0x0;
	[bflag:$0x0] =	sbarrier.arrive $0xFFFF  }
0x1f: {  	[tilespmem:s18], [sflag:$0x1] =	stream.indirect.gather [hbm4b:s4+s17], $0x80, s26, s17, $0xb8;
	[tilespmem:$0x1E800] =	vst v63  }
0x20: {  	s29 =	simm.s32 $0x80  }
0x21: {  	[tilespmem:s19], [sflag:$0x2] =	stream.indirect.gather [hbm4b:s4+s17], $0x80, s29, s17, $0xb8;
	[tilespmem:$0x1E800] =	vst v63  }
0x22: {  	_ =	swait.ge [sflag:s20], $0x4000  }
0x23: {  	[sflag:s20] =	ssyncset.done $0x0  }
0x24: {  	s30 =	simm.s32 $0x1400;
	[sflag:s20] =	ssyncadd.s32 $0xFFFFC000  }
0x25: {  	[spmem:s2] =	stream.indirect.scatter.add.f32 [tilespmem:s18], [sflag:$0x3], $0x80, s30, s17, $0xb8;
	[tilespmem:$0x1E800] =	vst v63  }
0x26: {  	_ =	swait.ge [sflag:s21], $0x4000  }
0x27: {  	[sflag:s21] =	ssyncset.done $0x0  }
0x28: {  	s31 =	simm.s32 $0x1480;
	[sflag:s21] =	ssyncadd.s32 $0xFFFFC000  }
0x29: {  	[spmem:s2] =	stream.indirect.scatter.add.f32 [tilespmem:s19], [sflag:$0x4], $0x80, s31, s17, $0xb8;
	[tilespmem:$0x1E800] =	vst v63  }
0x2a: {  	_ =	swait.ge [sflag:s22], $0x4000  }
0x2b: {  	[sflag:s22] =	ssyncset.done $0x0  }
0x2c: {  	[sflag:s22] =	ssyncadd.s32 $0xFFFFC000  }
0x2d: {  	_ =	swait.ge [sflag:s23], $0x4000  }
0x2e: {  	s28 =	simm.s32 $0x800;
	s26 =	simm.s32 $0x400;
	[sflag:s23] =	ssyncset.done $0x0  }
.LBB2_2:
0x2f: {  	s29 =	sshra.s32 s26, $0x2  }
0x30: {  	[sflag:s23] =	ssyncadd.s32 $0xFFFFC000;
	s26 =	smov.u32 s28;
	s30 =	sadd.s32 $0x400, s28  }
0x31: {  	[tilespmem:s18], [sflag:$0x1] =	stream.indirect.gather [hbm4b:s4+s17], $0x80, s29, s17, $0xb8;
	[tilespmem:$0x1E800] =	vst v63  }
0x32: {  	p0 =	sne.s32 s28, $0x4C00;
	s28 =	sadd.s32 $0x80, s29  }
0x33: {  	[tilespmem:s19], [sflag:$0x2] =	stream.indirect.gather [hbm4b:s4+s17], $0x80, s28, s17, $0xb8;
	[tilespmem:$0x1E800] =	vst v63  }
0x34: {  	_ =	swait.ge [sflag:s20], $0x4000  }
0x35: {  	[sflag:s20] =	ssyncset.done $0x0  }
0x36: {  	s28 =	sadd.s32 $0x1400, s29;
	[sflag:s20] =	ssyncadd.s32 $0xFFFFC000  }
0x37: {  	[spmem:s2] =	stream.indirect.scatter.add.f32 [tilespmem:s18], [sflag:$0x3], $0x80, s28, s17, $0xb8;
	[tilespmem:$0x1E800] =	vst v63  }
0x38: {  	_ =	swait.ge [sflag:s21], $0x4000  }
0x39: {  	[sflag:s21] =	ssyncset.done $0x0  }
0x3a: {  	s28 =	sadd.s32 $0x1480, s29;
	[sflag:s21] =	ssyncadd.s32 $0xFFFFC000  }
0x3b: {  	[spmem:s2] =	stream.indirect.scatter.add.f32 [tilespmem:s19], [sflag:$0x4], $0x80, s28, s17, $0xb8;
	[tilespmem:$0x1E800] =	vst v63  }
.Ltmp0:
0x3c: {  	_ =	swait.ge [sflag:s22], $0x4000;
	(pc) =	sbr.rel @p0 .LBB2_2-.Ltmp0, $4  }
0x3d: {  	[sflag:s22] =	ssyncset.done $0x0  }
0x3e: {  	[sflag:s22] =	ssyncadd.s32 $0xFFFFC000  }
0x3f: {  	_ =	swait.ge [sflag:s23], $0x4000  }
0x40: {  	s28 =	smov.u32 s30;
	[sflag:s23] =	ssyncset.done $0x0  }
0x41: {  	s26 =	sshra.s32 s26, $0x2;
	[sflag:s23] =	ssyncadd.s32 $0xFFFFC000  }
0x42: {  	[tilespmem:s18], [sflag:$0x1] =	stream.indirect.gather [hbm4b:s4+s17], $0x80, s26, s17, $0xb8;
	[tilespmem:$0x1E800] =	vst v63  }
0x43: {  	s28 =	sadd.s32 $0x80, s26  }
0x44: {  	[tilespmem:s19], [sflag:$0x2] =	stream.indirect.gather [hbm4b:s4+s17], $0x80, s28, s17, $0xb8;
	[tilespmem:$0x1E800] =	vst v63  }
0x45: {  	_ =	swait.ge [sflag:s20], $0x4000  }
0x46: {  	[sflag:s20] =	ssyncset.done $0x0  }
0x47: {  	s28 =	sadd.s32 $0x1400, s26;
	[sflag:s20] =	ssyncadd.s32 $0xFFFFC000  }
0x48: {  	[spmem:s2] =	stream.indirect.scatter.add.f32 [tilespmem:s18], [sflag:$0x3], $0x80, s28, s17, $0xb8;
	[tilespmem:$0x1E800] =	vst v63  }
0x49: {  	_ =	swait.ge [sflag:s21], $0x4000  }
0x4a: {  	[sflag:s21] =	ssyncset.done $0x0  }
0x4b: {  	s26 =	sadd.s32 $0x1480, s26;
	[sflag:s21] =	ssyncadd.s32 $0xFFFFC000  }
0x4c: {  	[spmem:s2] =	stream.indirect.scatter.add.f32 [tilespmem:s19], [sflag:$0x4], $0x80, s26, s17, $0xb8;
	[tilespmem:$0x1E800] =	vst v63  }
0x4d: {  	_ =	swait.ge [sflag:s22], $0x4000  }
0x4e: {  	[sflag:s22] =	ssyncset.done $0x0  }
0x4f: {  	[sflag:s22] =	ssyncadd.s32 $0xFFFFC000  }
0x50: {  	_ =	swait.ge [sflag:s23], $0x4000  }
0x51: {  	[sflag:s23] =	ssyncset.done $0x0  }
0x52: {  	s30 =	simm.s32 $0x0;
	[sflag:s23] =	ssyncadd.s32 $0xFFFFC000  }
0x53: {  	[tilespmem:s30], [sflag:$0x6] =	stream.linear.gather [hbm4b:s15+s30], $0x1400, $0x38;
	[tilespmem:$0x1E800] =	vst v63  }
0x54: {  	_ =	swait.ge [sflag:s12], $0x1400  }
0x55: {  	[sflag:s12] =	ssyncset.done $0x0  }
0x56: {  	[sflag:s12] =	ssyncadd.s32 $0xFFFFEC00  }
0x57: {  	[tilespmem:s13], [sflag:$0x6] =	stream.linear.gather [hbm4b:s16+s30], $0x1400, $0x38;
	[tilespmem:$0x1E800] =	vst v63  }
0x58: {  	_ =	swait.ge [sflag:s12], $0x1400  }
0x59: {  	[sflag:s12] =	ssyncset.done $0x0  }
0x5a: {  	s31 =	simm.s32 $0x0;
	[sflag:s12] =	ssyncadd.s32 $0xFFFFEC00  }
0x5b: {  	[tilespmem:s18], [sflag:$0x1] =	stream.indirect.gather [hbm4b:s4+s17], $0x80, s31, s17, $0xb8;
	[tilespmem:$0x1E800] =	vst v63  }
0x5c: {  	s29 =	simm.s32 $0x80  }
0x5d: {  	[tilespmem:s19], [sflag:$0x2] =	stream.indirect.gather [hbm4b:s4+s17], $0x80, s29, s17, $0xb8;
	[tilespmem:$0x1E800] =	vst v63  }
0x5e: {  	_ =	swait.ge [sflag:s20], $0x4000  }
0x5f: {  	[sflag:s20] =	ssyncset.done $0x0  }
0x60: {  	s30 =	simm.s32 $0x1400;
	[sflag:s20] =	ssyncadd.s32 $0xFFFFC000  }
0x61: {  	[spmem:s2] =	stream.indirect.scatter.add.f32 [tilespmem:s18], [sflag:$0x3], $0x80, s30, s17, $0xb8;
	[tilespmem:$0x1E800] =	vst v63  }
0x62: {  	_ =	swait.ge [sflag:s21], $0x4000  }
0x63: {  	[sflag:s21] =	ssyncset.done $0x0  }
0x64: {  	s31 =	simm.s32 $0x1480;
	[sflag:s21] =	ssyncadd.s32 $0xFFFFC000  }
0x65: {  	[spmem:s2] =	stream.indirect.scatter.add.f32 [tilespmem:s19], [sflag:$0x4], $0x80, s31, s17, $0xb8;
	[tilespmem:$0x1E800] =	vst v63  }
0x66: {  	_ =	swait.ge [sflag:s22], $0x4000  }
0x67: {  	[sflag:s22] =	ssyncset.done $0x0  }
0x68: {  	[sflag:s22] =	ssyncadd.s32 $0xFFFFC000  }
0x69: {  	_ =	swait.ge [sflag:s23], $0x4000  }
0x6a: {  	s28 =	simm.s32 $0x800;
	s26 =	simm.s32 $0x400;
	[sflag:s23] =	ssyncset.done $0x0  }
.LBB2_4:
0x6b: {  	s29 =	sshra.s32 s26, $0x2  }
0x6c: {  	[sflag:s23] =	ssyncadd.s32 $0xFFFFC000;
	s26 =	smov.u32 s28;
	s30 =	sadd.s32 $0x400, s28  }
0x6d: {  	[tilespmem:s18], [sflag:$0x1] =	stream.indirect.gather [hbm4b:s4+s17], $0x80, s29, s17, $0xb8;
	[tilespmem:$0x1E800] =	vst v63  }
0x6e: {  	p0 =	sne.s32 s28, $0x4C00;
	s28 =	sadd.s32 $0x80, s29  }
0x6f: {  	[tilespmem:s19], [sflag:$0x2] =	stream.indirect.gather [hbm4b:s4+s17], $0x80, s28, s17, $0xb8;
	[tilespmem:$0x1E800] =	vst v63  }
0x70: {  	_ =	swait.ge [sflag:s20], $0x4000  }
0x71: {  	[sflag:s20] =	ssyncset.done $0x0  }
0x72: {  	s28 =	sadd.s32 $0x1400, s29;
	[sflag:s20] =	ssyncadd.s32 $0xFFFFC000  }
0x73: {  	[spmem:s2] =	stream.indirect.scatter.add.f32 [tilespmem:s18], [sflag:$0x3], $0x80, s28, s17, $0xb8;
	[tilespmem:$0x1E800] =	vst v63  }
0x74: {  	_ =	swait.ge [sflag:s21], $0x4000  }
0x75: {  	[sflag:s21] =	ssyncset.done $0x0  }
0x76: {  	s28 =	sadd.s32 $0x1480, s29;
	[sflag:s21] =	ssyncadd.s32 $0xFFFFC000  }
0x77: {  	[spmem:s2] =	stream.indirect.scatter.add.f32 [tilespmem:s19], [sflag:$0x4], $0x80, s28, s17, $0xb8;
	[tilespmem:$0x1E800] =	vst v63  }
.Ltmp1:
0x78: {  	_ =	swait.ge [sflag:s22], $0x4000;
	(pc) =	sbr.rel @p0 .LBB2_4-.Ltmp1, $4  }
0x79: {  	[sflag:s22] =	ssyncset.done $0x0  }
0x7a: {  	[sflag:s22] =	ssyncadd.s32 $0xFFFFC000  }
0x7b: {  	_ =	swait.ge [sflag:s23], $0x4000  }
0x7c: {  	s28 =	smov.u32 s30;
	[sflag:s23] =	ssyncset.done $0x0  }
0x7d: {  	s26 =	sshra.s32 s26, $0x2;
	[sflag:s23] =	ssyncadd.s32 $0xFFFFC000  }
0x7e: {  	[tilespmem:s18], [sflag:$0x1] =	stream.indirect.gather [hbm4b:s4+s17], $0x80, s26, s17, $0xb8;
	[tilespmem:$0x1E800] =	vst v63  }
0x7f: {  	s28 =	sadd.s32 $0x80, s26  }
0x80: {  	[tilespmem:s19], [sflag:$0x2] =	stream.indirect.gather [hbm4b:s4+s17], $0x80, s28, s17, $0xb8;
	[tilespmem:$0x1E800] =	vst v63  }
0x81: {  	_ =	swait.ge [sflag:s20], $0x4000  }
0x82: {  	[sflag:s20] =	ssyncset.done $0x0  }
0x83: {  	s30 =	sadd.s32 $0x1400, s26;
	[sflag:s20] =	ssyncadd.s32 $0xFFFFC000  }
0x84: {  	[spmem:s2] =	stream.indirect.scatter.add.f32 [tilespmem:s18], [sflag:$0x3], $0x80, s30, s17, $0xb8;
	[tilespmem:$0x1E800] =	vst v63  }
0x85: {  	_ =	swait.ge [sflag:s21], $0x4000  }
0x86: {  	[sflag:s21] =	ssyncset.done $0x0  }
0x87: {  	s26 =	sadd.s32 $0x1480, s26;
	[sflag:s21] =	ssyncadd.s32 $0xFFFFC000  }
0x88: {  	[spmem:s2] =	stream.indirect.scatter.add.f32 [tilespmem:s19], [sflag:$0x4], $0x80, s26, s17, $0xb8;
	[tilespmem:$0x1E800] =	vst v63  }
0x89: {  	_ =	swait.ge [sflag:s22], $0x4000  }
0x8a: {  	[sflag:s22] =	ssyncset.done $0x0  }
0x8b: {  	[sflag:s22] =	ssyncadd.s32 $0xFFFFC000  }
0x8c: {  	_ =	swait.ge [sflag:s23], $0x4000  }
0x8d: {  	s25 =	sadd.s32 $0x1, s25;
	[sflag:s23] =	ssyncset.done $0x0  }
0x8e: {  	p0 =	sne.s32 s25, s10;
	[sflag:s23] =	ssyncadd.s32 $0xFFFFC000  }
.Ltmp2:
0x8f: {  	s31 =	sor.u32 $0x1C06, s5;
	[bflag:$0x0] =	sbarrier.arrive $0xFFFF;
	(pc) =	sbr.rel @p0 .LBB2_1-.Ltmp2, $4  }
0x90: {  	[hbm:s24], [sflag:s31] =	dma.local [spmem:s11], $0x2800  }
0x91: {  	_ =	swait.ge [sflag:s12], $0x2800  }
0x92: {  	[sflag:s12] =	ssyncset.done $0x0  }
0x93: {  	[sflag:s12] =	ssyncadd.s32 $0xFFFFD800  }
0x94: {  	_ =	sfence.sel $0x180000  }
0x95: {  	[bflag:$0x0] =	sbarrier.arrive $0xFFFF  }
0x96: {  	p0 =	sne.s32 s0, $0x0;
	_ =	strace $0x90000050  }
0x97: {  	s0 =	sadd.s32 @!p0 $0x100000, s1;
	[bflag:$0x2] =	sbarrier.arrive $0xFFFF  }
0x98: {  	[sflag:s0] =	ssyncadd.tile.s32 @!p0 $0x1;
	_ =	shalt  }
.Lfunc_end2:
_tile_overlayer_lowered:
.L_overlay_start_2:
0x99: {  	(tag) =	ssettag $0x2  }
0x9a: {  	s0 =	rddreg [dreg:$0x0];
	s2 =	stileid.u32  }
0x9b: {  	s1 =	rddreg [dreg:$0x1];
	p0 =	sne.s32 s2, $0x0  }
0x9c: {  	s3 =	rddreg [dreg:$0x2];
	[bflag:$0x3] =	sbarrier.arrive $0xFFFF;
	s2 =	simm.s32 @!p0 $0x1C06  }
0x9d: {  	[timem:s3], [sflag:s2] =	dma.local @!p0 [hbm:s0], s1  }
0x9e: {  	s0 =	simm.s32 @!p0 $0x6  }
0x9f: {  	_ =	swait.ge @!p0 [sflag:s0], s1  }
0xa0: {  	s1 =	ssub.s32 @!p0 $0x0, s1;
	[sflag:s0] =	ssyncset.done @!p0 $0x0  }
0xa1: {  	[sflag:s0] =	ssyncadd.s32 @!p0 s1  }
0xa2: {  	[bflag:$0x3] =	sbarrier.arrive $0xFFFF  }
0xa3: {  	_ =	shalt  }

</sc_bundles>
